<compile_context>
chip_gen: v7x
topology: tpu7x:2x2x1
jax: 0.10.2.dev20260603
libtpu: 0.0.44.dev20260713+nightly
codegen_flags: <defaults>
</compile_context>

<pallas_src>
import functools

import numpy as np
import jax
import jax.numpy as jnp
from jax import lax
from jax.experimental import pallas as pl
from jax.experimental.pallas import tpu as pltpu
from jax.experimental.pallas import tpu_sc as plsc

_B, _N, _D, _H, _W, _C = 2, 6, 59, 16, 44, 80
_NP = _B * _N * _D * _H * _W
_NPB = _NP // _B
_XG, _YG, _ZG = 128, 128, 1
_ROWS = _XG * _YG
_PAD_ROWS = 16
_ACC_ROWS = _ROWS + _PAD_ROWS
_BLK = 176
_NG = _BLK // 16
_BPI = _H * _W // _BLK
_NBLK = _NPB // _BLK
_NTILES = 16
_OUTER = 30
_WB_ROWS = _ROWS // _NTILES
_ZERO_ROWS = _ACC_ROWS // _NTILES
_NSLOT = 3

_DX = np.array([0.8, 0.8, 8.0], dtype=np.float32)
_BX = np.array([-51.2 + 0.4, -51.2 + 0.4, -5.0 + 4.0], dtype=np.float32)
_C0 = _BX - _DX / np.float32(2.0)

_mesh = plsc.VectorSubcoreMesh(core_axis_name="c", subcore_axis_name="s")

_scratch = (
    [pltpu.VMEM((_NSLOT, 3, _BLK), jnp.float32)]
    + [pltpu.VMEM((_NSLOT, _BLK, _C), jnp.float32)]
    + [pltpu.VMEM((_NSLOT, _BLK), jnp.int32)]
    + [pltpu.VMEM_SHARED((_ACC_ROWS, _C), jnp.float32)]
    + [pltpu.SemaphoreType.DMA] * (3 * _NSLOT)
)


@functools.partial(
    pl.kernel,
    mesh=_mesh,
    out_type=jax.ShapeDtypeStruct((_B, _ROWS, _C), jnp.float32),
    scratch_types=_scratch,
    compiler_params=pltpu.CompilerParams(use_tc_tiling_on_sc=False),
)
def _bev_pool_sc(gT_hbm, xP_hbm, zeros_hbm, out_hbm, gbuf, fbuf, ibuf, acc, *sems):
    gsem = sems[0:_NSLOT]
    fsem = sems[_NSLOT:2 * _NSLOT]
    ssem = sems[2 * _NSLOT:3 * _NSLOT]
    c = lax.axis_index("c")
    s = lax.axis_index("s")

    zbase = s * _ZERO_ROWS
    for r in range(_ZERO_ROWS // 128):
        pltpu.sync_copy(zeros_hbm, acc.at[pl.ds(zbase + r * 128, 128)])
    rem = _ZERO_ROWS % 128
    if rem:
        pltpu.sync_copy(zeros_hbm.at[pl.ds(0, rem)],
                        acc.at[pl.ds(zbase + _ZERO_ROWS - rem, rem)])
    plsc.subcore_barrier()

    def _gathers(m, b):
        lb = s + _NTILES * m
        gb = c * _NBLK + lb
        img = lb >> 2
        n = (img * 1111) >> 16
        d = img - n * 59
        p0 = (lb & (_BPI - 1)) * _BLK
        return [
            pltpu.make_async_copy(
                gT_hbm.at[:, pl.ds(gb * _BLK, _BLK)], gbuf.at[b], gsem[b]),
            pltpu.make_async_copy(
                xP_hbm.at[c, n, d, pl.ds(p0, _BLK)], fbuf.at[b], fsem[b]),
        ]

    def _scatter(b):
        return pltpu.make_async_copy(fbuf.at[b], acc.at[ibuf.at[b]], ssem[b])

    for b in range(_NSLOT - 1):
        for d in _gathers(b, b):
            d.start()

    def outer(i, carry):
        for b in range(_NSLOT):
            m = i * _NSLOT + b
            lb = s + _NTILES * m

            @pl.when(lb < _NBLK)
            def _(b=b, m=m):
                for d in _gathers(m, b):
                    d.wait()
                for j in range(_NG):
                    sl = pl.ds(j * 16, 16)
                    ix = ((gbuf[b, 0, sl] - _C0[0]) / _DX[0]).astype(jnp.int32)
                    iy = ((gbuf[b, 1, sl] - _C0[1]) / _DX[1]).astype(jnp.int32)
                    iz = ((gbuf[b, 2, sl] - _C0[2]) / _DX[2]).astype(jnp.int32)
                    kept = ((ix >= 0) & (ix < _XG) & (iy >= 0) & (iy < _YG)
                            & (iz >= 0) & (iz < _ZG))
                    ibuf[b, sl] = jnp.where(kept, ix * _YG + iy, _ROWS + s)
                _scatter(b).start(add=True)

            bn = (b + 2) % _NSLOT
            lbd = s + _NTILES * (m - 1)
            lbp = s + _NTILES * (m + 2)

            @pl.when((m >= 1) & (lbd < _NBLK))
            def _(bn=bn):
                _scatter(bn).wait()

            @pl.when(lbp < _NBLK)
            def _(bn=bn, mp=m + 2):
                for d in _gathers(mp, bn):
                    d.start()

        return carry

    lax.fori_loop(0, _OUTER, outer, 0)
    plsc.subcore_barrier()

    wb = s * _WB_ROWS
    pltpu.sync_copy(acc.at[pl.ds(wb, _WB_ROWS)],
                    out_hbm.at[c, pl.ds(wb, _WB_ROWS)])


def kernel(geom_feats, x):
    B, N, D, H, W, C = x.shape
    assert (B, N, D, H, W, C) == (_B, _N, _D, _H, _W, _C)
    xP = jnp.transpose(x, (0, 1, 2, 4, 3, 5)).reshape(_B, _N, _D, H * W, C)
    gT = jnp.transpose(geom_feats, (5, 0, 1, 2, 4, 3)).reshape(3, _NP)
    zeros = jnp.zeros((128, C), jnp.float32)
    out = _bev_pool_sc(gT, xP, zeros)
    return out.reshape(B, _XG, _YG, C).transpose(0, 3, 1, 2)

# --- scband reference (transcript-rebuilt; emitter-appended) ---
"""Pipeline reference for scband-base-transform-standalone-16054587753036 (READ-ONLY COPY).

The authoritative reference and input builder live on the scoring server;
editing this copy changes nothing except your own understanding.
"""

import jax, jax.numpy as jnp
import numpy as np

# BEVFusion-style LSS config (nuScenes): pc_range=[-51.2,-51.2,-5,51.2,51.2,3], voxel=[0.8,0.8,8]
DX = np.array([0.8, 0.8, 8.0], dtype=np.float32)
BX = np.array([-51.2 + 0.4, -51.2 + 0.4, -5.0 + 4.0], dtype=np.float32)
NX = np.array([128, 128, 1], dtype=np.int64)  # (X, Y, Z)


def setup_inputs(seed: int = 0) -> dict:
    key = jax.random.key(seed)
    k1, k2 = jax.random.split(key)
    # geom_feats: ego-frame xyz of lifted camera frustum points (B,N,D,fH,fW,3)
    geom_feats = jax.random.normal(k1, (2, 6, 59, 16, 44, 3), dtype=jnp.float32)
    # x: per-point camera features (B,N,D,fH,fW,C)
    x = jax.random.uniform(k2, (2, 6, 59, 16, 44, 80), dtype=jnp.float32)
    return {"geom_feats": geom_feats, "x": x}


def reference(geom_feats, x):
    # Faithful port of BaseTransformStandalone.bev_pool + bev_pool_pytorch
    B, N, D, H, W, C = x.shape
    X, Y, Z = int(NX[0]), int(NX[1]), int(NX[2])
    Nprime = B * N * D * H * W
    xf = x.reshape(Nprime, C)
    dx = jnp.asarray(DX)
    bx = jnp.asarray(BX)
    # quantize to voxel indices; torch .long() truncates toward zero -> astype int32 matches
    g = ((geom_feats - (bx - dx / 2.0)) / dx).astype(jnp.int32).reshape(Nprime, 3)
    bi = jnp.repeat(jnp.arange(B, dtype=jnp.int32), Nprime // B)
    gx, gy, gz = g[:, 0], g[:, 1], g[:, 2]
    kept = (gx >= 0) & (gx < X) & (gy >= 0) & (gy < Y) & (gz >= 0) & (gz < Z)
    bev_idx = bi * (Z * X * Y) + gz * (X * Y) + gx * Y + gy
    bev_idx = jnp.where(kept, bev_idx, 0)
    feats = jnp.where(kept[:, None], xf, jnp.zeros_like(xf))
    # scatter-add into flattened BEV grid (segment reduce)
    out = jnp.zeros((B * Z * X * Y, C), dtype=x.dtype).at[bev_idx].add(feats)
    out = out.reshape(B, Z, X, Y, C).transpose(0, 4, 1, 2, 3)  # (B,C,Z,X,Y)
    # torch.cat(x.unbind(dim=2), 1) -> collapse Z into channels
    return jnp.concatenate([out[:, :, z] for z in range(Z)], axis=1)

if __name__ == "__main__":
    import jax
    _d = setup_inputs()
    print(jax.jit(kernel)(*tuple(_d.values())))

</pallas_src>

<mosaic_0001>
#map = affine_map<(d0, d1) -> (0, 0)>
#map1 = affine_map<(d0, d1) -> (0, 0, 0, 0, 0)>
#map2 = affine_map<(d0, d1) -> (0, 0, 0)>
module attributes {stable_mosaic.version = 14 : i64} {
  func.func @_bev_pool_sc(%arg0: i32, %arg1: i32, %arg2: memref<3x498432xf32, #tpu.memory_space<hbm>>, %arg3: memref<2x6x59x704x80xf32, #tpu.memory_space<hbm>>, %arg4: memref<128x80xf32, #tpu.memory_space<hbm>>, %arg5: memref<2x16384x80xf32, #tpu.memory_space<hbm>>, %arg6: memref<3x3x176xf32, #tpu.memory_space<vmem>>, %arg7: memref<3x176x80xf32, #tpu.memory_space<vmem>>, %arg8: memref<3x176xi32, #tpu.memory_space<vmem>>, %arg9: memref<16400x80xf32, #tpu.memory_space<vmem_shared>>, %arg10: memref<!tpu.dma_semaphore, #tpu.memory_space<semaphore_mem>>, %arg11: memref<!tpu.dma_semaphore, #tpu.memory_space<semaphore_mem>>, %arg12: memref<!tpu.dma_semaphore, #tpu.memory_space<semaphore_mem>>, %arg13: memref<!tpu.dma_semaphore, #tpu.memory_space<semaphore_mem>>, %arg14: memref<!tpu.dma_semaphore, #tpu.memory_space<semaphore_mem>>, %arg15: memref<!tpu.dma_semaphore, #tpu.memory_space<semaphore_mem>>, %arg16: memref<!tpu.dma_semaphore, #tpu.memory_space<semaphore_mem>>, %arg17: memref<!tpu.dma_semaphore, #tpu.memory_space<semaphore_mem>>, %arg18: memref<!tpu.dma_semaphore, #tpu.memory_space<semaphore_mem>>) attributes {dimension_semantics = [#tpu.dimension_semantics<core_parallel>, #tpu.dimension_semantics<subcore_parallel>], iteration_bounds = array<i64: 2, 16>, scalar_prefetch = 0 : i64, scratch_operands = 13 : i64, tpu.core_type = #tpu.core_type<sc_vector_subcore>, window_params = [{transform_indices = #map}, {transform_indices = #map1}, {transform_indices = #map}, {transform_indices = #map2}]} {
    %mul3A = arith.constant 1025 : i32
    %mul3A_0 = arith.muli %arg1, %mul3A : i32
    %add3A = arith.constant 0 : i32
    %add3A_1 = arith.addi %mul3A_0, %add3A : i32
    "tpu.region"() ({
      %run_scoped3A = tpu.sem_alloc : memref<!tpu.dma_semaphore, #tpu.memory_space<semaphore_mem>>
      %dma_start3A_120 = arith.constant 0 : i32
      %dma_start3A_121 = tpu.memref_slice %arg9[%add3A_1, %dma_start3A_120] : memref<16400x80xf32, #tpu.memory_space<vmem_shared>> -> memref<128x80xf32, #tpu.memory_space<vmem_shared>>
      tpu.enqueue_dma source(%arg4 : memref<128x80xf32, #tpu.memory_space<hbm>>) target(%dma_start3A_121 : memref<128x80xf32, #tpu.memory_space<vmem_shared>>) target_semaphore(%run_scoped3A : memref<!tpu.dma_semaphore, #tpu.memory_space<semaphore_mem>>)
      %dma_wait3A = arith.constant 0 : i32
      %dma_wait3A_122 = tpu.memref_slice %arg9[%add3A_1, %dma_wait3A] : memref<16400x80xf32, #tpu.memory_space<vmem_shared>> -> memref<128x80xf32, #tpu.memory_space<vmem_shared>>
      tpu.wait_dma2 semaphore(%run_scoped3A : memref<!tpu.dma_semaphore, #tpu.memory_space<semaphore_mem>>) src(%arg4 : memref<128x80xf32, #tpu.memory_space<hbm>>) dst(%dma_wait3A_122 : memref<128x80xf32, #tpu.memory_space<vmem_shared>>)
      tpu.yield
    }) : () -> ()
    %add3A_2 = arith.constant 128 : i32
    %add3A_3 = arith.addi %mul3A_0, %add3A_2 : i32
    "tpu.region"() ({
      %run_scoped3A = tpu.sem_alloc : memref<!tpu.dma_semaphore, #tpu.memory_space<semaphore_mem>>
      %dma_start3A_120 = arith.constant 0 : i32
      %dma_start3A_121 = tpu.memref_slice %arg9[%add3A_3, %dma_start3A_120] : memref<16400x80xf32, #tpu.memory_space<vmem_shared>> -> memref<128x80xf32, #tpu.memory_space<vmem_shared>>
      tpu.enqueue_dma source(%arg4 : memref<128x80xf32, #tpu.memory_space<hbm>>) target(%dma_start3A_121 : memref<128x80xf32, #tpu.memory_space<vmem_shared>>) target_semaphore(%run_scoped3A : memref<!tpu.dma_semaphore, #tpu.memory_space<semaphore_mem>>)
      %dma_wait3A = arith.constant 0 : i32
      %dma_wait3A_122 = tpu.memref_slice %arg9[%add3A_3, %dma_wait3A] : memref<16400x80xf32, #tpu.memory_space<vmem_shared>> -> memref<128x80xf32, #tpu.memory_space<vmem_shared>>
      tpu.wait_dma2 semaphore(%run_scoped3A : memref<!tpu.dma_semaphore, #tpu.memory_space<semaphore_mem>>) src(%arg4 : memref<128x80xf32, #tpu.memory_space<hbm>>) dst(%dma_wait3A_122 : memref<128x80xf32, #tpu.memory_space<vmem_shared>>)
      tpu.yield
    }) : () -> ()
    %add3A_4 = arith.constant 256 : i32
    %add3A_5 = arith.addi %mul3A_0, %add3A_4 : i32
    "tpu.region"() ({
      %run_scoped3A = tpu.sem_alloc : memref<!tpu.dma_semaphore, #tpu.memory_space<semaphore_mem>>
      %dma_start3A_120 = arith.constant 0 : i32
      %dma_start3A_121 = tpu.memref_slice %arg9[%add3A_5, %dma_start3A_120] : memref<16400x80xf32, #tpu.memory_space<vmem_shared>> -> memref<128x80xf32, #tpu.memory_space<vmem_shared>>
      tpu.enqueue_dma source(%arg4 : memref<128x80xf32, #tpu.memory_space<hbm>>) target(%dma_start3A_121 : memref<128x80xf32, #tpu.memory_space<vmem_shared>>) target_semaphore(%run_scoped3A : memref<!tpu.dma_semaphore, #tpu.memory_space<semaphore_mem>>)
      %dma_wait3A = arith.constant 0 : i32
      %dma_wait3A_122 = tpu.memref_slice %arg9[%add3A_5, %dma_wait3A] : memref<16400x80xf32, #tpu.memory_space<vmem_shared>> -> memref<128x80xf32, #tpu.memory_space<vmem_shared>>
      tpu.wait_dma2 semaphore(%run_scoped3A : memref<!tpu.dma_semaphore, #tpu.memory_space<semaphore_mem>>) src(%arg4 : memref<128x80xf32, #tpu.memory_space<hbm>>) dst(%dma_wait3A_122 : memref<128x80xf32, #tpu.memory_space<vmem_shared>>)
      tpu.yield
    }) : () -> ()
    %add3A_6 = arith.constant 384 : i32
    %add3A_7 = arith.addi %mul3A_0, %add3A_6 : i32
    "tpu.region"() ({
      %run_scoped3A = tpu.sem_alloc : memref<!tpu.dma_semaphore, #tpu.memory_space<semaphore_mem>>
      %dma_start3A_120 = arith.constant 0 : i32
      %dma_start3A_121 = tpu.memref_slice %arg9[%add3A_7, %dma_start3A_120] : memref<16400x80xf32, #tpu.memory_space<vmem_shared>> -> memref<128x80xf32, #tpu.memory_space<vmem_shared>>
      tpu.enqueue_dma source(%arg4 : memref<128x80xf32, #tpu.memory_space<hbm>>) target(%dma_start3A_121 : memref<128x80xf32, #tpu.memory_space<vmem_shared>>) target_semaphore(%run_scoped3A : memref<!tpu.dma_semaphore, #tpu.memory_space<semaphore_mem>>)
      %dma_wait3A = arith.constant 0 : i32
      %dma_wait3A_122 = tpu.memref_slice %arg9[%add3A_7, %dma_wait3A] : memref<16400x80xf32, #tpu.memory_space<vmem_shared>> -> memref<128x80xf32, #tpu.memory_space<vmem_shared>>
      tpu.wait_dma2 semaphore(%run_scoped3A : memref<!tpu.dma_semaphore, #tpu.memory_space<semaphore_mem>>) src(%arg4 : memref<128x80xf32, #tpu.memory_space<hbm>>) dst(%dma_wait3A_122 : memref<128x80xf32, #tpu.memory_space<vmem_shared>>)
      tpu.yield
    }) : () -> ()
    %add3A_8 = arith.constant 512 : i32
    %add3A_9 = arith.addi %mul3A_0, %add3A_8 : i32
    "tpu.region"() ({
      %run_scoped3A = tpu.sem_alloc : memref<!tpu.dma_semaphore, #tpu.memory_space<semaphore_mem>>
      %dma_start3A_120 = arith.constant 0 : i32
      %dma_start3A_121 = tpu.memref_slice %arg9[%add3A_9, %dma_start3A_120] : memref<16400x80xf32, #tpu.memory_space<vmem_shared>> -> memref<128x80xf32, #tpu.memory_space<vmem_shared>>
      tpu.enqueue_dma source(%arg4 : memref<128x80xf32, #tpu.memory_space<hbm>>) target(%dma_start3A_121 : memref<128x80xf32, #tpu.memory_space<vmem_shared>>) target_semaphore(%run_scoped3A : memref<!tpu.dma_semaphore, #tpu.memory_space<semaphore_mem>>)
      %dma_wait3A = arith.constant 0 : i32
      %dma_wait3A_122 = tpu.memref_slice %arg9[%add3A_9, %dma_wait3A] : memref<16400x80xf32, #tpu.memory_space<vmem_shared>> -> memref<128x80xf32, #tpu.memory_space<vmem_shared>>
      tpu.wait_dma2 semaphore(%run_scoped3A : memref<!tpu.dma_semaphore, #tpu.memory_space<semaphore_mem>>) src(%arg4 : memref<128x80xf32, #tpu.memory_space<hbm>>) dst(%dma_wait3A_122 : memref<128x80xf32, #tpu.memory_space<vmem_shared>>)
      tpu.yield
    }) : () -> ()
    %add3A_10 = arith.constant 640 : i32
    %add3A_11 = arith.addi %mul3A_0, %add3A_10 : i32
    "tpu.region"() ({
      %run_scoped3A = tpu.sem_alloc : memref<!tpu.dma_semaphore, #tpu.memory_space<semaphore_mem>>
      %dma_start3A_120 = arith.constant 0 : i32
      %dma_start3A_121 = tpu.memref_slice %arg9[%add3A_11, %dma_start3A_120] : memref<16400x80xf32, #tpu.memory_space<vmem_shared>> -> memref<128x80xf32, #tpu.memory_space<vmem_shared>>
      tpu.enqueue_dma source(%arg4 : memref<128x80xf32, #tpu.memory_space<hbm>>) target(%dma_start3A_121 : memref<128x80xf32, #tpu.memory_space<vmem_shared>>) target_semaphore(%run_scoped3A : memref<!tpu.dma_semaphore, #tpu.memory_space<semaphore_mem>>)
      %dma_wait3A = arith.constant 0 : i32
      %dma_wait3A_122 = tpu.memref_slice %arg9[%add3A_11, %dma_wait3A] : memref<16400x80xf32, #tpu.memory_space<vmem_shared>> -> memref<128x80xf32, #tpu.memory_space<vmem_shared>>
      tpu.wait_dma2 semaphore(%run_scoped3A : memref<!tpu.dma_semaphore, #tpu.memory_space<semaphore_mem>>) src(%arg4 : memref<128x80xf32, #tpu.memory_space<hbm>>) dst(%dma_wait3A_122 : memref<128x80xf32, #tpu.memory_space<vmem_shared>>)
      tpu.yield
    }) : () -> ()
    %add3A_12 = arith.constant 768 : i32
    %add3A_13 = arith.addi %mul3A_0, %add3A_12 : i32
    "tpu.region"() ({
      %run_scoped3A = tpu.sem_alloc : memref<!tpu.dma_semaphore, #tpu.memory_space<semaphore_mem>>
      %dma_start3A_120 = arith.constant 0 : i32
      %dma_start3A_121 = tpu.memref_slice %arg9[%add3A_13, %dma_start3A_120] : memref<16400x80xf32, #tpu.memory_space<vmem_shared>> -> memref<128x80xf32, #tpu.memory_space<vmem_shared>>
      tpu.enqueue_dma source(%arg4 : memref<128x80xf32, #tpu.memory_space<hbm>>) target(%dma_start3A_121 : memref<128x80xf32, #tpu.memory_space<vmem_shared>>) target_semaphore(%run_scoped3A : memref<!tpu.dma_semaphore, #tpu.memory_space<semaphore_mem>>)
      %dma_wait3A = arith.constant 0 : i32
      %dma_wait3A_122 = tpu.memref_slice %arg9[%add3A_13, %dma_wait3A] : memref<16400x80xf32, #tpu.memory_space<vmem_shared>> -> memref<128x80xf32, #tpu.memory_space<vmem_shared>>
      tpu.wait_dma2 semaphore(%run_scoped3A : memref<!tpu.dma_semaphore, #tpu.memory_space<semaphore_mem>>) src(%arg4 : memref<128x80xf32, #tpu.memory_space<hbm>>) dst(%dma_wait3A_122 : memref<128x80xf32, #tpu.memory_space<vmem_shared>>)
      tpu.yield
    }) : () -> ()
    %add3A_14 = arith.constant 896 : i32
    %add3A_15 = arith.addi %mul3A_0, %add3A_14 : i32
    "tpu.region"() ({
      %run_scoped3A = tpu.sem_alloc : memref<!tpu.dma_semaphore, #tpu.memory_space<semaphore_mem>>
      %dma_start3A_120 = arith.constant 0 : i32
      %dma_start3A_121 = tpu.memref_slice %arg9[%add3A_15, %dma_start3A_120] : memref<16400x80xf32, #tpu.memory_space<vmem_shared>> -> memref<128x80xf32, #tpu.memory_space<vmem_shared>>
      tpu.enqueue_dma source(%arg4 : memref<128x80xf32, #tpu.memory_space<hbm>>) target(%dma_start3A_121 : memref<128x80xf32, #tpu.memory_space<vmem_shared>>) target_semaphore(%run_scoped3A : memref<!tpu.dma_semaphore, #tpu.memory_space<semaphore_mem>>)
      %dma_wait3A = arith.constant 0 : i32
      %dma_wait3A_122 = tpu.memref_slice %arg9[%add3A_15, %dma_wait3A] : memref<16400x80xf32, #tpu.memory_space<vmem_shared>> -> memref<128x80xf32, #tpu.memory_space<vmem_shared>>
      tpu.wait_dma2 semaphore(%run_scoped3A : memref<!tpu.dma_semaphore, #tpu.memory_space<semaphore_mem>>) src(%arg4 : memref<128x80xf32, #tpu.memory_space<hbm>>) dst(%dma_wait3A_122 : memref<128x80xf32, #tpu.memory_space<vmem_shared>>)
      tpu.yield
    }) : () -> ()
    %add3A_16 = arith.constant 1025 : i32
    %add3A_17 = arith.addi %mul3A_0, %add3A_16 : i32
    %sub3A = arith.constant 1 : i32
    %sub3A_18 = arith.subi %add3A_17, %sub3A : i32
    "tpu.region"() ({
      %run_scoped3A = tpu.sem_alloc : memref<!tpu.dma_semaphore, #tpu.memory_space<semaphore_mem>>
      %dma_start3A_120 = arith.constant 0 : i32
      %dma_start3A_121 = tpu.memref_slice %arg9[%sub3A_18, %dma_start3A_120] : memref<16400x80xf32, #tpu.memory_space<vmem_shared>> -> memref<1x80xf32, #tpu.memory_space<vmem_shared>>
      %dma_start3A_122 = arith.constant 0 : i32
      %dma_start3A_123 = arith.constant 0 : i32
      %dma_start3A_124 = tpu.memref_slice %arg4[%dma_start3A_122, %dma_start3A_123] : memref<128x80xf32, #tpu.memory_space<hbm>> -> memref<1x80xf32, #tpu.memory_space<hbm>>
      tpu.enqueue_dma source(%dma_start3A_124 : memref<1x80xf32, #tpu.memory_space<hbm>>) target(%dma_start3A_121 : memref<1x80xf32, #tpu.memory_space<vmem_shared>>) target_semaphore(%run_scoped3A : memref<!tpu.dma_semaphore, #tpu.memory_space<semaphore_mem>>)
      %dma_wait3A = arith.constant 0 : i32
      %dma_wait3A_125 = tpu.memref_slice %arg9[%sub3A_18, %dma_wait3A] : memref<16400x80xf32, #tpu.memory_space<vmem_shared>> -> memref<1x80xf32, #tpu.memory_space<vmem_shared>>
      %dma_wait3A_126 = arith.constant 0 : i32
      %dma_wait3A_127 = arith.constant 0 : i32
      %dma_wait3A_128 = tpu.memref_slice %arg4[%dma_wait3A_126, %dma_wait3A_127] : memref<128x80xf32, #tpu.memory_space<hbm>> -> memref<1x80xf32, #tpu.memory_space<hbm>>
      tpu.wait_dma2 semaphore(%run_scoped3A : memref<!tpu.dma_semaphore, #tpu.memory_space<semaphore_mem>>) src(%dma_wait3A_128 : memref<1x80xf32, #tpu.memory_space<hbm>>) dst(%dma_wait3A_125 : memref<1x80xf32, #tpu.memory_space<vmem_shared>>)
      tpu.yield
    }) : () -> ()
    %barrier3A = arith.constant 0 : index
    tpu.barrier barrier_id(%barrier3A)
    %add3A_19 = arith.constant 0 : i32
    %add3A_20 = arith.addi %arg1, %add3A_19 : i32
    %mul3A_21 = arith.constant 1416 : i32
    %mul3A_22 = arith.muli %arg0, %mul3A_21 : i32
    %add3A_23 = arith.addi %mul3A_22, %add3A_20 : i32
    %shift_right_arithmetic3A = arith.constant 2 : i32
    %shift_right_arithmetic3A_24 = arith.shrsi %add3A_20, %shift_right_arithmetic3A : i32
    %mul3A_25 = arith.constant 1111 : i32
    %mul3A_26 = arith.muli %shift_right_arithmetic3A_24, %mul3A_25 : i32
    %shift_right_arithmetic3A_27 = arith.constant 16 : i32
    %shift_right_arithmetic3A_28 = arith.shrsi %mul3A_26, %shift_right_arithmetic3A_27 : i32
    %mul3A_29 = arith.constant 59 : i32
    %mul3A_30 = arith.muli %shift_right_arithmetic3A_28, %mul3A_29 : i32
    %sub3A_31 = arith.subi %shift_right_arithmetic3A_24, %mul3A_30 : i32
    %and3A = arith.constant 3 : i32
    %and3A_32 = arith.andi %add3A_20, %and3A : i32
    %mul3A_33 = arith.constant 176 : i32
    %mul3A_34 = arith.muli %and3A_32, %mul3A_33 : i32
    %mul3A_35 = arith.constant 176 : i32
    %mul3A_36 = arith.muli %add3A_23, %mul3A_35 : i32
    %dma_start3A = arith.constant 0 : i32
    %dma_start3A_37 = arith.constant 0 : i32
    %dma_start3A_38 = arith.constant 0 : i32
    %dma_start3A_39 = tpu.memref_slice %arg6[%dma_start3A, %dma_start3A_37, %dma_start3A_38] : memref<3x3x176xf32, #tpu.memory_space<vmem>> -> memref<1x3x176xf32, #tpu.memory_space<vmem>>
    %dma_start3A_40 = tpu.memref_squeeze %dma_start3A_39 : memref<1x3x176xf32, #tpu.memory_space<vmem>> -> memref<3x176xf32, #tpu.memory_space<vmem>>
    %dma_start3A_41 = arith.constant 0 : i32
    %dma_start3A_42 = tpu.memref_slice %arg2[%dma_start3A_41, %mul3A_36] : memref<3x498432xf32, #tpu.memory_space<hbm>> -> memref<3x176xf32, #tpu.memory_space<hbm>>
    %dma_start3A_43 = arith.constant 0 : i32
    %dma_start3A_44 = arith.constant 0 : i32
    %dma_start3A_45 = tpu.memref_slice %arg6[%dma_start3A, %dma_start3A_43, %dma_start3A_44] : memref<3x3x176xf32, #tpu.memory_space<vmem>> -> memref<1x3x176xf32, #tpu.memory_space<vmem>>
    %dma_start3A_46 = tpu.memref_squeeze %dma_start3A_45 : memref<1x3x176xf32, #tpu.memory_space<vmem>> -> memref<3x176xf32, #tpu.memory_space<vmem>>
    %dma_start3A_47 = arith.constant 0 : i32
    %dma_start3A_48 = tpu.memref_slice %arg2[%dma_start3A_47, %mul3A_36] : memref<3x498432xf32, #tpu.memory_space<hbm>> -> memref<3x176xf32, #tpu.memory_space<hbm>>
    tpu.enqueue_dma source(%dma_start3A_48 : memref<3x176xf32, #tpu.memory_space<hbm>>) target(%dma_start3A_46 : memref<3x176xf32, #tpu.memory_space<vmem>>) target_semaphore(%arg10 : memref<!tpu.dma_semaphore, #tpu.memory_space<semaphore_mem>>)
    %dma_start3A_49 = arith.constant 0 : i32
    %dma_start3A_50 = arith.constant 0 : i32
    %dma_start3A_51 = arith.constant 0 : i32
    %dma_start3A_52 = tpu.memref_slice %arg7[%dma_start3A_49, %dma_start3A_50, %dma_start3A_51] : memref<3x176x80xf32, #tpu.memory_space<vmem>> -> memref<1x176x80xf32, #tpu.memory_space<vmem>>
    %dma_start3A_53 = tpu.memref_squeeze %dma_start3A_52 : memref<1x176x80xf32, #tpu.memory_space<vmem>> -> memref<176x80xf32, #tpu.memory_space<vmem>>
    %dma_start3A_54 = arith.constant 0 : i32
    %dma_start3A_55 = tpu.memref_slice %arg3[%arg0, %shift_right_arithmetic3A_28, %sub3A_31, %mul3A_34, %dma_start3A_54] : memref<2x6x59x704x80xf32, #tpu.memory_space<hbm>> -> memref<1x1x1x176x80xf32, #tpu.memory_space<hbm>>
    %dma_start3A_56 = tpu.memref_squeeze %dma_start3A_55 : memref<1x1x1x176x80xf32, #tpu.memory_space<hbm>> -> memref<176x80xf32, #tpu.memory_space<hbm>>
    %dma_start3A_57 = arith.constant 0 : i32
    %dma_start3A_58 = arith.constant 0 : i32
    %dma_start3A_59 = tpu.memref_slice %arg7[%dma_start3A_49, %dma_start3A_57, %dma_start3A_58] : memref<3x176x80xf32, #tpu.memory_space<vmem>> -> memref<1x176x80xf32, #tpu.memory_space<vmem>>
    %dma_start3A_60 = tpu.memref_squeeze %dma_start3A_59 : memref<1x176x80xf32, #tpu.memory_space<vmem>> -> memref<176x80xf32, #tpu.memory_space<vmem>>
    %dma_start3A_61 = arith.constant 0 : i32
    %dma_start3A_62 = tpu.memref_slice %arg3[%arg0, %shift_right_arithmetic3A_28, %sub3A_31, %mul3A_34, %dma_start3A_61] : memref<2x6x59x704x80xf32, #tpu.memory_space<hbm>> -> memref<1x1x1x176x80xf32, #tpu.memory_space<hbm>>
    %dma_start3A_63 = tpu.memref_squeeze %dma_start3A_62 : memref<1x1x1x176x80xf32, #tpu.memory_space<hbm>> -> memref<176x80xf32, #tpu.memory_space<hbm>>
    tpu.enqueue_dma source(%dma_start3A_63 : memref<176x80xf32, #tpu.memory_space<hbm>>) target(%dma_start3A_60 : memref<176x80xf32, #tpu.memory_space<vmem>>) target_semaphore(%arg13 : memref<!tpu.dma_semaphore, #tpu.memory_space<semaphore_mem>>)
    %add3A_64 = arith.constant 16 : i32
    %add3A_65 = arith.addi %arg1, %add3A_64 : i32
    %mul3A_66 = arith.constant 1416 : i32
    %mul3A_67 = arith.muli %arg0, %mul3A_66 : i32
    %add3A_68 = arith.addi %mul3A_67, %add3A_65 : i32
    %shift_right_arithmetic3A_69 = arith.constant 2 : i32
    %shift_right_arithmetic3A_70 = arith.shrsi %add3A_65, %shift_right_arithmetic3A_69 : i32
    %mul3A_71 = arith.constant 1111 : i32
    %mul3A_72 = arith.muli %shift_right_arithmetic3A_70, %mul3A_71 : i32
    %shift_right_arithmetic3A_73 = arith.constant 16 : i32
    %shift_right_arithmetic3A_74 = arith.shrsi %mul3A_72, %shift_right_arithmetic3A_73 : i32
    %mul3A_75 = arith.constant 59 : i32
    %mul3A_76 = arith.muli %shift_right_arithmetic3A_74, %mul3A_75 : i32
    %sub3A_77 = arith.subi %shift_right_arithmetic3A_70, %mul3A_76 : i32
    %and3A_78 = arith.constant 3 : i32
    %and3A_79 = arith.andi %add3A_65, %and3A_78 : i32
    %mul3A_80 = arith.constant 176 : i32
    %mul3A_81 = arith.muli %and3A_79, %mul3A_80 : i32
    %mul3A_82 = arith.constant 176 : i32
    %mul3A_83 = arith.muli %add3A_68, %mul3A_82 : i32
    %dma_start3A_84 = arith.constant 1 : i32
    %dma_start3A_85 = arith.constant 0 : i32
    %dma_start3A_86 = arith.constant 0 : i32
    %dma_start3A_87 = tpu.memref_slice %arg6[%dma_start3A_84, %dma_start3A_85, %dma_start3A_86] : memref<3x3x176xf32, #tpu.memory_space<vmem>> -> memref<1x3x176xf32, #tpu.memory_space<vmem>>
    %dma_start3A_88 = tpu.memref_squeeze %dma_start3A_87 : memref<1x3x176xf32, #tpu.memory_space<vmem>> -> memref<3x176xf32, #tpu.memory_space<vmem>>
    %dma_start3A_89 = arith.constant 0 : i32
    %dma_start3A_90 = tpu.memref_slice %arg2[%dma_start3A_89, %mul3A_83] : memref<3x498432xf32, #tpu.memory_space<hbm>> -> memref<3x176xf32, #tpu.memory_space<hbm>>
    %dma_start3A_91 = arith.constant 0 : i32
    %dma_start3A_92 = arith.constant 0 : i32
    %dma_start3A_93 = tpu.memref_slice %arg6[%dma_start3A_84, %dma_start3A_91, %dma_start3A_92] : memref<3x3x176xf32, #tpu.memory_space<vmem>> -> memref<1x3x176xf32, #tpu.memory_space<vmem>>
    %dma_start3A_94 = tpu.memref_squeeze %dma_start3A_93 : memref<1x3x176xf32, #tpu.memory_space<vmem>> -> memref<3x176xf32, #tpu.memory_space<vmem>>
    %dma_start3A_95 = arith.constant 0 : i32
    %dma_start3A_96 = tpu.memref_slice %arg2[%dma_start3A_95, %mul3A_83] : memref<3x498432xf32, #tpu.memory_space<hbm>> -> memref<3x176xf32, #tpu.memory_space<hbm>>
    tpu.enqueue_dma source(%dma_start3A_96 : memref<3x176xf32, #tpu.memory_space<hbm>>) target(%dma_start3A_94 : memref<3x176xf32, #tpu.memory_space<vmem>>) target_semaphore(%arg11 : memref<!tpu.dma_semaphore, #tpu.memory_space<semaphore_mem>>)
    %dma_start3A_97 = arith.constant 1 : i32
    %dma_start3A_98 = arith.constant 0 : i32
    %dma_start3A_99 = arith.constant 0 : i32
    %dma_start3A_100 = tpu.memref_slice %arg7[%dma_start3A_97, %dma_start3A_98, %dma_start3A_99] : memref<3x176x80xf32, #tpu.memory_space<vmem>> -> memref<1x176x80xf32, #tpu.memory_space<vmem>>
    %dma_start3A_101 = tpu.memref_squeeze %dma_start3A_100 : memref<1x176x80xf32, #tpu.memory_space<vmem>> -> memref<176x80xf32, #tpu.memory_space<vmem>>
    %dma_start3A_102 = arith.constant 0 : i32
    %dma_start3A_103 = tpu.memref_slice %arg3[%arg0, %shift_right_arithmetic3A_74, %sub3A_77, %mul3A_81, %dma_start3A_102] : memref<2x6x59x704x80xf32, #tpu.memory_space<hbm>> -> memref<1x1x1x176x80xf32, #tpu.memory_space<hbm>>
    %dma_start3A_104 = tpu.memref_squeeze %dma_start3A_103 : memref<1x1x1x176x80xf32, #tpu.memory_space<hbm>> -> memref<176x80xf32, #tpu.memory_space<hbm>>
    %dma_start3A_105 = arith.constant 0 : i32
    %dma_start3A_106 = arith.constant 0 : i32
    %dma_start3A_107 = tpu.memref_slice %arg7[%dma_start3A_97, %dma_start3A_105, %dma_start3A_106] : memref<3x176x80xf32, #tpu.memory_space<vmem>> -> memref<1x176x80xf32, #tpu.memory_space<vmem>>
    %dma_start3A_108 = tpu.memref_squeeze %dma_start3A_107 : memref<1x176x80xf32, #tpu.memory_space<vmem>> -> memref<176x80xf32, #tpu.memory_space<vmem>>
    %dma_start3A_109 = arith.constant 0 : i32
    %dma_start3A_110 = tpu.memref_slice %arg3[%arg0, %shift_right_arithmetic3A_74, %sub3A_77, %mul3A_81, %dma_start3A_109] : memref<2x6x59x704x80xf32, #tpu.memory_space<hbm>> -> memref<1x1x1x176x80xf32, #tpu.memory_space<hbm>>
    %dma_start3A_111 = tpu.memref_squeeze %dma_start3A_110 : memref<1x1x1x176x80xf32, #tpu.memory_space<hbm>> -> memref<176x80xf32, #tpu.memory_space<hbm>>
    tpu.enqueue_dma source(%dma_start3A_111 : memref<176x80xf32, #tpu.memory_space<hbm>>) target(%dma_start3A_108 : memref<176x80xf32, #tpu.memory_space<vmem>>) target_semaphore(%arg14 : memref<!tpu.dma_semaphore, #tpu.memory_space<semaphore_mem>>)
    %scan3A = arith.constant 0 : i32
    %scan3A_112 = arith.constant 0 : i32
    %scan3A_113 = arith.constant 30 : i32
    %scan3A_114 = arith.addi %scan3A_112, %scan3A_113 : i32
    %scan3A_115 = arith.constant 1 : i32
    scf.for %scan3A_120 = %scan3A_112 to %scan3A_114 step %scan3A_115  : i32 {
      %mul3A_121 = arith.constant 3 : i32
      %mul3A_122 = arith.muli %scan3A_120, %mul3A_121 : i32
      %add3A_123 = arith.constant 0 : i32
      %add3A_124 = arith.addi %mul3A_122, %add3A_123 : i32
      %mul3A_125 = arith.constant 16 : i32
      %mul3A_126 = arith.muli %mul3A_125, %add3A_124 : i32
      %add3A_127 = arith.addi %arg1, %mul3A_126 : i32
      %lt3A = arith.constant 1416 : i32
      %lt3A_128 = arith.cmpi slt, %add3A_127, %lt3A : i32
      %convert_element_type3A = arith.extui %lt3A_128 : i1 to i32
      %cond3A = arith.constant 0 : i32
      %cond3A_129 = arith.cmpi ne, %convert_element_type3A, %cond3A : i32
      scf.if %cond3A_129 {
        %mul3A_228 = arith.constant 16 : i32
        %mul3A_229 = arith.muli %mul3A_228, %add3A_124 : i32
        %add3A_230 = arith.addi %arg1, %mul3A_229 : i32
        %mul3A_231 = arith.constant 1416 : i32
        %mul3A_232 = arith.muli %arg0, %mul3A_231 : i32
        %add3A_233 = arith.addi %mul3A_232, %add3A_230 : i32
        %shift_right_arithmetic3A_234 = arith.constant 2 : i32
        %shift_right_arithmetic3A_235 = arith.shrsi %add3A_230, %shift_right_arithmetic3A_234 : i32
        %mul3A_236 = arith.constant 1111 : i32
        %mul3A_237 = arith.muli %shift_right_arithmetic3A_235, %mul3A_236 : i32
        %shift_right_arithmetic3A_238 = arith.constant 16 : i32
        %shift_right_arithmetic3A_239 = arith.shrsi %mul3A_237, %shift_right_arithmetic3A_238 : i32
        %mul3A_240 = arith.constant 59 : i32
        %mul3A_241 = arith.muli %shift_right_arithmetic3A_239, %mul3A_240 : i32
        %sub3A_242 = arith.subi %shift_right_arithmetic3A_235, %mul3A_241 : i32
        %and3A_243 = arith.constant 3 : i32
        %and3A_244 = arith.andi %add3A_230, %and3A_243 : i32
        %mul3A_245 = arith.constant 176 : i32
        %mul3A_246 = arith.muli %and3A_244, %mul3A_245 : i32
        %mul3A_247 = arith.constant 176 : i32
        %mul3A_248 = arith.muli %add3A_233, %mul3A_247 : i32
        %dma_wait3A = arith.constant 0 : i32
        %dma_wait3A_249 = arith.constant 0 : i32
        %dma_wait3A_250 = arith.constant 0 : i32
        %dma_wait3A_251 = tpu.memref_slice %arg6[%dma_wait3A, %dma_wait3A_249, %dma_wait3A_250] : memref<3x3x176xf32, #tpu.memory_space<vmem>> -> memref<1x3x176xf32, #tpu.memory_space<vmem>>
        %dma_wait3A_252 = tpu.memref_squeeze %dma_wait3A_251 : memref<1x3x176xf32, #tpu.memory_space<vmem>> -> memref<3x176xf32, #tpu.memory_space<vmem>>
        %dma_wait3A_253 = arith.constant 0 : i32
        %dma_wait3A_254 = tpu.memref_slice %arg2[%dma_wait3A_253, %mul3A_248] : memref<3x498432xf32, #tpu.memory_space<hbm>> -> memref<3x176xf32, #tpu.memory_space<hbm>>
        %dma_wait3A_255 = arith.constant 0 : i32
        %dma_wait3A_256 = arith.constant 0 : i32
        %dma_wait3A_257 = tpu.memref_slice %arg6[%dma_wait3A, %dma_wait3A_255, %dma_wait3A_256] : memref<3x3x176xf32, #tpu.memory_space<vmem>> -> memref<1x3x176xf32, #tpu.memory_space<vmem>>
        %dma_wait3A_258 = tpu.memref_squeeze %dma_wait3A_257 : memref<1x3x176xf32, #tpu.memory_space<vmem>> -> memref<3x176xf32, #tpu.memory_space<vmem>>
        %dma_wait3A_259 = arith.constant 0 : i32
        %dma_wait3A_260 = tpu.memref_slice %arg2[%dma_wait3A_259, %mul3A_248] : memref<3x498432xf32, #tpu.memory_space<hbm>> -> memref<3x176xf32, #tpu.memory_space<hbm>>
        tpu.wait_dma2 semaphore(%arg10 : memref<!tpu.dma_semaphore, #tpu.memory_space<semaphore_mem>>) src(%dma_wait3A_260 : memref<3x176xf32, #tpu.memory_space<hbm>>) dst(%dma_wait3A_258 : memref<3x176xf32, #tpu.memory_space<vmem>>)
        %dma_wait3A_261 = arith.constant 0 : i32
        %dma_wait3A_262 = arith.constant 0 : i32
        %dma_wait3A_263 = arith.constant 0 : i32
        %dma_wait3A_264 = tpu.memref_slice %arg7[%dma_wait3A_261, %dma_wait3A_262, %dma_wait3A_263] : memref<3x176x80xf32, #tpu.memory_space<vmem>> -> memref<1x176x80xf32, #tpu.memory_space<vmem>>
        %dma_wait3A_265 = tpu.memref_squeeze %dma_wait3A_264 : memref<1x176x80xf32, #tpu.memory_space<vmem>> -> memref<176x80xf32, #tpu.memory_space<vmem>>
        %dma_wait3A_266 = arith.constant 0 : i32
        %dma_wait3A_267 = tpu.memref_slice %arg3[%arg0, %shift_right_arithmetic3A_239, %sub3A_242, %mul3A_246, %dma_wait3A_266] : memref<2x6x59x704x80xf32, #tpu.memory_space<hbm>> -> memref<1x1x1x176x80xf32, #tpu.memory_space<hbm>>
        %dma_wait3A_268 = tpu.memref_squeeze %dma_wait3A_267 : memref<1x1x1x176x80xf32, #tpu.memory_space<hbm>> -> memref<176x80xf32, #tpu.memory_space<hbm>>
        %dma_wait3A_269 = arith.constant 0 : i32
        %dma_wait3A_270 = arith.constant 0 : i32
        %dma_wait3A_271 = tpu.memref_slice %arg7[%dma_wait3A_261, %dma_wait3A_269, %dma_wait3A_270] : memref<3x176x80xf32, #tpu.memory_space<vmem>> -> memref<1x176x80xf32, #tpu.memory_space<vmem>>
        %dma_wait3A_272 = tpu.memref_squeeze %dma_wait3A_271 : memref<1x176x80xf32, #tpu.memory_space<vmem>> -> memref<176x80xf32, #tpu.memory_space<vmem>>
        %dma_wait3A_273 = arith.constant 0 : i32
        %dma_wait3A_274 = tpu.memref_slice %arg3[%arg0, %shift_right_arithmetic3A_239, %sub3A_242, %mul3A_246, %dma_wait3A_273] : memref<2x6x59x704x80xf32, #tpu.memory_space<hbm>> -> memref<1x1x1x176x80xf32, #tpu.memory_space<hbm>>
        %dma_wait3A_275 = tpu.memref_squeeze %dma_wait3A_274 : memref<1x1x1x176x80xf32, #tpu.memory_space<hbm>> -> memref<176x80xf32, #tpu.memory_space<hbm>>
        tpu.wait_dma2 semaphore(%arg13 : memref<!tpu.dma_semaphore, #tpu.memory_space<semaphore_mem>>) src(%dma_wait3A_275 : memref<176x80xf32, #tpu.memory_space<hbm>>) dst(%dma_wait3A_272 : memref<176x80xf32, #tpu.memory_space<vmem>>)
        %get3A = arith.constant 0 : i32
        %get3A_276 = arith.constant 0 : i32
        %get3A_277 = arith.index_cast %get3A : i32 to index
        %get3A_278 = arith.index_cast %get3A_276 : i32 to index
        %get3A_279 = arith.constant 0 : index
        %get3A_280 = tpu.vector_load %arg6[%get3A_277, %get3A_278, %get3A_279] {strides = array<i32>} : memref<3x3x176xf32, #tpu.memory_space<vmem>>, vector<1x1x16xf32>,
        %get3A_281 = vector.shape_cast %get3A_280 : vector<1x1x16xf32> to vector<16xf32>
        %sub3A_282 = arith.constant -5.120000e+01 : f32
        %sub3A_283 = vector.broadcast %sub3A_282 : f32 to vector<16xf32>
        %sub3A_284 = arith.subf %get3A_281, %sub3A_283 : vector<16xf32>
        %div3A = arith.constant 8.000000e-01 : f32
        %div3A_285 = vector.broadcast %div3A : f32 to vector<16xf32>
        %div3A_286 = arith.divf %sub3A_284, %div3A_285 : vector<16xf32>
        %convert_element_type3A_287 = arith.fptosi %div3A_286 : vector<16xf32> to vector<16xi32>
        %get3A_288 = arith.constant 0 : i32
        %get3A_289 = arith.constant 1 : i32
        %get3A_290 = arith.index_cast %get3A_288 : i32 to index
        %get3A_291 = arith.index_cast %get3A_289 : i32 to index
        %get3A_292 = arith.constant 0 : index
        %get3A_293 = tpu.vector_load %arg6[%get3A_290, %get3A_291, %get3A_292] {strides = array<i32>} : memref<3x3x176xf32, #tpu.memory_space<vmem>>, vector<1x1x16xf32>,
        %get3A_294 = vector.shape_cast %get3A_293 : vector<1x1x16xf32> to vector<16xf32>
        %sub3A_295 = arith.constant -5.120000e+01 : f32
        %sub3A_296 = vector.broadcast %sub3A_295 : f32 to vector<16xf32>
        %sub3A_297 = arith.subf %get3A_294, %sub3A_296 : vector<16xf32>
        %div3A_298 = arith.constant 8.000000e-01 : f32
        %div3A_299 = vector.broadcast %div3A_298 : f32 to vector<16xf32>
        %div3A_300 = arith.divf %sub3A_297, %div3A_299 : vector<16xf32>
        %convert_element_type3A_301 = arith.fptosi %div3A_300 : vector<16xf32> to vector<16xi32>
        %get3A_302 = arith.constant 0 : i32
        %get3A_303 = arith.constant 2 : i32
        %get3A_304 = arith.index_cast %get3A_302 : i32 to index
        %get3A_305 = arith.index_cast %get3A_303 : i32 to index
        %get3A_306 = arith.constant 0 : index
        %get3A_307 = tpu.vector_load %arg6[%get3A_304, %get3A_305, %get3A_306] {strides = array<i32>} : memref<3x3x176xf32, #tpu.memory_space<vmem>>, vector<1x1x16xf32>,
        %get3A_308 = vector.shape_cast %get3A_307 : vector<1x1x16xf32> to vector<16xf32>
        %sub3A_309 = arith.constant -5.000000e+00 : f32
        %sub3A_310 = vector.broadcast %sub3A_309 : f32 to vector<16xf32>
        %sub3A_311 = arith.subf %get3A_308, %sub3A_310 : vector<16xf32>
        %div3A_312 = arith.constant 8.000000e+00 : f32
        %div3A_313 = vector.broadcast %div3A_312 : f32 to vector<16xf32>
        %div3A_314 = arith.divf %sub3A_311, %div3A_313 : vector<16xf32>
        %convert_element_type3A_315 = arith.fptosi %div3A_314 : vector<16xf32> to vector<16xi32>
        %ge3A_316 = arith.constant 0 : i32
        %ge3A_317 = vector.broadcast %ge3A_316 : i32 to vector<16xi32>
        %ge3A_318 = arith.cmpi sge, %convert_element_type3A_287, %ge3A_317 : vector<16xi32>
        %lt3A_319 = arith.constant 128 : i32
        %lt3A_320 = vector.broadcast %lt3A_319 : i32 to vector<16xi32>
        %lt3A_321 = arith.cmpi slt, %convert_element_type3A_287, %lt3A_320 : vector<16xi32>
        %and3A_322 = arith.andi %ge3A_318, %lt3A_321 : vector<16xi1>
        %ge3A_323 = arith.constant 0 : i32
        %ge3A_324 = vector.broadcast %ge3A_323 : i32 to vector<16xi32>
        %ge3A_325 = arith.cmpi sge, %convert_element_type3A_301, %ge3A_324 : vector<16xi32>
        %and3A_326 = arith.andi %and3A_322, %ge3A_325 : vector<16xi1>
        %lt3A_327 = arith.constant 128 : i32
        %lt3A_328 = vector.broadcast %lt3A_327 : i32 to vector<16xi32>
        %lt3A_329 = arith.cmpi slt, %convert_element_type3A_301, %lt3A_328 : vector<16xi32>
        %and3A_330 = arith.andi %and3A_326, %lt3A_329 : vector<16xi1>
        %ge3A_331 = arith.constant 0 : i32
        %ge3A_332 = vector.broadcast %ge3A_331 : i32 to vector<16xi32>
        %ge3A_333 = arith.cmpi sge, %convert_element_type3A_315, %ge3A_332 : vector<16xi32>
        %and3A_334 = arith.andi %and3A_330, %ge3A_333 : vector<16xi1>
        %lt3A_335 = arith.constant 1 : i32
        %lt3A_336 = vector.broadcast %lt3A_335 : i32 to vector<16xi32>
        %lt3A_337 = arith.cmpi slt, %convert_element_type3A_315, %lt3A_336 : vector<16xi32>
        %and3A_338 = arith.andi %and3A_334, %lt3A_337 : vector<16xi1>
        %mul3A_339 = arith.constant 128 : i32
        %mul3A_340 = vector.broadcast %mul3A_339 : i32 to vector<16xi32>
        %mul3A_341 = arith.muli %convert_element_type3A_287, %mul3A_340 : vector<16xi32>
        %add3A_342 = arith.addi %mul3A_341, %convert_element_type3A_301 : vector<16xi32>
        %add3A_343 = arith.constant 16384 : i32
        %add3A_344 = arith.addi %add3A_343, %arg1 : i32
        %broadcast_in_dim3A = vector.broadcast %add3A_344 : i32 to vector<16xi32>
        %select_n3A = arith.select %and3A_338, %add3A_342, %broadcast_in_dim3A : vector<16xi1>, vector<16xi32>
        %swap3A = arith.constant 0 : i32
        %swap3A_345 = arith.index_cast %swap3A : i32 to index
        %swap3A_346 = arith.constant 0 : index
        %swap3A_347 = tpu.vector_load %arg8[%swap3A_345, %swap3A_346] {strides = array<i32>} : memref<3x176xi32, #tpu.memory_space<vmem>>, vector<1x16xi32>,
        %swap3A_348 = vector.shape_cast %swap3A_347 : vector<1x16xi32> to vector<16xi32>
        %swap3A_349 = vector.shape_cast %select_n3A : vector<16xi32> to vector<1x16xi32>
        tpu.vector_store %arg8[%swap3A_345, %swap3A_346], %swap3A_349 {strides = array<i32>} : memref<3x176xi32, #tpu.memory_space<vmem>>, vector<1x16xi32>,
        %get3A_350 = arith.constant 0 : i32
        %get3A_351 = arith.constant 0 : i32
        %get3A_352 = arith.index_cast %get3A_350 : i32 to index
        %get3A_353 = arith.index_cast %get3A_351 : i32 to index
        %get3A_354 = arith.constant 16 : index
        %get3A_355 = tpu.vector_load %arg6[%get3A_352, %get3A_353, %get3A_354] {strides = array<i32>} : memref<3x3x176xf32, #tpu.memory_space<vmem>>, vector<1x1x16xf32>,
        %get3A_356 = vector.shape_cast %get3A_355 : vector<1x1x16xf32> to vector<16xf32>
        %sub3A_357 = arith.constant -5.120000e+01 : f32
        %sub3A_358 = vector.broadcast %sub3A_357 : f32 to vector<16xf32>
        %sub3A_359 = arith.subf %get3A_356, %sub3A_358 : vector<16xf32>
        %div3A_360 = arith.constant 8.000000e-01 : f32
        %div3A_361 = vector.broadcast %div3A_360 : f32 to vector<16xf32>
        %div3A_362 = arith.divf %sub3A_359, %div3A_361 : vector<16xf32>
        %convert_element_type3A_363 = arith.fptosi %div3A_362 : vector<16xf32> to vector<16xi32>
        %get3A_364 = arith.constant 0 : i32
        %get3A_365 = arith.constant 1 : i32
        %get3A_366 = arith.index_cast %get3A_364 : i32 to index
        %get3A_367 = arith.index_cast %get3A_365 : i32 to index
        %get3A_368 = arith.constant 16 : index
        %get3A_369 = tpu.vector_load %arg6[%get3A_366, %get3A_367, %get3A_368] {strides = array<i32>} : memref<3x3x176xf32, #tpu.memory_space<vmem>>, vector<1x1x16xf32>,
        %get3A_370 = vector.shape_cast %get3A_369 : vector<1x1x16xf32> to vector<16xf32>
        %sub3A_371 = arith.constant -5.120000e+01 : f32
        %sub3A_372 = vector.broadcast %sub3A_371 : f32 to vector<16xf32>
        %sub3A_373 = arith.subf %get3A_370, %sub3A_372 : vector<16xf32>
        %div3A_374 = arith.constant 8.000000e-01 : f32
        %div3A_375 = vector.broadcast %div3A_374 : f32 to vector<16xf32>
        %div3A_376 = arith.divf %sub3A_373, %div3A_375 : vector<16xf32>
        %convert_element_type3A_377 = arith.fptosi %div3A_376 : vector<16xf32> to vector<16xi32>
        %get3A_378 = arith.constant 0 : i32
        %get3A_379 = arith.constant 2 : i32
        %get3A_380 = arith.index_cast %get3A_378 : i32 to index
        %get3A_381 = arith.index_cast %get3A_379 : i32 to index
        %get3A_382 = arith.constant 16 : index
        %get3A_383 = tpu.vector_load %arg6[%get3A_380, %get3A_381, %get3A_382] {strides = array<i32>} : memref<3x3x176xf32, #tpu.memory_space<vmem>>, vector<1x1x16xf32>,
        %get3A_384 = vector.shape_cast %get3A_383 : vector<1x1x16xf32> to vector<16xf32>
        %sub3A_385 = arith.constant -5.000000e+00 : f32
        %sub3A_386 = vector.broadcast %sub3A_385 : f32 to vector<16xf32>
        %sub3A_387 = arith.subf %get3A_384, %sub3A_386 : vector<16xf32>
        %div3A_388 = arith.constant 8.000000e+00 : f32
        %div3A_389 = vector.broadcast %div3A_388 : f32 to vector<16xf32>
        %div3A_390 = arith.divf %sub3A_387, %div3A_389 : vector<16xf32>
        %convert_element_type3A_391 = arith.fptosi %div3A_390 : vector<16xf32> to vector<16xi32>
        %ge3A_392 = arith.constant 0 : i32
        %ge3A_393 = vector.broadcast %ge3A_392 : i32 to vector<16xi32>
        %ge3A_394 = arith.cmpi sge, %convert_element_type3A_363, %ge3A_393 : vector<16xi32>
        %lt3A_395 = arith.constant 128 : i32
        %lt3A_396 = vector.broadcast %lt3A_395 : i32 to vector<16xi32>
        %lt3A_397 = arith.cmpi slt, %convert_element_type3A_363, %lt3A_396 : vector<16xi32>
        %and3A_398 = arith.andi %ge3A_394, %lt3A_397 : vector<16xi1>
        %ge3A_399 = arith.constant 0 : i32
        %ge3A_400 = vector.broadcast %ge3A_399 : i32 to vector<16xi32>
        %ge3A_401 = arith.cmpi sge, %convert_element_type3A_377, %ge3A_400 : vector<16xi32>
        %and3A_402 = arith.andi %and3A_398, %ge3A_401 : vector<16xi1>
        %lt3A_403 = arith.constant 128 : i32
        %lt3A_404 = vector.broadcast %lt3A_403 : i32 to vector<16xi32>
        %lt3A_405 = arith.cmpi slt, %convert_element_type3A_377, %lt3A_404 : vector<16xi32>
        %and3A_406 = arith.andi %and3A_402, %lt3A_405 : vector<16xi1>
        %ge3A_407 = arith.constant 0 : i32
        %ge3A_408 = vector.broadcast %ge3A_407 : i32 to vector<16xi32>
        %ge3A_409 = arith.cmpi sge, %convert_element_type3A_391, %ge3A_408 : vector<16xi32>
        %and3A_410 = arith.andi %and3A_406, %ge3A_409 : vector<16xi1>
        %lt3A_411 = arith.constant 1 : i32
        %lt3A_412 = vector.broadcast %lt3A_411 : i32 to vector<16xi32>
        %lt3A_413 = arith.cmpi slt, %convert_element_type3A_391, %lt3A_412 : vector<16xi32>
        %and3A_414 = arith.andi %and3A_410, %lt3A_413 : vector<16xi1>
        %mul3A_415 = arith.constant 128 : i32
        %mul3A_416 = vector.broadcast %mul3A_415 : i32 to vector<16xi32>
        %mul3A_417 = arith.muli %convert_element_type3A_363, %mul3A_416 : vector<16xi32>
        %add3A_418 = arith.addi %mul3A_417, %convert_element_type3A_377 : vector<16xi32>
        %add3A_419 = arith.constant 16384 : i32
        %add3A_420 = arith.addi %add3A_419, %arg1 : i32
        %broadcast_in_dim3A_421 = vector.broadcast %add3A_420 : i32 to vector<16xi32>
        %select_n3A_422 = arith.select %and3A_414, %add3A_418, %broadcast_in_dim3A_421 : vector<16xi1>, vector<16xi32>
        %swap3A_423 = arith.constant 0 : i32
        %swap3A_424 = arith.index_cast %swap3A_423 : i32 to index
        %swap3A_425 = arith.constant 16 : index
        %swap3A_426 = tpu.vector_load %arg8[%swap3A_424, %swap3A_425] {strides = array<i32>} : memref<3x176xi32, #tpu.memory_space<vmem>>, vector<1x16xi32>,
        %swap3A_427 = vector.shape_cast %swap3A_426 : vector<1x16xi32> to vector<16xi32>
        %swap3A_428 = vector.shape_cast %select_n3A_422 : vector<16xi32> to vector<1x16xi32>
        tpu.vector_store %arg8[%swap3A_424, %swap3A_425], %swap3A_428 {strides = array<i32>} : memref<3x176xi32, #tpu.memory_space<vmem>>, vector<1x16xi32>,
        %get3A_429 = arith.constant 0 : i32
        %get3A_430 = arith.constant 0 : i32
        %get3A_431 = arith.index_cast %get3A_429 : i32 to index
        %get3A_432 = arith.index_cast %get3A_430 : i32 to index
        %get3A_433 = arith.constant 32 : index
        %get3A_434 = tpu.vector_load %arg6[%get3A_431, %get3A_432, %get3A_433] {strides = array<i32>} : memref<3x3x176xf32, #tpu.memory_space<vmem>>, vector<1x1x16xf32>,
        %get3A_435 = vector.shape_cast %get3A_434 : vector<1x1x16xf32> to vector<16xf32>
        %sub3A_436 = arith.constant -5.120000e+01 : f32
        %sub3A_437 = vector.broadcast %sub3A_436 : f32 to vector<16xf32>
        %sub3A_438 = arith.subf %get3A_435, %sub3A_437 : vector<16xf32>
        %div3A_439 = arith.constant 8.000000e-01 : f32
        %div3A_440 = vector.broadcast %div3A_439 : f32 to vector<16xf32>
        %div3A_441 = arith.divf %sub3A_438, %div3A_440 : vector<16xf32>
        %convert_element_type3A_442 = arith.fptosi %div3A_441 : vector<16xf32> to vector<16xi32>
        %get3A_443 = arith.constant 0 : i32
        %get3A_444 = arith.constant 1 : i32
        %get3A_445 = arith.index_cast %get3A_443 : i32 to index
        %get3A_446 = arith.index_cast %get3A_444 : i32 to index
        %get3A_447 = arith.constant 32 : index
        %get3A_448 = tpu.vector_load %arg6[%get3A_445, %get3A_446, %get3A_447] {strides = array<i32>} : memref<3x3x176xf32, #tpu.memory_space<vmem>>, vector<1x1x16xf32>,
        %get3A_449 = vector.shape_cast %get3A_448 : vector<1x1x16xf32> to vector<16xf32>
        %sub3A_450 = arith.constant -5.120000e+01 : f32
        %sub3A_451 = vector.broadcast %sub3A_450 : f32 to vector<16xf32>
        %sub3A_452 = arith.subf %get3A_449, %sub3A_451 : vector<16xf32>
        %div3A_453 = arith.constant 8.000000e-01 : f32
        %div3A_454 = vector.broadcast %div3A_453 : f32 to vector<16xf32>
        %div3A_455 = arith.divf %sub3A_452, %div3A_454 : vector<16xf32>
        %convert_element_type3A_456 = arith.fptosi %div3A_455 : vector<16xf32> to vector<16xi32>
        %get3A_457 = arith.constant 0 : i32
        %get3A_458 = arith.constant 2 : i32
        %get3A_459 = arith.index_cast %get3A_457 : i32 to index
        %get3A_460 = arith.index_cast %get3A_458 : i32 to index
        %get3A_461 = arith.constant 32 : index
        %get3A_462 = tpu.vector_load %arg6[%get3A_459, %get3A_460, %get3A_461] {strides = array<i32>} : memref<3x3x176xf32, #tpu.memory_space<vmem>>, vector<1x1x16xf32>,
        %get3A_463 = vector.shape_cast %get3A_462 : vector<1x1x16xf32> to vector<16xf32>
        %sub3A_464 = arith.constant -5.000000e+00 : f32
        %sub3A_465 = vector.broadcast %sub3A_464 : f32 to vector<16xf32>
        %sub3A_466 = arith.subf %get3A_463, %sub3A_465 : vector<16xf32>
        %div3A_467 = arith.constant 8.000000e+00 : f32
        %div3A_468 = vector.broadcast %div3A_467 : f32 to vector<16xf32>
        %div3A_469 = arith.divf %sub3A_466, %div3A_468 : vector<16xf32>
        %convert_element_type3A_470 = arith.fptosi %div3A_469 : vector<16xf32> to vector<16xi32>
        %ge3A_471 = arith.constant 0 : i32
        %ge3A_472 = vector.broadcast %ge3A_471 : i32 to vector<16xi32>
        %ge3A_473 = arith.cmpi sge, %convert_element_type3A_442, %ge3A_472 : vector<16xi32>
        %lt3A_474 = arith.constant 128 : i32
        %lt3A_475 = vector.broadcast %lt3A_474 : i32 to vector<16xi32>
        %lt3A_476 = arith.cmpi slt, %convert_element_type3A_442, %lt3A_475 : vector<16xi32>
        %and3A_477 = arith.andi %ge3A_473, %lt3A_476 : vector<16xi1>
        %ge3A_478 = arith.constant 0 : i32
        %ge3A_479 = vector.broadcast %ge3A_478 : i32 to vector<16xi32>
        %ge3A_480 = arith.cmpi sge, %convert_element_type3A_456, %ge3A_479 : vector<16xi32>
        %and3A_481 = arith.andi %and3A_477, %ge3A_480 : vector<16xi1>
        %lt3A_482 = arith.constant 128 : i32
        %lt3A_483 = vector.broadcast %lt3A_482 : i32 to vector<16xi32>
        %lt3A_484 = arith.cmpi slt, %convert_element_type3A_456, %lt3A_483 : vector<16xi32>
        %and3A_485 = arith.andi %and3A_481, %lt3A_484 : vector<16xi1>
        %ge3A_486 = arith.constant 0 : i32
        %ge3A_487 = vector.broadcast %ge3A_486 : i32 to vector<16xi32>
        %ge3A_488 = arith.cmpi sge, %convert_element_type3A_470, %ge3A_487 : vector<16xi32>
        %and3A_489 = arith.andi %and3A_485, %ge3A_488 : vector<16xi1>
        %lt3A_490 = arith.constant 1 : i32
        %lt3A_491 = vector.broadcast %lt3A_490 : i32 to vector<16xi32>
        %lt3A_492 = arith.cmpi slt, %convert_element_type3A_470, %lt3A_491 : vector<16xi32>
        %and3A_493 = arith.andi %and3A_489, %lt3A_492 : vector<16xi1>
        %mul3A_494 = arith.constant 128 : i32
        %mul3A_495 = vector.broadcast %mul3A_494 : i32 to vector<16xi32>
        %mul3A_496 = arith.muli %convert_element_type3A_442, %mul3A_495 : vector<16xi32>
        %add3A_497 = arith.addi %mul3A_496, %convert_element_type3A_456 : vector<16xi32>
        %add3A_498 = arith.constant 16384 : i32
        %add3A_499 = arith.addi %add3A_498, %arg1 : i32
        %broadcast_in_dim3A_500 = vector.broadcast %add3A_499 : i32 to vector<16xi32>
        %select_n3A_501 = arith.select %and3A_493, %add3A_497, %broadcast_in_dim3A_500 : vector<16xi1>, vector<16xi32>
        %swap3A_502 = arith.constant 0 : i32
        %swap3A_503 = arith.index_cast %swap3A_502 : i32 to index
        %swap3A_504 = arith.constant 32 : index
        %swap3A_505 = tpu.vector_load %arg8[%swap3A_503, %swap3A_504] {strides = array<i32>} : memref<3x176xi32, #tpu.memory_space<vmem>>, vector<1x16xi32>,
        %swap3A_506 = vector.shape_cast %swap3A_505 : vector<1x16xi32> to vector<16xi32>
        %swap3A_507 = vector.shape_cast %select_n3A_501 : vector<16xi32> to vector<1x16xi32>
        tpu.vector_store %arg8[%swap3A_503, %swap3A_504], %swap3A_507 {strides = array<i32>} : memref<3x176xi32, #tpu.memory_space<vmem>>, vector<1x16xi32>,
        %get3A_508 = arith.constant 0 : i32
        %get3A_509 = arith.constant 0 : i32
        %get3A_510 = arith.index_cast %get3A_508 : i32 to index
        %get3A_511 = arith.index_cast %get3A_509 : i32 to index
        %get3A_512 = arith.constant 48 : index
        %get3A_513 = tpu.vector_load %arg6[%get3A_510, %get3A_511, %get3A_512] {strides = array<i32>} : memref<3x3x176xf32, #tpu.memory_space<vmem>>, vector<1x1x16xf32>,
        %get3A_514 = vector.shape_cast %get3A_513 : vector<1x1x16xf32> to vector<16xf32>
        %sub3A_515 = arith.constant -5.120000e+01 : f32
        %sub3A_516 = vector.broadcast %sub3A_515 : f32 to vector<16xf32>
        %sub3A_517 = arith.subf %get3A_514, %sub3A_516 : vector<16xf32>
        %div3A_518 = arith.constant 8.000000e-01 : f32
        %div3A_519 = vector.broadcast %div3A_518 : f32 to vector<16xf32>
        %div3A_520 = arith.divf %sub3A_517, %div3A_519 : vector<16xf32>
        %convert_element_type3A_521 = arith.fptosi %div3A_520 : vector<16xf32> to vector<16xi32>
        %get3A_522 = arith.constant 0 : i32
        %get3A_523 = arith.constant 1 : i32
        %get3A_524 = arith.index_cast %get3A_522 : i32 to index
        %get3A_525 = arith.index_cast %get3A_523 : i32 to index
        %get3A_526 = arith.constant 48 : index
        %get3A_527 = tpu.vector_load %arg6[%get3A_524, %get3A_525, %get3A_526] {strides = array<i32>} : memref<3x3x176xf32, #tpu.memory_space<vmem>>, vector<1x1x16xf32>,
        %get3A_528 = vector.shape_cast %get3A_527 : vector<1x1x16xf32> to vector<16xf32>
        %sub3A_529 = arith.constant -5.120000e+01 : f32
        %sub3A_530 = vector.broadcast %sub3A_529 : f32 to vector<16xf32>
        %sub3A_531 = arith.subf %get3A_528, %sub3A_530 : vector<16xf32>
        %div3A_532 = arith.constant 8.000000e-01 : f32
        %div3A_533 = vector.broadcast %div3A_532 : f32 to vector<16xf32>
        %div3A_534 = arith.divf %sub3A_531, %div3A_533 : vector<16xf32>
        %convert_element_type3A_535 = arith.fptosi %div3A_534 : vector<16xf32> to vector<16xi32>
        %get3A_536 = arith.constant 0 : i32
        %get3A_537 = arith.constant 2 : i32
        %get3A_538 = arith.index_cast %get3A_536 : i32 to index
        %get3A_539 = arith.index_cast %get3A_537 : i32 to index
        %get3A_540 = arith.constant 48 : index
        %get3A_541 = tpu.vector_load %arg6[%get3A_538, %get3A_539, %get3A_540] {strides = array<i32>} : memref<3x3x176xf32, #tpu.memory_space<vmem>>, vector<1x1x16xf32>,
        %get3A_542 = vector.shape_cast %get3A_541 : vector<1x1x16xf32> to vector<16xf32>
        %sub3A_543 = arith.constant -5.000000e+00 : f32
        %sub3A_544 = vector.broadcast %sub3A_543 : f32 to vector<16xf32>
        %sub3A_545 = arith.subf %get3A_542, %sub3A_544 : vector<16xf32>
        %div3A_546 = arith.constant 8.000000e+00 : f32
        %div3A_547 = vector.broadcast %div3A_546 : f32 to vector<16xf32>
        %div3A_548 = arith.divf %sub3A_545, %div3A_547 : vector<16xf32>
        %convert_element_type3A_549 = arith.fptosi %div3A_548 : vector<16xf32> to vector<16xi32>
        %ge3A_550 = arith.constant 0 : i32
        %ge3A_551 = vector.broadcast %ge3A_550 : i32 to vector<16xi32>
        %ge3A_552 = arith.cmpi sge, %convert_element_type3A_521, %ge3A_551 : vector<16xi32>
        %lt3A_553 = arith.constant 128 : i32
        %lt3A_554 = vector.broadcast %lt3A_553 : i32 to vector<16xi32>
        %lt3A_555 = arith.cmpi slt, %convert_element_type3A_521, %lt3A_554 : vector<16xi32>
        %and3A_556 = arith.andi %ge3A_552, %lt3A_555 : vector<16xi1>
        %ge3A_557 = arith.constant 0 : i32
        %ge3A_558 = vector.broadcast %ge3A_557 : i32 to vector<16xi32>
        %ge3A_559 = arith.cmpi sge, %convert_element_type3A_535, %ge3A_558 : vector<16xi32>
        %and3A_560 = arith.andi %and3A_556, %ge3A_559 : vector<16xi1>
        %lt3A_561 = arith.constant 128 : i32
        %lt3A_562 = vector.broadcast %lt3A_561 : i32 to vector<16xi32>
        %lt3A_563 = arith.cmpi slt, %convert_element_type3A_535, %lt3A_562 : vector<16xi32>
        %and3A_564 = arith.andi %and3A_560, %lt3A_563 : vector<16xi1>
        %ge3A_565 = arith.constant 0 : i32
        %ge3A_566 = vector.broadcast %ge3A_565 : i32 to vector<16xi32>
        %ge3A_567 = arith.cmpi sge, %convert_element_type3A_549, %ge3A_566 : vector<16xi32>
        %and3A_568 = arith.andi %and3A_564, %ge3A_567 : vector<16xi1>
        %lt3A_569 = arith.constant 1 : i32
        %lt3A_570 = vector.broadcast %lt3A_569 : i32 to vector<16xi32>
        %lt3A_571 = arith.cmpi slt, %convert_element_type3A_549, %lt3A_570 : vector<16xi32>
        %and3A_572 = arith.andi %and3A_568, %lt3A_571 : vector<16xi1>
        %mul3A_573 = arith.constant 128 : i32
        %mul3A_574 = vector.broadcast %mul3A_573 : i32 to vector<16xi32>
        %mul3A_575 = arith.muli %convert_element_type3A_521, %mul3A_574 : vector<16xi32>
        %add3A_576 = arith.addi %mul3A_575, %convert_element_type3A_535 : vector<16xi32>
        %add3A_577 = arith.constant 16384 : i32
        %add3A_578 = arith.addi %add3A_577, %arg1 : i32
        %broadcast_in_dim3A_579 = vector.broadcast %add3A_578 : i32 to vector<16xi32>
        %select_n3A_580 = arith.select %and3A_572, %add3A_576, %broadcast_in_dim3A_579 : vector<16xi1>, vector<16xi32>
        %swap3A_581 = arith.constant 0 : i32
        %swap3A_582 = arith.index_cast %swap3A_581 : i32 to index
        %swap3A_583 = arith.constant 48 : index
        %swap3A_584 = tpu.vector_load %arg8[%swap3A_582, %swap3A_583] {strides = array<i32>} : memref<3x176xi32, #tpu.memory_space<vmem>>, vector<1x16xi32>,
        %swap3A_585 = vector.shape_cast %swap3A_584 : vector<1x16xi32> to vector<16xi32>
        %swap3A_586 = vector.shape_cast %select_n3A_580 : vector<16xi32> to vector<1x16xi32>
        tpu.vector_store %arg8[%swap3A_582, %swap3A_583], %swap3A_586 {strides = array<i32>} : memref<3x176xi32, #tpu.memory_space<vmem>>, vector<1x16xi32>,
        %get3A_587 = arith.constant 0 : i32
        %get3A_588 = arith.constant 0 : i32
        %get3A_589 = arith.index_cast %get3A_587 : i32 to index
        %get3A_590 = arith.index_cast %get3A_588 : i32 to index
        %get3A_591 = arith.constant 64 : index
        %get3A_592 = tpu.vector_load %arg6[%get3A_589, %get3A_590, %get3A_591] {strides = array<i32>} : memref<3x3x176xf32, #tpu.memory_space<vmem>>, vector<1x1x16xf32>,
        %get3A_593 = vector.shape_cast %get3A_592 : vector<1x1x16xf32> to vector<16xf32>
        %sub3A_594 = arith.constant -5.120000e+01 : f32
        %sub3A_595 = vector.broadcast %sub3A_594 : f32 to vector<16xf32>
        %sub3A_596 = arith.subf %get3A_593, %sub3A_595 : vector<16xf32>
        %div3A_597 = arith.constant 8.000000e-01 : f32
        %div3A_598 = vector.broadcast %div3A_597 : f32 to vector<16xf32>
        %div3A_599 = arith.divf %sub3A_596, %div3A_598 : vector<16xf32>
        %convert_element_type3A_600 = arith.fptosi %div3A_599 : vector<16xf32> to vector<16xi32>
        %get3A_601 = arith.constant 0 : i32
        %get3A_602 = arith.constant 1 : i32
        %get3A_603 = arith.index_cast %get3A_601 : i32 to index
        %get3A_604 = arith.index_cast %get3A_602 : i32 to index
        %get3A_605 = arith.constant 64 : index
        %get3A_606 = tpu.vector_load %arg6[%get3A_603, %get3A_604, %get3A_605] {strides = array<i32>} : memref<3x3x176xf32, #tpu.memory_space<vmem>>, vector<1x1x16xf32>,
        %get3A_607 = vector.shape_cast %get3A_606 : vector<1x1x16xf32> to vector<16xf32>
        %sub3A_608 = arith.constant -5.120000e+01 : f32
        %sub3A_609 = vector.broadcast %sub3A_608 : f32 to vector<16xf32>
        %sub3A_610 = arith.subf %get3A_607, %sub3A_609 : vector<16xf32>
        %div3A_611 = arith.constant 8.000000e-01 : f32
        %div3A_612 = vector.broadcast %div3A_611 : f32 to vector<16xf32>
        %div3A_613 = arith.divf %sub3A_610, %div3A_612 : vector<16xf32>
        %convert_element_type3A_614 = arith.fptosi %div3A_613 : vector<16xf32> to vector<16xi32>
        %get3A_615 = arith.constant 0 : i32
        %get3A_616 = arith.constant 2 : i32
        %get3A_617 = arith.index_cast %get3A_615 : i32 to index
        %get3A_618 = arith.index_cast %get3A_616 : i32 to index
        %get3A_619 = arith.constant 64 : index
        %get3A_620 = tpu.vector_load %arg6[%get3A_617, %get3A_618, %get3A_619] {strides = array<i32>} : memref<3x3x176xf32, #tpu.memory_space<vmem>>, vector<1x1x16xf32>,
        %get3A_621 = vector.shape_cast %get3A_620 : vector<1x1x16xf32> to vector<16xf32>
        %sub3A_622 = arith.constant -5.000000e+00 : f32
        %sub3A_623 = vector.broadcast %sub3A_622 : f32 to vector<16xf32>
        %sub3A_624 = arith.subf %get3A_621, %sub3A_623 : vector<16xf32>
        %div3A_625 = arith.constant 8.000000e+00 : f32
        %div3A_626 = vector.broadcast %div3A_625 : f32 to vector<16xf32>
        %div3A_627 = arith.divf %sub3A_624, %div3A_626 : vector<16xf32>
        %convert_element_type3A_628 = arith.fptosi %div3A_627 : vector<16xf32> to vector<16xi32>
        %ge3A_629 = arith.constant 0 : i32
        %ge3A_630 = vector.broadcast %ge3A_629 : i32 to vector<16xi32>
        %ge3A_631 = arith.cmpi sge, %convert_element_type3A_600, %ge3A_630 : vector<16xi32>
        %lt3A_632 = arith.constant 128 : i32
        %lt3A_633 = vector.broadcast %lt3A_632 : i32 to vector<16xi32>
        %lt3A_634 = arith.cmpi slt, %convert_element_type3A_600, %lt3A_633 : vector<16xi32>
        %and3A_635 = arith.andi %ge3A_631, %lt3A_634 : vector<16xi1>
        %ge3A_636 = arith.constant 0 : i32
        %ge3A_637 = vector.broadcast %ge3A_636 : i32 to vector<16xi32>
        %ge3A_638 = arith.cmpi sge, %convert_element_type3A_614, %ge3A_637 : vector<16xi32>
        %and3A_639 = arith.andi %and3A_635, %ge3A_638 : vector<16xi1>
        %lt3A_640 = arith.constant 128 : i32
        %lt3A_641 = vector.broadcast %lt3A_640 : i32 to vector<16xi32>
        %lt3A_642 = arith.cmpi slt, %convert_element_type3A_614, %lt3A_641 : vector<16xi32>
        %and3A_643 = arith.andi %and3A_639, %lt3A_642 : vector<16xi1>
        %ge3A_644 = arith.constant 0 : i32
        %ge3A_645 = vector.broadcast %ge3A_644 : i32 to vector<16xi32>
        %ge3A_646 = arith.cmpi sge, %convert_element_type3A_628, %ge3A_645 : vector<16xi32>
        %and3A_647 = arith.andi %and3A_643, %ge3A_646 : vector<16xi1>
        %lt3A_648 = arith.constant 1 : i32
        %lt3A_649 = vector.broadcast %lt3A_648 : i32 to vector<16xi32>
        %lt3A_650 = arith.cmpi slt, %convert_element_type3A_628, %lt3A_649 : vector<16xi32>
        %and3A_651 = arith.andi %and3A_647, %lt3A_650 : vector<16xi1>
        %mul3A_652 = arith.constant 128 : i32
        %mul3A_653 = vector.broadcast %mul3A_652 : i32 to vector<16xi32>
        %mul3A_654 = arith.muli %convert_element_type3A_600, %mul3A_653 : vector<16xi32>
        %add3A_655 = arith.addi %mul3A_654, %convert_element_type3A_614 : vector<16xi32>
        %add3A_656 = arith.constant 16384 : i32
        %add3A_657 = arith.addi %add3A_656, %arg1 : i32
        %broadcast_in_dim3A_658 = vector.broadcast %add3A_657 : i32 to vector<16xi32>
        %select_n3A_659 = arith.select %and3A_651, %add3A_655, %broadcast_in_dim3A_658 : vector<16xi1>, vector<16xi32>
        %swap3A_660 = arith.constant 0 : i32
        %swap3A_661 = arith.index_cast %swap3A_660 : i32 to index
        %swap3A_662 = arith.constant 64 : index
        %swap3A_663 = tpu.vector_load %arg8[%swap3A_661, %swap3A_662] {strides = array<i32>} : memref<3x176xi32, #tpu.memory_space<vmem>>, vector<1x16xi32>,
        %swap3A_664 = vector.shape_cast %swap3A_663 : vector<1x16xi32> to vector<16xi32>
        %swap3A_665 = vector.shape_cast %select_n3A_659 : vector<16xi32> to vector<1x16xi32>
        tpu.vector_store %arg8[%swap3A_661, %swap3A_662], %swap3A_665 {strides = array<i32>} : memref<3x176xi32, #tpu.memory_space<vmem>>, vector<1x16xi32>,
        %get3A_666 = arith.constant 0 : i32
        %get3A_667 = arith.constant 0 : i32
        %get3A_668 = arith.index_cast %get3A_666 : i32 to index
        %get3A_669 = arith.index_cast %get3A_667 : i32 to index
        %get3A_670 = arith.constant 80 : index
        %get3A_671 = tpu.vector_load %arg6[%get3A_668, %get3A_669, %get3A_670] {strides = array<i32>} : memref<3x3x176xf32, #tpu.memory_space<vmem>>, vector<1x1x16xf32>,
        %get3A_672 = vector.shape_cast %get3A_671 : vector<1x1x16xf32> to vector<16xf32>
        %sub3A_673 = arith.constant -5.120000e+01 : f32
        %sub3A_674 = vector.broadcast %sub3A_673 : f32 to vector<16xf32>
        %sub3A_675 = arith.subf %get3A_672, %sub3A_674 : vector<16xf32>
        %div3A_676 = arith.constant 8.000000e-01 : f32
        %div3A_677 = vector.broadcast %div3A_676 : f32 to vector<16xf32>
        %div3A_678 = arith.divf %sub3A_675, %div3A_677 : vector<16xf32>
        %convert_element_type3A_679 = arith.fptosi %div3A_678 : vector<16xf32> to vector<16xi32>
        %get3A_680 = arith.constant 0 : i32
        %get3A_681 = arith.constant 1 : i32
        %get3A_682 = arith.index_cast %get3A_680 : i32 to index
        %get3A_683 = arith.index_cast %get3A_681 : i32 to index
        %get3A_684 = arith.constant 80 : index
        %get3A_685 = tpu.vector_load %arg6[%get3A_682, %get3A_683, %get3A_684] {strides = array<i32>} : memref<3x3x176xf32, #tpu.memory_space<vmem>>, vector<1x1x16xf32>,
        %get3A_686 = vector.shape_cast %get3A_685 : vector<1x1x16xf32> to vector<16xf32>
        %sub3A_687 = arith.constant -5.120000e+01 : f32
        %sub3A_688 = vector.broadcast %sub3A_687 : f32 to vector<16xf32>
        %sub3A_689 = arith.subf %get3A_686, %sub3A_688 : vector<16xf32>
        %div3A_690 = arith.constant 8.000000e-01 : f32
        %div3A_691 = vector.broadcast %div3A_690 : f32 to vector<16xf32>
        %div3A_692 = arith.divf %sub3A_689, %div3A_691 : vector<16xf32>
        %convert_element_type3A_693 = arith.fptosi %div3A_692 : vector<16xf32> to vector<16xi32>
        %get3A_694 = arith.constant 0 : i32
        %get3A_695 = arith.constant 2 : i32
        %get3A_696 = arith.index_cast %get3A_694 : i32 to index
        %get3A_697 = arith.index_cast %get3A_695 : i32 to index
        %get3A_698 = arith.constant 80 : index
        %get3A_699 = tpu.vector_load %arg6[%get3A_696, %get3A_697, %get3A_698] {strides = array<i32>} : memref<3x3x176xf32, #tpu.memory_space<vmem>>, vector<1x1x16xf32>,
        %get3A_700 = vector.shape_cast %get3A_699 : vector<1x1x16xf32> to vector<16xf32>
        %sub3A_701 = arith.constant -5.000000e+00 : f32
        %sub3A_702 = vector.broadcast %sub3A_701 : f32 to vector<16xf32>
        %sub3A_703 = arith.subf %get3A_700, %sub3A_702 : vector<16xf32>
        %div3A_704 = arith.constant 8.000000e+00 : f32
        %div3A_705 = vector.broadcast %div3A_704 : f32 to vector<16xf32>
        %div3A_706 = arith.divf %sub3A_703, %div3A_705 : vector<16xf32>
        %convert_element_type3A_707 = arith.fptosi %div3A_706 : vector<16xf32> to vector<16xi32>
        %ge3A_708 = arith.constant 0 : i32
        %ge3A_709 = vector.broadcast %ge3A_708 : i32 to vector<16xi32>
        %ge3A_710 = arith.cmpi sge, %convert_element_type3A_679, %ge3A_709 : vector<16xi32>
        %lt3A_711 = arith.constant 128 : i32
        %lt3A_712 = vector.broadcast %lt3A_711 : i32 to vector<16xi32>
        %lt3A_713 = arith.cmpi slt, %convert_element_type3A_679, %lt3A_712 : vector<16xi32>
        %and3A_714 = arith.andi %ge3A_710, %lt3A_713 : vector<16xi1>
        %ge3A_715 = arith.constant 0 : i32
        %ge3A_716 = vector.broadcast %ge3A_715 : i32 to vector<16xi32>
        %ge3A_717 = arith.cmpi sge, %convert_element_type3A_693, %ge3A_716 : vector<16xi32>
        %and3A_718 = arith.andi %and3A_714, %ge3A_717 : vector<16xi1>
        %lt3A_719 = arith.constant 128 : i32
        %lt3A_720 = vector.broadcast %lt3A_719 : i32 to vector<16xi32>
        %lt3A_721 = arith.cmpi slt, %convert_element_type3A_693, %lt3A_720 : vector<16xi32>
        %and3A_722 = arith.andi %and3A_718, %lt3A_721 : vector<16xi1>
        %ge3A_723 = arith.constant 0 : i32
        %ge3A_724 = vector.broadcast %ge3A_723 : i32 to vector<16xi32>
        %ge3A_725 = arith.cmpi sge, %convert_element_type3A_707, %ge3A_724 : vector<16xi32>
        %and3A_726 = arith.andi %and3A_722, %ge3A_725 : vector<16xi1>
        %lt3A_727 = arith.constant 1 : i32
        %lt3A_728 = vector.broadcast %lt3A_727 : i32 to vector<16xi32>
        %lt3A_729 = arith.cmpi slt, %convert_element_type3A_707, %lt3A_728 : vector<16xi32>
        %and3A_730 = arith.andi %and3A_726, %lt3A_729 : vector<16xi1>
        %mul3A_731 = arith.constant 128 : i32
        %mul3A_732 = vector.broadcast %mul3A_731 : i32 to vector<16xi32>
        %mul3A_733 = arith.muli %convert_element_type3A_679, %mul3A_732 : vector<16xi32>
        %add3A_734 = arith.addi %mul3A_733, %convert_element_type3A_693 : vector<16xi32>
        %add3A_735 = arith.constant 16384 : i32
        %add3A_736 = arith.addi %add3A_735, %arg1 : i32
        %broadcast_in_dim3A_737 = vector.broadcast %add3A_736 : i32 to vector<16xi32>
        %select_n3A_738 = arith.select %and3A_730, %add3A_734, %broadcast_in_dim3A_737 : vector<16xi1>, vector<16xi32>
        %swap3A_739 = arith.constant 0 : i32
        %swap3A_740 = arith.index_cast %swap3A_739 : i32 to index
        %swap3A_741 = arith.constant 80 : index
        %swap3A_742 = tpu.vector_load %arg8[%swap3A_740, %swap3A_741] {strides = array<i32>} : memref<3x176xi32, #tpu.memory_space<vmem>>, vector<1x16xi32>,
        %swap3A_743 = vector.shape_cast %swap3A_742 : vector<1x16xi32> to vector<16xi32>
        %swap3A_744 = vector.shape_cast %select_n3A_738 : vector<16xi32> to vector<1x16xi32>
        tpu.vector_store %arg8[%swap3A_740, %swap3A_741], %swap3A_744 {strides = array<i32>} : memref<3x176xi32, #tpu.memory_space<vmem>>, vector<1x16xi32>,
        %get3A_745 = arith.constant 0 : i32
        %get3A_746 = arith.constant 0 : i32
        %get3A_747 = arith.index_cast %get3A_745 : i32 to index
        %get3A_748 = arith.index_cast %get3A_746 : i32 to index
        %get3A_749 = arith.constant 96 : index
        %get3A_750 = tpu.vector_load %arg6[%get3A_747, %get3A_748, %get3A_749] {strides = array<i32>} : memref<3x3x176xf32, #tpu.memory_space<vmem>>, vector<1x1x16xf32>,
        %get3A_751 = vector.shape_cast %get3A_750 : vector<1x1x16xf32> to vector<16xf32>
        %sub3A_752 = arith.constant -5.120000e+01 : f32
        %sub3A_753 = vector.broadcast %sub3A_752 : f32 to vector<16xf32>
        %sub3A_754 = arith.subf %get3A_751, %sub3A_753 : vector<16xf32>
        %div3A_755 = arith.constant 8.000000e-01 : f32
        %div3A_756 = vector.broadcast %div3A_755 : f32 to vector<16xf32>
        %div3A_757 = arith.divf %sub3A_754, %div3A_756 : vector<16xf32>
        %convert_element_type3A_758 = arith.fptosi %div3A_757 : vector<16xf32> to vector<16xi32>
        %get3A_759 = arith.constant 0 : i32
        %get3A_760 = arith.constant 1 : i32
        %get3A_761 = arith.index_cast %get3A_759 : i32 to index
        %get3A_762 = arith.index_cast %get3A_760 : i32 to index
        %get3A_763 = arith.constant 96 : index
        %get3A_764 = tpu.vector_load %arg6[%get3A_761, %get3A_762, %get3A_763] {strides = array<i32>} : memref<3x3x176xf32, #tpu.memory_space<vmem>>, vector<1x1x16xf32>,
        %get3A_765 = vector.shape_cast %get3A_764 : vector<1x1x16xf32> to vector<16xf32>
        %sub3A_766 = arith.constant -5.120000e+01 : f32
        %sub3A_767 = vector.broadcast %sub3A_766 : f32 to vector<16xf32>
        %sub3A_768 = arith.subf %get3A_765, %sub3A_767 : vector<16xf32>
        %div3A_769 = arith.constant 8.000000e-01 : f32
        %div3A_770 = vector.broadcast %div3A_769 : f32 to vector<16xf32>
        %div3A_771 = arith.divf %sub3A_768, %div3A_770 : vector<16xf32>
        %convert_element_type3A_772 = arith.fptosi %div3A_771 : vector<16xf32> to vector<16xi32>
        %get3A_773 = arith.constant 0 : i32
        %get3A_774 = arith.constant 2 : i32
        %get3A_775 = arith.index_cast %get3A_773 : i32 to index
        %get3A_776 = arith.index_cast %get3A_774 : i32 to index
        %get3A_777 = arith.constant 96 : index
        %get3A_778 = tpu.vector_load %arg6[%get3A_775, %get3A_776, %get3A_777] {strides = array<i32>} : memref<3x3x176xf32, #tpu.memory_space<vmem>>, vector<1x1x16xf32>,
        %get3A_779 = vector.shape_cast %get3A_778 : vector<1x1x16xf32> to vector<16xf32>
        %sub3A_780 = arith.constant -5.000000e+00 : f32
        %sub3A_781 = vector.broadcast %sub3A_780 : f32 to vector<16xf32>
        %sub3A_782 = arith.subf %get3A_779, %sub3A_781 : vector<16xf32>
        %div3A_783 = arith.constant 8.000000e+00 : f32
        %div3A_784 = vector.broadcast %div3A_783 : f32 to vector<16xf32>
        %div3A_785 = arith.divf %sub3A_782, %div3A_784 : vector<16xf32>
        %convert_element_type3A_786 = arith.fptosi %div3A_785 : vector<16xf32> to vector<16xi32>
        %ge3A_787 = arith.constant 0 : i32
        %ge3A_788 = vector.broadcast %ge3A_787 : i32 to vector<16xi32>
        %ge3A_789 = arith.cmpi sge, %convert_element_type3A_758, %ge3A_788 : vector<16xi32>
        %lt3A_790 = arith.constant 128 : i32
        %lt3A_791 = vector.broadcast %lt3A_790 : i32 to vector<16xi32>
        %lt3A_792 = arith.cmpi slt, %convert_element_type3A_758, %lt3A_791 : vector<16xi32>
        %and3A_793 = arith.andi %ge3A_789, %lt3A_792 : vector<16xi1>
        %ge3A_794 = arith.constant 0 : i32
        %ge3A_795 = vector.broadcast %ge3A_794 : i32 to vector<16xi32>
        %ge3A_796 = arith.cmpi sge, %convert_element_type3A_772, %ge3A_795 : vector<16xi32>
        %and3A_797 = arith.andi %and3A_793, %ge3A_796 : vector<16xi1>
        %lt3A_798 = arith.constant 128 : i32
        %lt3A_799 = vector.broadcast %lt3A_798 : i32 to vector<16xi32>
        %lt3A_800 = arith.cmpi slt, %convert_element_type3A_772, %lt3A_799 : vector<16xi32>
        %and3A_801 = arith.andi %and3A_797, %lt3A_800 : vector<16xi1>
        %ge3A_802 = arith.constant 0 : i32
        %ge3A_803 = vector.broadcast %ge3A_802 : i32 to vector<16xi32>
        %ge3A_804 = arith.cmpi sge, %convert_element_type3A_786, %ge3A_803 : vector<16xi32>
        %and3A_805 = arith.andi %and3A_801, %ge3A_804 : vector<16xi1>
        %lt3A_806 = arith.constant 1 : i32
        %lt3A_807 = vector.broadcast %lt3A_806 : i32 to vector<16xi32>
        %lt3A_808 = arith.cmpi slt, %convert_element_type3A_786, %lt3A_807 : vector<16xi32>
        %and3A_809 = arith.andi %and3A_805, %lt3A_808 : vector<16xi1>
        %mul3A_810 = arith.constant 128 : i32
        %mul3A_811 = vector.broadcast %mul3A_810 : i32 to vector<16xi32>
        %mul3A_812 = arith.muli %convert_element_type3A_758, %mul3A_811 : vector<16xi32>
        %add3A_813 = arith.addi %mul3A_812, %convert_element_type3A_772 : vector<16xi32>
        %add3A_814 = arith.constant 16384 : i32
        %add3A_815 = arith.addi %add3A_814, %arg1 : i32
        %broadcast_in_dim3A_816 = vector.broadcast %add3A_815 : i32 to vector<16xi32>
        %select_n3A_817 = arith.select %and3A_809, %add3A_813, %broadcast_in_dim3A_816 : vector<16xi1>, vector<16xi32>
        %swap3A_818 = arith.constant 0 : i32
        %swap3A_819 = arith.index_cast %swap3A_818 : i32 to index
        %swap3A_820 = arith.constant 96 : index
        %swap3A_821 = tpu.vector_load %arg8[%swap3A_819, %swap3A_820] {strides = array<i32>} : memref<3x176xi32, #tpu.memory_space<vmem>>, vector<1x16xi32>,
        %swap3A_822 = vector.shape_cast %swap3A_821 : vector<1x16xi32> to vector<16xi32>
        %swap3A_823 = vector.shape_cast %select_n3A_817 : vector<16xi32> to vector<1x16xi32>
        tpu.vector_store %arg8[%swap3A_819, %swap3A_820], %swap3A_823 {strides = array<i32>} : memref<3x176xi32, #tpu.memory_space<vmem>>, vector<1x16xi32>,
        %get3A_824 = arith.constant 0 : i32
        %get3A_825 = arith.constant 0 : i32
        %get3A_826 = arith.index_cast %get3A_824 : i32 to index
        %get3A_827 = arith.index_cast %get3A_825 : i32 to index
        %get3A_828 = arith.constant 112 : index
        %get3A_829 = tpu.vector_load %arg6[%get3A_826, %get3A_827, %get3A_828] {strides = array<i32>} : memref<3x3x176xf32, #tpu.memory_space<vmem>>, vector<1x1x16xf32>,
        %get3A_830 = vector.shape_cast %get3A_829 : vector<1x1x16xf32> to vector<16xf32>
        %sub3A_831 = arith.constant -5.120000e+01 : f32
        %sub3A_832 = vector.broadcast %sub3A_831 : f32 to vector<16xf32>
        %sub3A_833 = arith.subf %get3A_830, %sub3A_832 : vector<16xf32>
        %div3A_834 = arith.constant 8.000000e-01 : f32
        %div3A_835 = vector.broadcast %div3A_834 : f32 to vector<16xf32>
        %div3A_836 = arith.divf %sub3A_833, %div3A_835 : vector<16xf32>
        %convert_element_type3A_837 = arith.fptosi %div3A_836 : vector<16xf32> to vector<16xi32>
        %get3A_838 = arith.constant 0 : i32
        %get3A_839 = arith.constant 1 : i32
        %get3A_840 = arith.index_cast %get3A_838 : i32 to index
        %get3A_841 = arith.index_cast %get3A_839 : i32 to index
        %get3A_842 = arith.constant 112 : index
        %get3A_843 = tpu.vector_load %arg6[%get3A_840, %get3A_841, %get3A_842] {strides = array<i32>} : memref<3x3x176xf32, #tpu.memory_space<vmem>>, vector<1x1x16xf32>,
        %get3A_844 = vector.shape_cast %get3A_843 : vector<1x1x16xf32> to vector<16xf32>
        %sub3A_845 = arith.constant -5.120000e+01 : f32
        %sub3A_846 = vector.broadcast %sub3A_845 : f32 to vector<16xf32>
        %sub3A_847 = arith.subf %get3A_844, %sub3A_846 : vector<16xf32>
        %div3A_848 = arith.constant 8.000000e-01 : f32
        %div3A_849 = vector.broadcast %div3A_848 : f32 to vector<16xf32>
        %div3A_850 = arith.divf %sub3A_847, %div3A_849 : vector<16xf32>
        %convert_element_type3A_851 = arith.fptosi %div3A_850 : vector<16xf32> to vector<16xi32>
        %get3A_852 = arith.constant 0 : i32
        %get3A_853 = arith.constant 2 : i32
        %get3A_854 = arith.index_cast %get3A_852 : i32 to index
        %get3A_855 = arith.index_cast %get3A_853 : i32 to index
        %get3A_856 = arith.constant 112 : index
        %get3A_857 = tpu.vector_load %arg6[%get3A_854, %get3A_855, %get3A_856] {strides = array<i32>} : memref<3x3x176xf32, #tpu.memory_space<vmem>>, vector<1x1x16xf32>,
        %get3A_858 = vector.shape_cast %get3A_857 : vector<1x1x16xf32> to vector<16xf32>
        %sub3A_859 = arith.constant -5.000000e+00 : f32
        %sub3A_860 = vector.broadcast %sub3A_859 : f32 to vector<16xf32>
        %sub3A_861 = arith.subf %get3A_858, %sub3A_860 : vector<16xf32>
        %div3A_862 = arith.constant 8.000000e+00 : f32
        %div3A_863 = vector.broadcast %div3A_862 : f32 to vector<16xf32>
        %div3A_864 = arith.divf %sub3A_861, %div3A_863 : vector<16xf32>
        %convert_element_type3A_865 = arith.fptosi %div3A_864 : vector<16xf32> to vector<16xi32>
        %ge3A_866 = arith.constant 0 : i32
        %ge3A_867 = vector.broadcast %ge3A_866 : i32 to vector<16xi32>
        %ge3A_868 = arith.cmpi sge, %convert_element_type3A_837, %ge3A_867 : vector<16xi32>
        %lt3A_869 = arith.constant 128 : i32
        %lt3A_870 = vector.broadcast %lt3A_869 : i32 to vector<16xi32>
        %lt3A_871 = arith.cmpi slt, %convert_element_type3A_837, %lt3A_870 : vector<16xi32>
        %and3A_872 = arith.andi %ge3A_868, %lt3A_871 : vector<16xi1>
        %ge3A_873 = arith.constant 0 : i32
        %ge3A_874 = vector.broadcast %ge3A_873 : i32 to vector<16xi32>
        %ge3A_875 = arith.cmpi sge, %convert_element_type3A_851, %ge3A_874 : vector<16xi32>
        %and3A_876 = arith.andi %and3A_872, %ge3A_875 : vector<16xi1>
        %lt3A_877 = arith.constant 128 : i32
        %lt3A_878 = vector.broadcast %lt3A_877 : i32 to vector<16xi32>
        %lt3A_879 = arith.cmpi slt, %convert_element_type3A_851, %lt3A_878 : vector<16xi32>
        %and3A_880 = arith.andi %and3A_876, %lt3A_879 : vector<16xi1>
        %ge3A_881 = arith.constant 0 : i32
        %ge3A_882 = vector.broadcast %ge3A_881 : i32 to vector<16xi32>
        %ge3A_883 = arith.cmpi sge, %convert_element_type3A_865, %ge3A_882 : vector<16xi32>
        %and3A_884 = arith.andi %and3A_880, %ge3A_883 : vector<16xi1>
        %lt3A_885 = arith.constant 1 : i32
        %lt3A_886 = vector.broadcast %lt3A_885 : i32 to vector<16xi32>
        %lt3A_887 = arith.cmpi slt, %convert_element_type3A_865, %lt3A_886 : vector<16xi32>
        %and3A_888 = arith.andi %and3A_884, %lt3A_887 : vector<16xi1>
        %mul3A_889 = arith.constant 128 : i32
        %mul3A_890 = vector.broadcast %mul3A_889 : i32 to vector<16xi32>
        %mul3A_891 = arith.muli %convert_element_type3A_837, %mul3A_890 : vector<16xi32>
        %add3A_892 = arith.addi %mul3A_891, %convert_element_type3A_851 : vector<16xi32>
        %add3A_893 = arith.constant 16384 : i32
        %add3A_894 = arith.addi %add3A_893, %arg1 : i32
        %broadcast_in_dim3A_895 = vector.broadcast %add3A_894 : i32 to vector<16xi32>
        %select_n3A_896 = arith.select %and3A_888, %add3A_892, %broadcast_in_dim3A_895 : vector<16xi1>, vector<16xi32>
        %swap3A_897 = arith.constant 0 : i32
        %swap3A_898 = arith.index_cast %swap3A_897 : i32 to index
        %swap3A_899 = arith.constant 112 : index
        %swap3A_900 = tpu.vector_load %arg8[%swap3A_898, %swap3A_899] {strides = array<i32>} : memref<3x176xi32, #tpu.memory_space<vmem>>, vector<1x16xi32>,
        %swap3A_901 = vector.shape_cast %swap3A_900 : vector<1x16xi32> to vector<16xi32>
        %swap3A_902 = vector.shape_cast %select_n3A_896 : vector<16xi32> to vector<1x16xi32>
        tpu.vector_store %arg8[%swap3A_898, %swap3A_899], %swap3A_902 {strides = array<i32>} : memref<3x176xi32, #tpu.memory_space<vmem>>, vector<1x16xi32>,
        %get3A_903 = arith.constant 0 : i32
        %get3A_904 = arith.constant 0 : i32
        %get3A_905 = arith.index_cast %get3A_903 : i32 to index
        %get3A_906 = arith.index_cast %get3A_904 : i32 to index
        %get3A_907 = arith.constant 128 : index
        %get3A_908 = tpu.vector_load %arg6[%get3A_905, %get3A_906, %get3A_907] {strides = array<i32>} : memref<3x3x176xf32, #tpu.memory_space<vmem>>, vector<1x1x16xf32>,
        %get3A_909 = vector.shape_cast %get3A_908 : vector<1x1x16xf32> to vector<16xf32>
        %sub3A_910 = arith.constant -5.120000e+01 : f32
        %sub3A_911 = vector.broadcast %sub3A_910 : f32 to vector<16xf32>
        %sub3A_912 = arith.subf %get3A_909, %sub3A_911 : vector<16xf32>
        %div3A_913 = arith.constant 8.000000e-01 : f32
        %div3A_914 = vector.broadcast %div3A_913 : f32 to vector<16xf32>
        %div3A_915 = arith.divf %sub3A_912, %div3A_914 : vector<16xf32>
        %convert_element_type3A_916 = arith.fptosi %div3A_915 : vector<16xf32> to vector<16xi32>
        %get3A_917 = arith.constant 0 : i32
        %get3A_918 = arith.constant 1 : i32
        %get3A_919 = arith.index_cast %get3A_917 : i32 to index
        %get3A_920 = arith.index_cast %get3A_918 : i32 to index
        %get3A_921 = arith.constant 128 : index
        %get3A_922 = tpu.vector_load %arg6[%get3A_919, %get3A_920, %get3A_921] {strides = array<i32>} : memref<3x3x176xf32, #tpu.memory_space<vmem>>, vector<1x1x16xf32>,
        %get3A_923 = vector.shape_cast %get3A_922 : vector<1x1x16xf32> to vector<16xf32>
        %sub3A_924 = arith.constant -5.120000e+01 : f32
        %sub3A_925 = vector.broadcast %sub3A_924 : f32 to vector<16xf32>
        %sub3A_926 = arith.subf %get3A_923, %sub3A_925 : vector<16xf32>
        %div3A_927 = arith.constant 8.000000e-01 : f32
        %div3A_928 = vector.broadcast %div3A_927 : f32 to vector<16xf32>
        %div3A_929 = arith.divf %sub3A_926, %div3A_928 : vector<16xf32>
        %convert_element_type3A_930 = arith.fptosi %div3A_929 : vector<16xf32> to vector<16xi32>
        %get3A_931 = arith.constant 0 : i32
        %get3A_932 = arith.constant 2 : i32
        %get3A_933 = arith.index_cast %get3A_931 : i32 to index
        %get3A_934 = arith.index_cast %get3A_932 : i32 to index
        %get3A_935 = arith.constant 128 : index
        %get3A_936 = tpu.vector_load %arg6[%get3A_933, %get3A_934, %get3A_935] {strides = array<i32>} : memref<3x3x176xf32, #tpu.memory_space<vmem>>, vector<1x1x16xf32>,
        %get3A_937 = vector.shape_cast %get3A_936 : vector<1x1x16xf32> to vector<16xf32>
        %sub3A_938 = arith.constant -5.000000e+00 : f32
        %sub3A_939 = vector.broadcast %sub3A_938 : f32 to vector<16xf32>
        %sub3A_940 = arith.subf %get3A_937, %sub3A_939 : vector<16xf32>
        %div3A_941 = arith.constant 8.000000e+00 : f32
        %div3A_942 = vector.broadcast %div3A_941 : f32 to vector<16xf32>
        %div3A_943 = arith.divf %sub3A_940, %div3A_942 : vector<16xf32>
        %convert_element_type3A_944 = arith.fptosi %div3A_943 : vector<16xf32> to vector<16xi32>
        %ge3A_945 = arith.constant 0 : i32
        %ge3A_946 = vector.broadcast %ge3A_945 : i32 to vector<16xi32>
        %ge3A_947 = arith.cmpi sge, %convert_element_type3A_916, %ge3A_946 : vector<16xi32>
        %lt3A_948 = arith.constant 128 : i32
        %lt3A_949 = vector.broadcast %lt3A_948 : i32 to vector<16xi32>
        %lt3A_950 = arith.cmpi slt, %convert_element_type3A_916, %lt3A_949 : vector<16xi32>
        %and3A_951 = arith.andi %ge3A_947, %lt3A_950 : vector<16xi1>
        %ge3A_952 = arith.constant 0 : i32
        %ge3A_953 = vector.broadcast %ge3A_952 : i32 to vector<16xi32>
        %ge3A_954 = arith.cmpi sge, %convert_element_type3A_930, %ge3A_953 : vector<16xi32>
        %and3A_955 = arith.andi %and3A_951, %ge3A_954 : vector<16xi1>
        %lt3A_956 = arith.constant 128 : i32
        %lt3A_957 = vector.broadcast %lt3A_956 : i32 to vector<16xi32>
        %lt3A_958 = arith.cmpi slt, %convert_element_type3A_930, %lt3A_957 : vector<16xi32>
        %and3A_959 = arith.andi %and3A_955, %lt3A_958 : vector<16xi1>
        %ge3A_960 = arith.constant 0 : i32
        %ge3A_961 = vector.broadcast %ge3A_960 : i32 to vector<16xi32>
        %ge3A_962 = arith.cmpi sge, %convert_element_type3A_944, %ge3A_961 : vector<16xi32>
        %and3A_963 = arith.andi %and3A_959, %ge3A_962 : vector<16xi1>
        %lt3A_964 = arith.constant 1 : i32
        %lt3A_965 = vector.broadcast %lt3A_964 : i32 to vector<16xi32>
        %lt3A_966 = arith.cmpi slt, %convert_element_type3A_944, %lt3A_965 : vector<16xi32>
        %and3A_967 = arith.andi %and3A_963, %lt3A_966 : vector<16xi1>
        %mul3A_968 = arith.constant 128 : i32
        %mul3A_969 = vector.broadcast %mul3A_968 : i32 to vector<16xi32>
        %mul3A_970 = arith.muli %convert_element_type3A_916, %mul3A_969 : vector<16xi32>
        %add3A_971 = arith.addi %mul3A_970, %convert_element_type3A_930 : vector<16xi32>
        %add3A_972 = arith.constant 16384 : i32
        %add3A_973 = arith.addi %add3A_972, %arg1 : i32
        %broadcast_in_dim3A_974 = vector.broadcast %add3A_973 : i32 to vector<16xi32>
        %select_n3A_975 = arith.select %and3A_967, %add3A_971, %broadcast_in_dim3A_974 : vector<16xi1>, vector<16xi32>
        %swap3A_976 = arith.constant 0 : i32
        %swap3A_977 = arith.index_cast %swap3A_976 : i32 to index
        %swap3A_978 = arith.constant 128 : index
        %swap3A_979 = tpu.vector_load %arg8[%swap3A_977, %swap3A_978] {strides = array<i32>} : memref<3x176xi32, #tpu.memory_space<vmem>>, vector<1x16xi32>,
        %swap3A_980 = vector.shape_cast %swap3A_979 : vector<1x16xi32> to vector<16xi32>
        %swap3A_981 = vector.shape_cast %select_n3A_975 : vector<16xi32> to vector<1x16xi32>
        tpu.vector_store %arg8[%swap3A_977, %swap3A_978], %swap3A_981 {strides = array<i32>} : memref<3x176xi32, #tpu.memory_space<vmem>>, vector<1x16xi32>,
        %get3A_982 = arith.constant 0 : i32
        %get3A_983 = arith.constant 0 : i32
        %get3A_984 = arith.index_cast %get3A_982 : i32 to index
        %get3A_985 = arith.index_cast %get3A_983 : i32 to index
        %get3A_986 = arith.constant 144 : index
        %get3A_987 = tpu.vector_load %arg6[%get3A_984, %get3A_985, %get3A_986] {strides = array<i32>} : memref<3x3x176xf32, #tpu.memory_space<vmem>>, vector<1x1x16xf32>,
        %get3A_988 = vector.shape_cast %get3A_987 : vector<1x1x16xf32> to vector<16xf32>
        %sub3A_989 = arith.constant -5.120000e+01 : f32
        %sub3A_990 = vector.broadcast %sub3A_989 : f32 to vector<16xf32>
        %sub3A_991 = arith.subf %get3A_988, %sub3A_990 : vector<16xf32>
        %div3A_992 = arith.constant 8.000000e-01 : f32
        %div3A_993 = vector.broadcast %div3A_992 : f32 to vector<16xf32>
        %div3A_994 = arith.divf %sub3A_991, %div3A_993 : vector<16xf32>
        %convert_element_type3A_995 = arith.fptosi %div3A_994 : vector<16xf32> to vector<16xi32>
        %get3A_996 = arith.constant 0 : i32
        %get3A_997 = arith.constant 1 : i32
        %get3A_998 = arith.index_cast %get3A_996 : i32 to index
        %get3A_999 = arith.index_cast %get3A_997 : i32 to index
        %get3A_1000 = arith.constant 144 : index
        %get3A_1001 = tpu.vector_load %arg6[%get3A_998, %get3A_999, %get3A_1000] {strides = array<i32>} : memref<3x3x176xf32, #tpu.memory_space<vmem>>, vector<1x1x16xf32>,
        %get3A_1002 = vector.shape_cast %get3A_1001 : vector<1x1x16xf32> to vector<16xf32>
        %sub3A_1003 = arith.constant -5.120000e+01 : f32
        %sub3A_1004 = vector.broadcast %sub3A_1003 : f32 to vector<16xf32>
        %sub3A_1005 = arith.subf %get3A_1002, %sub3A_1004 : vector<16xf32>
        %div3A_1006 = arith.constant 8.000000e-01 : f32
        %div3A_1007 = vector.broadcast %div3A_1006 : f32 to vector<16xf32>
        %div3A_1008 = arith.divf %sub3A_1005, %div3A_1007 : vector<16xf32>
        %convert_element_type3A_1009 = arith.fptosi %div3A_1008 : vector<16xf32> to vector<16xi32>
        %get3A_1010 = arith.constant 0 : i32
        %get3A_1011 = arith.constant 2 : i32
        %get3A_1012 = arith.index_cast %get3A_1010 : i32 to index
        %get3A_1013 = arith.index_cast %get3A_1011 : i32 to index
        %get3A_1014 = arith.constant 144 : index
        %get3A_1015 = tpu.vector_load %arg6[%get3A_1012, %get3A_1013, %get3A_1014] {strides = array<i32>} : memref<3x3x176xf32, #tpu.memory_space<vmem>>, vector<1x1x16xf32>,
        %get3A_1016 = vector.shape_cast %get3A_1015 : vector<1x1x16xf32> to vector<16xf32>
        %sub3A_1017 = arith.constant -5.000000e+00 : f32
        %sub3A_1018 = vector.broadcast %sub3A_1017 : f32 to vector<16xf32>
        %sub3A_1019 = arith.subf %get3A_1016, %sub3A_1018 : vector<16xf32>
        %div3A_1020 = arith.constant 8.000000e+00 : f32
        %div3A_1021 = vector.broadcast %div3A_1020 : f32 to vector<16xf32>
        %div3A_1022 = arith.divf %sub3A_1019, %div3A_1021 : vector<16xf32>
        %convert_element_type3A_1023 = arith.fptosi %div3A_1022 : vector<16xf32> to vector<16xi32>
        %ge3A_1024 = arith.constant 0 : i32
        %ge3A_1025 = vector.broadcast %ge3A_1024 : i32 to vector<16xi32>
        %ge3A_1026 = arith.cmpi sge, %convert_element_type3A_995, %ge3A_1025 : vector<16xi32>
        %lt3A_1027 = arith.constant 128 : i32
        %lt3A_1028 = vector.broadcast %lt3A_1027 : i32 to vector<16xi32>
        %lt3A_1029 = arith.cmpi slt, %convert_element_type3A_995, %lt3A_1028 : vector<16xi32>
        %and3A_1030 = arith.andi %ge3A_1026, %lt3A_1029 : vector<16xi1>
        %ge3A_1031 = arith.constant 0 : i32
        %ge3A_1032 = vector.broadcast %ge3A_1031 : i32 to vector<16xi32>
        %ge3A_1033 = arith.cmpi sge, %convert_element_type3A_1009, %ge3A_1032 : vector<16xi32>
        %and3A_1034 = arith.andi %and3A_1030, %ge3A_1033 : vector<16xi1>
        %lt3A_1035 = arith.constant 128 : i32
        %lt3A_1036 = vector.broadcast %lt3A_1035 : i32 to vector<16xi32>
        %lt3A_1037 = arith.cmpi slt, %convert_element_type3A_1009, %lt3A_1036 : vector<16xi32>
        %and3A_1038 = arith.andi %and3A_1034, %lt3A_1037 : vector<16xi1>
        %ge3A_1039 = arith.constant 0 : i32
        %ge3A_1040 = vector.broadcast %ge3A_1039 : i32 to vector<16xi32>
        %ge3A_1041 = arith.cmpi sge, %convert_element_type3A_1023, %ge3A_1040 : vector<16xi32>
        %and3A_1042 = arith.andi %and3A_1038, %ge3A_1041 : vector<16xi1>
        %lt3A_1043 = arith.constant 1 : i32
        %lt3A_1044 = vector.broadcast %lt3A_1043 : i32 to vector<16xi32>
        %lt3A_1045 = arith.cmpi slt, %convert_element_type3A_1023, %lt3A_1044 : vector<16xi32>
        %and3A_1046 = arith.andi %and3A_1042, %lt3A_1045 : vector<16xi1>
        %mul3A_1047 = arith.constant 128 : i32
        %mul3A_1048 = vector.broadcast %mul3A_1047 : i32 to vector<16xi32>
        %mul3A_1049 = arith.muli %convert_element_type3A_995, %mul3A_1048 : vector<16xi32>
        %add3A_1050 = arith.addi %mul3A_1049, %convert_element_type3A_1009 : vector<16xi32>
        %add3A_1051 = arith.constant 16384 : i32
        %add3A_1052 = arith.addi %add3A_1051, %arg1 : i32
        %broadcast_in_dim3A_1053 = vector.broadcast %add3A_1052 : i32 to vector<16xi32>
        %select_n3A_1054 = arith.select %and3A_1046, %add3A_1050, %broadcast_in_dim3A_1053 : vector<16xi1>, vector<16xi32>
        %swap3A_1055 = arith.constant 0 : i32
        %swap3A_1056 = arith.index_cast %swap3A_1055 : i32 to index
        %swap3A_1057 = arith.constant 144 : index
        %swap3A_1058 = tpu.vector_load %arg8[%swap3A_1056, %swap3A_1057] {strides = array<i32>} : memref<3x176xi32, #tpu.memory_space<vmem>>, vector<1x16xi32>,
        %swap3A_1059 = vector.shape_cast %swap3A_1058 : vector<1x16xi32> to vector<16xi32>
        %swap3A_1060 = vector.shape_cast %select_n3A_1054 : vector<16xi32> to vector<1x16xi32>
        tpu.vector_store %arg8[%swap3A_1056, %swap3A_1057], %swap3A_1060 {strides = array<i32>} : memref<3x176xi32, #tpu.memory_space<vmem>>, vector<1x16xi32>,
        %get3A_1061 = arith.constant 0 : i32
        %get3A_1062 = arith.constant 0 : i32
        %get3A_1063 = arith.index_cast %get3A_1061 : i32 to index
        %get3A_1064 = arith.index_cast %get3A_1062 : i32 to index
        %get3A_1065 = arith.constant 160 : index
        %get3A_1066 = tpu.vector_load %arg6[%get3A_1063, %get3A_1064, %get3A_1065] {strides = array<i32>} : memref<3x3x176xf32, #tpu.memory_space<vmem>>, vector<1x1x16xf32>,
        %get3A_1067 = vector.shape_cast %get3A_1066 : vector<1x1x16xf32> to vector<16xf32>
        %sub3A_1068 = arith.constant -5.120000e+01 : f32
        %sub3A_1069 = vector.broadcast %sub3A_1068 : f32 to vector<16xf32>
        %sub3A_1070 = arith.subf %get3A_1067, %sub3A_1069 : vector<16xf32>
        %div3A_1071 = arith.constant 8.000000e-01 : f32
        %div3A_1072 = vector.broadcast %div3A_1071 : f32 to vector<16xf32>
        %div3A_1073 = arith.divf %sub3A_1070, %div3A_1072 : vector<16xf32>
        %convert_element_type3A_1074 = arith.fptosi %div3A_1073 : vector<16xf32> to vector<16xi32>
        %get3A_1075 = arith.constant 0 : i32
        %get3A_1076 = arith.constant 1 : i32
        %get3A_1077 = arith.index_cast %get3A_1075 : i32 to index
        %get3A_1078 = arith.index_cast %get3A_1076 : i32 to index
        %get3A_1079 = arith.constant 160 : index
        %get3A_1080 = tpu.vector_load %arg6[%get3A_1077, %get3A_1078, %get3A_1079] {strides = array<i32>} : memref<3x3x176xf32, #tpu.memory_space<vmem>>, vector<1x1x16xf32>,
        %get3A_1081 = vector.shape_cast %get3A_1080 : vector<1x1x16xf32> to vector<16xf32>
        %sub3A_1082 = arith.constant -5.120000e+01 : f32
        %sub3A_1083 = vector.broadcast %sub3A_1082 : f32 to vector<16xf32>
        %sub3A_1084 = arith.subf %get3A_1081, %sub3A_1083 : vector<16xf32>
        %div3A_1085 = arith.constant 8.000000e-01 : f32
        %div3A_1086 = vector.broadcast %div3A_1085 : f32 to vector<16xf32>
        %div3A_1087 = arith.divf %sub3A_1084, %div3A_1086 : vector<16xf32>
        %convert_element_type3A_1088 = arith.fptosi %div3A_1087 : vector<16xf32> to vector<16xi32>
        %get3A_1089 = arith.constant 0 : i32
        %get3A_1090 = arith.constant 2 : i32
        %get3A_1091 = arith.index_cast %get3A_1089 : i32 to index
        %get3A_1092 = arith.index_cast %get3A_1090 : i32 to index
        %get3A_1093 = arith.constant 160 : index
        %get3A_1094 = tpu.vector_load %arg6[%get3A_1091, %get3A_1092, %get3A_1093] {strides = array<i32>} : memref<3x3x176xf32, #tpu.memory_space<vmem>>, vector<1x1x16xf32>,
        %get3A_1095 = vector.shape_cast %get3A_1094 : vector<1x1x16xf32> to vector<16xf32>
        %sub3A_1096 = arith.constant -5.000000e+00 : f32
        %sub3A_1097 = vector.broadcast %sub3A_1096 : f32 to vector<16xf32>
        %sub3A_1098 = arith.subf %get3A_1095, %sub3A_1097 : vector<16xf32>
        %div3A_1099 = arith.constant 8.000000e+00 : f32
        %div3A_1100 = vector.broadcast %div3A_1099 : f32 to vector<16xf32>
        %div3A_1101 = arith.divf %sub3A_1098, %div3A_1100 : vector<16xf32>
        %convert_element_type3A_1102 = arith.fptosi %div3A_1101 : vector<16xf32> to vector<16xi32>
        %ge3A_1103 = arith.constant 0 : i32
        %ge3A_1104 = vector.broadcast %ge3A_1103 : i32 to vector<16xi32>
        %ge3A_1105 = arith.cmpi sge, %convert_element_type3A_1074, %ge3A_1104 : vector<16xi32>
        %lt3A_1106 = arith.constant 128 : i32
        %lt3A_1107 = vector.broadcast %lt3A_1106 : i32 to vector<16xi32>
        %lt3A_1108 = arith.cmpi slt, %convert_element_type3A_1074, %lt3A_1107 : vector<16xi32>
        %and3A_1109 = arith.andi %ge3A_1105, %lt3A_1108 : vector<16xi1>
        %ge3A_1110 = arith.constant 0 : i32
        %ge3A_1111 = vector.broadcast %ge3A_1110 : i32 to vector<16xi32>
        %ge3A_1112 = arith.cmpi sge, %convert_element_type3A_1088, %ge3A_1111 : vector<16xi32>
        %and3A_1113 = arith.andi %and3A_1109, %ge3A_1112 : vector<16xi1>
        %lt3A_1114 = arith.constant 128 : i32
        %lt3A_1115 = vector.broadcast %lt3A_1114 : i32 to vector<16xi32>
        %lt3A_1116 = arith.cmpi slt, %convert_element_type3A_1088, %lt3A_1115 : vector<16xi32>
        %and3A_1117 = arith.andi %and3A_1113, %lt3A_1116 : vector<16xi1>
        %ge3A_1118 = arith.constant 0 : i32
        %ge3A_1119 = vector.broadcast %ge3A_1118 : i32 to vector<16xi32>
        %ge3A_1120 = arith.cmpi sge, %convert_element_type3A_1102, %ge3A_1119 : vector<16xi32>
        %and3A_1121 = arith.andi %and3A_1117, %ge3A_1120 : vector<16xi1>
        %lt3A_1122 = arith.constant 1 : i32
        %lt3A_1123 = vector.broadcast %lt3A_1122 : i32 to vector<16xi32>
        %lt3A_1124 = arith.cmpi slt, %convert_element_type3A_1102, %lt3A_1123 : vector<16xi32>
        %and3A_1125 = arith.andi %and3A_1121, %lt3A_1124 : vector<16xi1>
        %mul3A_1126 = arith.constant 128 : i32
        %mul3A_1127 = vector.broadcast %mul3A_1126 : i32 to vector<16xi32>
        %mul3A_1128 = arith.muli %convert_element_type3A_1074, %mul3A_1127 : vector<16xi32>
        %add3A_1129 = arith.addi %mul3A_1128, %convert_element_type3A_1088 : vector<16xi32>
        %add3A_1130 = arith.constant 16384 : i32
        %add3A_1131 = arith.addi %add3A_1130, %arg1 : i32
        %broadcast_in_dim3A_1132 = vector.broadcast %add3A_1131 : i32 to vector<16xi32>
        %select_n3A_1133 = arith.select %and3A_1125, %add3A_1129, %broadcast_in_dim3A_1132 : vector<16xi1>, vector<16xi32>
        %swap3A_1134 = arith.constant 0 : i32
        %swap3A_1135 = arith.index_cast %swap3A_1134 : i32 to index
        %swap3A_1136 = arith.constant 160 : index
        %swap3A_1137 = tpu.vector_load %arg8[%swap3A_1135, %swap3A_1136] {strides = array<i32>} : memref<3x176xi32, #tpu.memory_space<vmem>>, vector<1x16xi32>,
        %swap3A_1138 = vector.shape_cast %swap3A_1137 : vector<1x16xi32> to vector<16xi32>
        %swap3A_1139 = vector.shape_cast %select_n3A_1133 : vector<16xi32> to vector<1x16xi32>
        tpu.vector_store %arg8[%swap3A_1135, %swap3A_1136], %swap3A_1139 {strides = array<i32>} : memref<3x176xi32, #tpu.memory_space<vmem>>, vector<1x16xi32>,
        %dma_start3A_1140 = arith.constant 0 : i32
        %dma_start3A_1141 = arith.constant 0 : i32
        %dma_start3A_1142 = arith.constant 0 : i32
        %dma_start3A_1143 = arith.constant 0 : i32
        %dma_start3A_1144 = tpu.memref_slice %arg7[%dma_start3A_1140, %dma_start3A_1142, %dma_start3A_1143] : memref<3x176x80xf32, #tpu.memory_space<vmem>> -> memref<1x176x80xf32, #tpu.memory_space<vmem>>
        %dma_start3A_1145 = tpu.memref_squeeze %dma_start3A_1144 : memref<1x176x80xf32, #tpu.memory_space<vmem>> -> memref<176x80xf32, #tpu.memory_space<vmem>>
        %dma_start3A_1146 = arith.constant 0 : i32
        %dma_start3A_1147 = tpu.memref_slice %arg8[%dma_start3A_1141, %dma_start3A_1146] : memref<3x176xi32, #tpu.memory_space<vmem>> -> memref<1x176xi32, #tpu.memory_space<vmem>>
        %dma_start3A_1148 = tpu.memref_squeeze %dma_start3A_1147 : memref<1x176xi32, #tpu.memory_space<vmem>> -> memref<176xi32, #tpu.memory_space<vmem>>
        %dma_start3A_1149 = arith.constant 0 : i32
        %dma_start3A_1150 = arith.constant 0 : i32
        %dma_start3A_1151 = tpu.memref_slice %arg9[%dma_start3A_1149, %dma_start3A_1150] : memref<16400x80xf32, #tpu.memory_space<vmem_shared>> -> memref<16400x80xf32, #tpu.memory_space<vmem_shared>>
        tpu.enqueue_indirect_dma source(%dma_start3A_1145 : memref<176x80xf32, #tpu.memory_space<vmem>>) target(%dma_start3A_1151 : memref<16400x80xf32, #tpu.memory_space<vmem_shared>>) offsets(%dma_start3A_1148 : memref<176xi32, #tpu.memory_space<vmem>>) semaphore(%arg16 : memref<!tpu.dma_semaphore, #tpu.memory_space<semaphore_mem>>) {add = true}
      } else {
      }
      %sub3A_130 = arith.constant 1 : i32
      %sub3A_131 = arith.subi %add3A_124, %sub3A_130 : i32
      %mul3A_132 = arith.constant 16 : i32
      %mul3A_133 = arith.muli %mul3A_132, %sub3A_131 : i32
      %add3A_134 = arith.addi %arg1, %mul3A_133 : i32
      %add3A_135 = arith.constant 2 : i32
      %add3A_136 = arith.addi %add3A_124, %add3A_135 : i32
      %mul3A_137 = arith.constant 16 : i32
      %mul3A_138 = arith.muli %mul3A_137, %add3A_136 : i32
      %add3A_139 = arith.addi %arg1, %mul3A_138 : i32
      %ge3A = arith.constant 1 : i32
      %ge3A_140 = arith.cmpi sge, %add3A_124, %ge3A : i32
      %lt3A_141 = arith.constant 1416 : i32
      %lt3A_142 = arith.cmpi slt, %add3A_134, %lt3A_141 : i32
      %and3A_143 = arith.andi %ge3A_140, %lt3A_142 : i1
      %convert_element_type3A_144 = arith.extui %and3A_143 : i1 to i32
      %cond3A_145 = arith.constant 0 : i32
      %cond3A_146 = arith.cmpi ne, %convert_element_type3A_144, %cond3A_145 : i32
      scf.if %cond3A_146 {
        %dma_wait3A = arith.constant 2 : i32
        %dma_wait3A_228 = arith.constant 2 : i32
        %dma_wait3A_229 = arith.constant 0 : i32
        %dma_wait3A_230 = arith.constant 0 : i32
        %dma_wait3A_231 = tpu.memref_slice %arg7[%dma_wait3A, %dma_wait3A_229, %dma_wait3A_230] : memref<3x176x80xf32, #tpu.memory_space<vmem>> -> memref<1x176x80xf32, #tpu.memory_space<vmem>>
        %dma_wait3A_232 = tpu.memref_squeeze %dma_wait3A_231 : memref<1x176x80xf32, #tpu.memory_space<vmem>> -> memref<176x80xf32, #tpu.memory_space<vmem>>
        %dma_wait3A_233 = arith.constant 0 : i32
        %dma_wait3A_234 = tpu.memref_slice %arg8[%dma_wait3A_228, %dma_wait3A_233] : memref<3x176xi32, #tpu.memory_space<vmem>> -> memref<1x176xi32, #tpu.memory_space<vmem>>
        %dma_wait3A_235 = tpu.memref_squeeze %dma_wait3A_234 : memref<1x176xi32, #tpu.memory_space<vmem>> -> memref<176xi32, #tpu.memory_space<vmem>>
        %dma_wait3A_236 = arith.constant 0 : i32
        %dma_wait3A_237 = arith.constant 0 : i32
        %dma_wait3A_238 = tpu.memref_slice %arg9[%dma_wait3A_236, %dma_wait3A_237] : memref<16400x80xf32, #tpu.memory_space<vmem_shared>> -> memref<16400x80xf32, #tpu.memory_space<vmem_shared>>
        tpu.wait_indirect_dma semaphore(%arg18 : memref<!tpu.dma_semaphore, #tpu.memory_space<semaphore_mem>>) src(%dma_wait3A_232 : memref<176x80xf32, #tpu.memory_space<vmem>>) dst(%dma_wait3A_238 : memref<16400x80xf32, #tpu.memory_space<vmem_shared>>)
      } else {
      }
      %lt3A_147 = arith.constant 1416 : i32
      %lt3A_148 = arith.cmpi slt, %add3A_139, %lt3A_147 : i32
      %add3A_149 = arith.constant 2 : i32
      %add3A_150 = arith.addi %add3A_124, %add3A_149 : i32
      %convert_element_type3A_151 = arith.extui %lt3A_148 : i1 to i32
      %cond3A_152 = arith.constant 0 : i32
      %cond3A_153 = arith.cmpi ne, %convert_element_type3A_151, %cond3A_152 : i32
      scf.if %cond3A_153 {
        %mul3A_228 = arith.constant 16 : i32
        %mul3A_229 = arith.muli %mul3A_228, %add3A_150 : i32
        %add3A_230 = arith.addi %arg1, %mul3A_229 : i32
        %mul3A_231 = arith.constant 1416 : i32
        %mul3A_232 = arith.muli %arg0, %mul3A_231 : i32
        %add3A_233 = arith.addi %mul3A_232, %add3A_230 : i32
        %shift_right_arithmetic3A_234 = arith.constant 2 : i32
        %shift_right_arithmetic3A_235 = arith.shrsi %add3A_230, %shift_right_arithmetic3A_234 : i32
        %mul3A_236 = arith.constant 1111 : i32
        %mul3A_237 = arith.muli %shift_right_arithmetic3A_235, %mul3A_236 : i32
        %shift_right_arithmetic3A_238 = arith.constant 16 : i32
        %shift_right_arithmetic3A_239 = arith.shrsi %mul3A_237, %shift_right_arithmetic3A_238 : i32
        %mul3A_240 = arith.constant 59 : i32
        %mul3A_241 = arith.muli %shift_right_arithmetic3A_239, %mul3A_240 : i32
        %sub3A_242 = arith.subi %shift_right_arithmetic3A_235, %mul3A_241 : i32
        %and3A_243 = arith.constant 3 : i32
        %and3A_244 = arith.andi %add3A_230, %and3A_243 : i32
        %mul3A_245 = arith.constant 176 : i32
        %mul3A_246 = arith.muli %and3A_244, %mul3A_245 : i32
        %mul3A_247 = arith.constant 176 : i32
        %mul3A_248 = arith.muli %add3A_233, %mul3A_247 : i32
        %dma_start3A_249 = arith.constant 2 : i32
        %dma_start3A_250 = arith.constant 0 : i32
        %dma_start3A_251 = arith.constant 0 : i32
        %dma_start3A_252 = tpu.memref_slice %arg6[%dma_start3A_249, %dma_start3A_250, %dma_start3A_251] : memref<3x3x176xf32, #tpu.memory_space<vmem>> -> memref<1x3x176xf32, #tpu.memory_space<vmem>>
        %dma_start3A_253 = tpu.memref_squeeze %dma_start3A_252 : memref<1x3x176xf32, #tpu.memory_space<vmem>> -> memref<3x176xf32, #tpu.memory_space<vmem>>
        %dma_start3A_254 = arith.constant 0 : i32
        %dma_start3A_255 = tpu.memref_slice %arg2[%dma_start3A_254, %mul3A_248] : memref<3x498432xf32, #tpu.memory_space<hbm>> -> memref<3x176xf32, #tpu.memory_space<hbm>>
        %dma_start3A_256 = arith.constant 0 : i32
        %dma_start3A_257 = arith.constant 0 : i32
        %dma_start3A_258 = tpu.memref_slice %arg6[%dma_start3A_249, %dma_start3A_256, %dma_start3A_257] : memref<3x3x176xf32, #tpu.memory_space<vmem>> -> memref<1x3x176xf32, #tpu.memory_space<vmem>>
        %dma_start3A_259 = tpu.memref_squeeze %dma_start3A_258 : memref<1x3x176xf32, #tpu.memory_space<vmem>> -> memref<3x176xf32, #tpu.memory_space<vmem>>
        %dma_start3A_260 = arith.constant 0 : i32
        %dma_start3A_261 = tpu.memref_slice %arg2[%dma_start3A_260, %mul3A_248] : memref<3x498432xf32, #tpu.memory_space<hbm>> -> memref<3x176xf32, #tpu.memory_space<hbm>>
        tpu.enqueue_dma source(%dma_start3A_261 : memref<3x176xf32, #tpu.memory_space<hbm>>) target(%dma_start3A_259 : memref<3x176xf32, #tpu.memory_space<vmem>>) target_semaphore(%arg12 : memref<!tpu.dma_semaphore, #tpu.memory_space<semaphore_mem>>)
        %dma_start3A_262 = arith.constant 2 : i32
        %dma_start3A_263 = arith.constant 0 : i32
        %dma_start3A_264 = arith.constant 0 : i32
        %dma_start3A_265 = tpu.memref_slice %arg7[%dma_start3A_262, %dma_start3A_263, %dma_start3A_264] : memref<3x176x80xf32, #tpu.memory_space<vmem>> -> memref<1x176x80xf32, #tpu.memory_space<vmem>>
        %dma_start3A_266 = tpu.memref_squeeze %dma_start3A_265 : memref<1x176x80xf32, #tpu.memory_space<vmem>> -> memref<176x80xf32, #tpu.memory_space<vmem>>
        %dma_start3A_267 = arith.constant 0 : i32
        %dma_start3A_268 = tpu.memref_slice %arg3[%arg0, %shift_right_arithmetic3A_239, %sub3A_242, %mul3A_246, %dma_start3A_267] : memref<2x6x59x704x80xf32, #tpu.memory_space<hbm>> -> memref<1x1x1x176x80xf32, #tpu.memory_space<hbm>>
        %dma_start3A_269 = tpu.memref_squeeze %dma_start3A_268 : memref<1x1x1x176x80xf32, #tpu.memory_space<hbm>> -> memref<176x80xf32, #tpu.memory_space<hbm>>
        %dma_start3A_270 = arith.constant 0 : i32
        %dma_start3A_271 = arith.constant 0 : i32
        %dma_start3A_272 = tpu.memref_slice %arg7[%dma_start3A_262, %dma_start3A_270, %dma_start3A_271] : memref<3x176x80xf32, #tpu.memory_space<vmem>> -> memref<1x176x80xf32, #tpu.memory_space<vmem>>
        %dma_start3A_273 = tpu.memref_squeeze %dma_start3A_272 : memref<1x176x80xf32, #tpu.memory_space<vmem>> -> memref<176x80xf32, #tpu.memory_space<vmem>>
        %dma_start3A_274 = arith.constant 0 : i32
        %dma_start3A_275 = tpu.memref_slice %arg3[%arg0, %shift_right_arithmetic3A_239, %sub3A_242, %mul3A_246, %dma_start3A_274] : memref<2x6x59x704x80xf32, #tpu.memory_space<hbm>> -> memref<1x1x1x176x80xf32, #tpu.memory_space<hbm>>
        %dma_start3A_276 = tpu.memref_squeeze %dma_start3A_275 : memref<1x1x1x176x80xf32, #tpu.memory_space<hbm>> -> memref<176x80xf32, #tpu.memory_space<hbm>>
        tpu.enqueue_dma source(%dma_start3A_276 : memref<176x80xf32, #tpu.memory_space<hbm>>) target(%dma_start3A_273 : memref<176x80xf32, #tpu.memory_space<vmem>>) target_semaphore(%arg15 : memref<!tpu.dma_semaphore, #tpu.memory_space<semaphore_mem>>)
      } else {
      }
      %mul3A_154 = arith.constant 3 : i32
      %mul3A_155 = arith.muli %scan3A_120, %mul3A_154 : i32
      %add3A_156 = arith.constant 1 : i32
      %add3A_157 = arith.addi %mul3A_155, %add3A_156 : i32
      %mul3A_158 = arith.constant 16 : i32
      %mul3A_159 = arith.muli %mul3A_158, %add3A_157 : i32
      %add3A_160 = arith.addi %arg1, %mul3A_159 : i32
      %lt3A_161 = arith.constant 1416 : i32
      %lt3A_162 = arith.cmpi slt, %add3A_160, %lt3A_161 : i32
      %convert_element_type3A_163 = arith.extui %lt3A_162 : i1 to i32
      %cond3A_164 = arith.constant 0 : i32
      %cond3A_165 = arith.cmpi ne, %convert_element_type3A_163, %cond3A_164 : i32
      scf.if %cond3A_165 {
        %mul3A_228 = arith.constant 16 : i32
        %mul3A_229 = arith.muli %mul3A_228, %add3A_157 : i32
        %add3A_230 = arith.addi %arg1, %mul3A_229 : i32
        %mul3A_231 = arith.constant 1416 : i32
        %mul3A_232 = arith.muli %arg0, %mul3A_231 : i32
        %add3A_233 = arith.addi %mul3A_232, %add3A_230 : i32
        %shift_right_arithmetic3A_234 = arith.constant 2 : i32
        %shift_right_arithmetic3A_235 = arith.shrsi %add3A_230, %shift_right_arithmetic3A_234 : i32
        %mul3A_236 = arith.constant 1111 : i32
        %mul3A_237 = arith.muli %shift_right_arithmetic3A_235, %mul3A_236 : i32
        %shift_right_arithmetic3A_238 = arith.constant 16 : i32
        %shift_right_arithmetic3A_239 = arith.shrsi %mul3A_237, %shift_right_arithmetic3A_238 : i32
        %mul3A_240 = arith.constant 59 : i32
        %mul3A_241 = arith.muli %shift_right_arithmetic3A_239, %mul3A_240 : i32
        %sub3A_242 = arith.subi %shift_right_arithmetic3A_235, %mul3A_241 : i32
        %and3A_243 = arith.constant 3 : i32
        %and3A_244 = arith.andi %add3A_230, %and3A_243 : i32
        %mul3A_245 = arith.constant 176 : i32
        %mul3A_246 = arith.muli %and3A_244, %mul3A_245 : i32
        %mul3A_247 = arith.constant 176 : i32
        %mul3A_248 = arith.muli %add3A_233, %mul3A_247 : i32
        %dma_wait3A = arith.constant 1 : i32
        %dma_wait3A_249 = arith.constant 0 : i32
        %dma_wait3A_250 = arith.constant 0 : i32
        %dma_wait3A_251 = tpu.memref_slice %arg6[%dma_wait3A, %dma_wait3A_249, %dma_wait3A_250] : memref<3x3x176xf32, #tpu.memory_space<vmem>> -> memref<1x3x176xf32, #tpu.memory_space<vmem>>
        %dma_wait3A_252 = tpu.memref_squeeze %dma_wait3A_251 : memref<1x3x176xf32, #tpu.memory_space<vmem>> -> memref<3x176xf32, #tpu.memory_space<vmem>>
        %dma_wait3A_253 = arith.constant 0 : i32
        %dma_wait3A_254 = tpu.memref_slice %arg2[%dma_wait3A_253, %mul3A_248] : memref<3x498432xf32, #tpu.memory_space<hbm>> -> memref<3x176xf32, #tpu.memory_space<hbm>>
        %dma_wait3A_255 = arith.constant 0 : i32
        %dma_wait3A_256 = arith.constant 0 : i32
        %dma_wait3A_257 = tpu.memref_slice %arg6[%dma_wait3A, %dma_wait3A_255, %dma_wait3A_256] : memref<3x3x176xf32, #tpu.memory_space<vmem>> -> memref<1x3x176xf32, #tpu.memory_space<vmem>>
        %dma_wait3A_258 = tpu.memref_squeeze %dma_wait3A_257 : memref<1x3x176xf32, #tpu.memory_space<vmem>> -> memref<3x176xf32, #tpu.memory_space<vmem>>
        %dma_wait3A_259 = arith.constant 0 : i32
        %dma_wait3A_260 = tpu.memref_slice %arg2[%dma_wait3A_259, %mul3A_248] : memref<3x498432xf32, #tpu.memory_space<hbm>> -> memref<3x176xf32, #tpu.memory_space<hbm>>
        tpu.wait_dma2 semaphore(%arg11 : memref<!tpu.dma_semaphore, #tpu.memory_space<semaphore_mem>>) src(%dma_wait3A_260 : memref<3x176xf32, #tpu.memory_space<hbm>>) dst(%dma_wait3A_258 : memref<3x176xf32, #tpu.memory_space<vmem>>)
        %dma_wait3A_261 = arith.constant 1 : i32
        %dma_wait3A_262 = arith.constant 0 : i32
        %dma_wait3A_263 = arith.constant 0 : i32
        %dma_wait3A_264 = tpu.memref_slice %arg7[%dma_wait3A_261, %dma_wait3A_262, %dma_wait3A_263] : memref<3x176x80xf32, #tpu.memory_space<vmem>> -> memref<1x176x80xf32, #tpu.memory_space<vmem>>
        %dma_wait3A_265 = tpu.memref_squeeze %dma_wait3A_264 : memref<1x176x80xf32, #tpu.memory_space<vmem>> -> memref<176x80xf32, #tpu.memory_space<vmem>>
        %dma_wait3A_266 = arith.constant 0 : i32
        %dma_wait3A_267 = tpu.memref_slice %arg3[%arg0, %shift_right_arithmetic3A_239, %sub3A_242, %mul3A_246, %dma_wait3A_266] : memref<2x6x59x704x80xf32, #tpu.memory_space<hbm>> -> memref<1x1x1x176x80xf32, #tpu.memory_space<hbm>>
        %dma_wait3A_268 = tpu.memref_squeeze %dma_wait3A_267 : memref<1x1x1x176x80xf32, #tpu.memory_space<hbm>> -> memref<176x80xf32, #tpu.memory_space<hbm>>
        %dma_wait3A_269 = arith.constant 0 : i32
        %dma_wait3A_270 = arith.constant 0 : i32
        %dma_wait3A_271 = tpu.memref_slice %arg7[%dma_wait3A_261, %dma_wait3A_269, %dma_wait3A_270] : memref<3x176x80xf32, #tpu.memory_space<vmem>> -> memref<1x176x80xf32, #tpu.memory_space<vmem>>
        %dma_wait3A_272 = tpu.memref_squeeze %dma_wait3A_271 : memref<1x176x80xf32, #tpu.memory_space<vmem>> -> memref<176x80xf32, #tpu.memory_space<vmem>>
        %dma_wait3A_273 = arith.constant 0 : i32
        %dma_wait3A_274 = tpu.memref_slice %arg3[%arg0, %shift_right_arithmetic3A_239, %sub3A_242, %mul3A_246, %dma_wait3A_273] : memref<2x6x59x704x80xf32, #tpu.memory_space<hbm>> -> memref<1x1x1x176x80xf32, #tpu.memory_space<hbm>>
        %dma_wait3A_275 = tpu.memref_squeeze %dma_wait3A_274 : memref<1x1x1x176x80xf32, #tpu.memory_space<hbm>> -> memref<176x80xf32, #tpu.memory_space<hbm>>
        tpu.wait_dma2 semaphore(%arg14 : memref<!tpu.dma_semaphore, #tpu.memory_space<semaphore_mem>>) src(%dma_wait3A_275 : memref<176x80xf32, #tpu.memory_space<hbm>>) dst(%dma_wait3A_272 : memref<176x80xf32, #tpu.memory_space<vmem>>)
        %get3A = arith.constant 1 : i32
        %get3A_276 = arith.constant 0 : i32
        %get3A_277 = arith.index_cast %get3A : i32 to index
        %get3A_278 = arith.index_cast %get3A_276 : i32 to index
        %get3A_279 = arith.constant 0 : index
        %get3A_280 = tpu.vector_load %arg6[%get3A_277, %get3A_278, %get3A_279] {strides = array<i32>} : memref<3x3x176xf32, #tpu.memory_space<vmem>>, vector<1x1x16xf32>,
        %get3A_281 = vector.shape_cast %get3A_280 : vector<1x1x16xf32> to vector<16xf32>
        %sub3A_282 = arith.constant -5.120000e+01 : f32
        %sub3A_283 = vector.broadcast %sub3A_282 : f32 to vector<16xf32>
        %sub3A_284 = arith.subf %get3A_281, %sub3A_283 : vector<16xf32>
        %div3A = arith.constant 8.000000e-01 : f32
        %div3A_285 = vector.broadcast %div3A : f32 to vector<16xf32>
        %div3A_286 = arith.divf %sub3A_284, %div3A_285 : vector<16xf32>
        %convert_element_type3A_287 = arith.fptosi %div3A_286 : vector<16xf32> to vector<16xi32>
        %get3A_288 = arith.constant 1 : i32
        %get3A_289 = arith.constant 1 : i32
        %get3A_290 = arith.index_cast %get3A_288 : i32 to index
        %get3A_291 = arith.index_cast %get3A_289 : i32 to index
        %get3A_292 = arith.constant 0 : index
        %get3A_293 = tpu.vector_load %arg6[%get3A_290, %get3A_291, %get3A_292] {strides = array<i32>} : memref<3x3x176xf32, #tpu.memory_space<vmem>>, vector<1x1x16xf32>,
        %get3A_294 = vector.shape_cast %get3A_293 : vector<1x1x16xf32> to vector<16xf32>
        %sub3A_295 = arith.constant -5.120000e+01 : f32
        %sub3A_296 = vector.broadcast %sub3A_295 : f32 to vector<16xf32>
        %sub3A_297 = arith.subf %get3A_294, %sub3A_296 : vector<16xf32>
        %div3A_298 = arith.constant 8.000000e-01 : f32
        %div3A_299 = vector.broadcast %div3A_298 : f32 to vector<16xf32>
        %div3A_300 = arith.divf %sub3A_297, %div3A_299 : vector<16xf32>
        %convert_element_type3A_301 = arith.fptosi %div3A_300 : vector<16xf32> to vector<16xi32>
        %get3A_302 = arith.constant 1 : i32
        %get3A_303 = arith.constant 2 : i32
        %get3A_304 = arith.index_cast %get3A_302 : i32 to index
        %get3A_305 = arith.index_cast %get3A_303 : i32 to index
        %get3A_306 = arith.constant 0 : index
        %get3A_307 = tpu.vector_load %arg6[%get3A_304, %get3A_305, %get3A_306] {strides = array<i32>} : memref<3x3x176xf32, #tpu.memory_space<vmem>>, vector<1x1x16xf32>,
        %get3A_308 = vector.shape_cast %get3A_307 : vector<1x1x16xf32> to vector<16xf32>
        %sub3A_309 = arith.constant -5.000000e+00 : f32
        %sub3A_310 = vector.broadcast %sub3A_309 : f32 to vector<16xf32>
        %sub3A_311 = arith.subf %get3A_308, %sub3A_310 : vector<16xf32>
        %div3A_312 = arith.constant 8.000000e+00 : f32
        %div3A_313 = vector.broadcast %div3A_312 : f32 to vector<16xf32>
        %div3A_314 = arith.divf %sub3A_311, %div3A_313 : vector<16xf32>
        %convert_element_type3A_315 = arith.fptosi %div3A_314 : vector<16xf32> to vector<16xi32>
        %ge3A_316 = arith.constant 0 : i32
        %ge3A_317 = vector.broadcast %ge3A_316 : i32 to vector<16xi32>
        %ge3A_318 = arith.cmpi sge, %convert_element_type3A_287, %ge3A_317 : vector<16xi32>
        %lt3A_319 = arith.constant 128 : i32
        %lt3A_320 = vector.broadcast %lt3A_319 : i32 to vector<16xi32>
        %lt3A_321 = arith.cmpi slt, %convert_element_type3A_287, %lt3A_320 : vector<16xi32>
        %and3A_322 = arith.andi %ge3A_318, %lt3A_321 : vector<16xi1>
        %ge3A_323 = arith.constant 0 : i32
        %ge3A_324 = vector.broadcast %ge3A_323 : i32 to vector<16xi32>
        %ge3A_325 = arith.cmpi sge, %convert_element_type3A_301, %ge3A_324 : vector<16xi32>
        %and3A_326 = arith.andi %and3A_322, %ge3A_325 : vector<16xi1>
        %lt3A_327 = arith.constant 128 : i32
        %lt3A_328 = vector.broadcast %lt3A_327 : i32 to vector<16xi32>
        %lt3A_329 = arith.cmpi slt, %convert_element_type3A_301, %lt3A_328 : vector<16xi32>
        %and3A_330 = arith.andi %and3A_326, %lt3A_329 : vector<16xi1>
        %ge3A_331 = arith.constant 0 : i32
        %ge3A_332 = vector.broadcast %ge3A_331 : i32 to vector<16xi32>
        %ge3A_333 = arith.cmpi sge, %convert_element_type3A_315, %ge3A_332 : vector<16xi32>
        %and3A_334 = arith.andi %and3A_330, %ge3A_333 : vector<16xi1>
        %lt3A_335 = arith.constant 1 : i32
        %lt3A_336 = vector.broadcast %lt3A_335 : i32 to vector<16xi32>
        %lt3A_337 = arith.cmpi slt, %convert_element_type3A_315, %lt3A_336 : vector<16xi32>
        %and3A_338 = arith.andi %and3A_334, %lt3A_337 : vector<16xi1>
        %mul3A_339 = arith.constant 128 : i32
        %mul3A_340 = vector.broadcast %mul3A_339 : i32 to vector<16xi32>
        %mul3A_341 = arith.muli %convert_element_type3A_287, %mul3A_340 : vector<16xi32>
        %add3A_342 = arith.addi %mul3A_341, %convert_element_type3A_301 : vector<16xi32>
        %add3A_343 = arith.constant 16384 : i32
        %add3A_344 = arith.addi %add3A_343, %arg1 : i32
        %broadcast_in_dim3A = vector.broadcast %add3A_344 : i32 to vector<16xi32>
        %select_n3A = arith.select %and3A_338, %add3A_342, %broadcast_in_dim3A : vector<16xi1>, vector<16xi32>
        %swap3A = arith.constant 1 : i32
        %swap3A_345 = arith.index_cast %swap3A : i32 to index
        %swap3A_346 = arith.constant 0 : index
        %swap3A_347 = tpu.vector_load %arg8[%swap3A_345, %swap3A_346] {strides = array<i32>} : memref<3x176xi32, #tpu.memory_space<vmem>>, vector<1x16xi32>,
        %swap3A_348 = vector.shape_cast %swap3A_347 : vector<1x16xi32> to vector<16xi32>
        %swap3A_349 = vector.shape_cast %select_n3A : vector<16xi32> to vector<1x16xi32>
        tpu.vector_store %arg8[%swap3A_345, %swap3A_346], %swap3A_349 {strides = array<i32>} : memref<3x176xi32, #tpu.memory_space<vmem>>, vector<1x16xi32>,
        %get3A_350 = arith.constant 1 : i32
        %get3A_351 = arith.constant 0 : i32
        %get3A_352 = arith.index_cast %get3A_350 : i32 to index
        %get3A_353 = arith.index_cast %get3A_351 : i32 to index
        %get3A_354 = arith.constant 16 : index
        %get3A_355 = tpu.vector_load %arg6[%get3A_352, %get3A_353, %get3A_354] {strides = array<i32>} : memref<3x3x176xf32, #tpu.memory_space<vmem>>, vector<1x1x16xf32>,
        %get3A_356 = vector.shape_cast %get3A_355 : vector<1x1x16xf32> to vector<16xf32>
        %sub3A_357 = arith.constant -5.120000e+01 : f32
        %sub3A_358 = vector.broadcast %sub3A_357 : f32 to vector<16xf32>
        %sub3A_359 = arith.subf %get3A_356, %sub3A_358 : vector<16xf32>
        %div3A_360 = arith.constant 8.000000e-01 : f32
        %div3A_361 = vector.broadcast %div3A_360 : f32 to vector<16xf32>
        %div3A_362 = arith.divf %sub3A_359, %div3A_361 : vector<16xf32>
        %convert_element_type3A_363 = arith.fptosi %div3A_362 : vector<16xf32> to vector<16xi32>
        %get3A_364 = arith.constant 1 : i32
        %get3A_365 = arith.constant 1 : i32
        %get3A_366 = arith.index_cast %get3A_364 : i32 to index
        %get3A_367 = arith.index_cast %get3A_365 : i32 to index
        %get3A_368 = arith.constant 16 : index
        %get3A_369 = tpu.vector_load %arg6[%get3A_366, %get3A_367, %get3A_368] {strides = array<i32>} : memref<3x3x176xf32, #tpu.memory_space<vmem>>, vector<1x1x16xf32>,
        %get3A_370 = vector.shape_cast %get3A_369 : vector<1x1x16xf32> to vector<16xf32>
        %sub3A_371 = arith.constant -5.120000e+01 : f32
        %sub3A_372 = vector.broadcast %sub3A_371 : f32 to vector<16xf32>
        %sub3A_373 = arith.subf %get3A_370, %sub3A_372 : vector<16xf32>
        %div3A_374 = arith.constant 8.000000e-01 : f32
        %div3A_375 = vector.broadcast %div3A_374 : f32 to vector<16xf32>
        %div3A_376 = arith.divf %sub3A_373, %div3A_375 : vector<16xf32>
        %convert_element_type3A_377 = arith.fptosi %div3A_376 : vector<16xf32> to vector<16xi32>
        %get3A_378 = arith.constant 1 : i32
        %get3A_379 = arith.constant 2 : i32
        %get3A_380 = arith.index_cast %get3A_378 : i32 to index
        %get3A_381 = arith.index_cast %get3A_379 : i32 to index
        %get3A_382 = arith.constant 16 : index
        %get3A_383 = tpu.vector_load %arg6[%get3A_380, %get3A_381, %get3A_382] {strides = array<i32>} : memref<3x3x176xf32, #tpu.memory_space<vmem>>, vector<1x1x16xf32>,
        %get3A_384 = vector.shape_cast %get3A_383 : vector<1x1x16xf32> to vector<16xf32>
        %sub3A_385 = arith.constant -5.000000e+00 : f32
        %sub3A_386 = vector.broadcast %sub3A_385 : f32 to vector<16xf32>
        %sub3A_387 = arith.subf %get3A_384, %sub3A_386 : vector<16xf32>
        %div3A_388 = arith.constant 8.000000e+00 : f32
        %div3A_389 = vector.broadcast %div3A_388 : f32 to vector<16xf32>
        %div3A_390 = arith.divf %sub3A_387, %div3A_389 : vector<16xf32>
        %convert_element_type3A_391 = arith.fptosi %div3A_390 : vector<16xf32> to vector<16xi32>
        %ge3A_392 = arith.constant 0 : i32
        %ge3A_393 = vector.broadcast %ge3A_392 : i32 to vector<16xi32>
        %ge3A_394 = arith.cmpi sge, %convert_element_type3A_363, %ge3A_393 : vector<16xi32>
        %lt3A_395 = arith.constant 128 : i32
        %lt3A_396 = vector.broadcast %lt3A_395 : i32 to vector<16xi32>
        %lt3A_397 = arith.cmpi slt, %convert_element_type3A_363, %lt3A_396 : vector<16xi32>
        %and3A_398 = arith.andi %ge3A_394, %lt3A_397 : vector<16xi1>
        %ge3A_399 = arith.constant 0 : i32
        %ge3A_400 = vector.broadcast %ge3A_399 : i32 to vector<16xi32>
        %ge3A_401 = arith.cmpi sge, %convert_element_type3A_377, %ge3A_400 : vector<16xi32>
        %and3A_402 = arith.andi %and3A_398, %ge3A_401 : vector<16xi1>
        %lt3A_403 = arith.constant 128 : i32
        %lt3A_404 = vector.broadcast %lt3A_403 : i32 to vector<16xi32>
        %lt3A_405 = arith.cmpi slt, %convert_element_type3A_377, %lt3A_404 : vector<16xi32>
        %and3A_406 = arith.andi %and3A_402, %lt3A_405 : vector<16xi1>
        %ge3A_407 = arith.constant 0 : i32
        %ge3A_408 = vector.broadcast %ge3A_407 : i32 to vector<16xi32>
        %ge3A_409 = arith.cmpi sge, %convert_element_type3A_391, %ge3A_408 : vector<16xi32>
        %and3A_410 = arith.andi %and3A_406, %ge3A_409 : vector<16xi1>
        %lt3A_411 = arith.constant 1 : i32
        %lt3A_412 = vector.broadcast %lt3A_411 : i32 to vector<16xi32>
        %lt3A_413 = arith.cmpi slt, %convert_element_type3A_391, %lt3A_412 : vector<16xi32>
        %and3A_414 = arith.andi %and3A_410, %lt3A_413 : vector<16xi1>
        %mul3A_415 = arith.constant 128 : i32
        %mul3A_416 = vector.broadcast %mul3A_415 : i32 to vector<16xi32>
        %mul3A_417 = arith.muli %convert_element_type3A_363, %mul3A_416 : vector<16xi32>
        %add3A_418 = arith.addi %mul3A_417, %convert_element_type3A_377 : vector<16xi32>
        %add3A_419 = arith.constant 16384 : i32
        %add3A_420 = arith.addi %add3A_419, %arg1 : i32
        %broadcast_in_dim3A_421 = vector.broadcast %add3A_420 : i32 to vector<16xi32>
        %select_n3A_422 = arith.select %and3A_414, %add3A_418, %broadcast_in_dim3A_421 : vector<16xi1>, vector<16xi32>
        %swap3A_423 = arith.constant 1 : i32
        %swap3A_424 = arith.index_cast %swap3A_423 : i32 to index
        %swap3A_425 = arith.constant 16 : index
        %swap3A_426 = tpu.vector_load %arg8[%swap3A_424, %swap3A_425] {strides = array<i32>} : memref<3x176xi32, #tpu.memory_space<vmem>>, vector<1x16xi32>,
        %swap3A_427 = vector.shape_cast %swap3A_426 : vector<1x16xi32> to vector<16xi32>
        %swap3A_428 = vector.shape_cast %select_n3A_422 : vector<16xi32> to vector<1x16xi32>
        tpu.vector_store %arg8[%swap3A_424, %swap3A_425], %swap3A_428 {strides = array<i32>} : memref<3x176xi32, #tpu.memory_space<vmem>>, vector<1x16xi32>,
        %get3A_429 = arith.constant 1 : i32
        %get3A_430 = arith.constant 0 : i32
        %get3A_431 = arith.index_cast %get3A_429 : i32 to index
        %get3A_432 = arith.index_cast %get3A_430 : i32 to index
        %get3A_433 = arith.constant 32 : index
        %get3A_434 = tpu.vector_load %arg6[%get3A_431, %get3A_432, %get3A_433] {strides = array<i32>} : memref<3x3x176xf32, #tpu.memory_space<vmem>>, vector<1x1x16xf32>,
        %get3A_435 = vector.shape_cast %get3A_434 : vector<1x1x16xf32> to vector<16xf32>
        %sub3A_436 = arith.constant -5.120000e+01 : f32
        %sub3A_437 = vector.broadcast %sub3A_436 : f32 to vector<16xf32>
        %sub3A_438 = arith.subf %get3A_435, %sub3A_437 : vector<16xf32>
        %div3A_439 = arith.constant 8.000000e-01 : f32
        %div3A_440 = vector.broadcast %div3A_439 : f32 to vector<16xf32>
        %div3A_441 = arith.divf %sub3A_438, %div3A_440 : vector<16xf32>
        %convert_element_type3A_442 = arith.fptosi %div3A_441 : vector<16xf32> to vector<16xi32>
        %get3A_443 = arith.constant 1 : i32
        %get3A_444 = arith.constant 1 : i32
        %get3A_445 = arith.index_cast %get3A_443 : i32 to index
        %get3A_446 = arith.index_cast %get3A_444 : i32 to index
        %get3A_447 = arith.constant 32 : index
        %get3A_448 = tpu.vector_load %arg6[%get3A_445, %get3A_446, %get3A_447] {strides = array<i32>} : memref<3x3x176xf32, #tpu.memory_space<vmem>>, vector<1x1x16xf32>,
        %get3A_449 = vector.shape_cast %get3A_448 : vector<1x1x16xf32> to vector<16xf32>
        %sub3A_450 = arith.constant -5.120000e+01 : f32
        %sub3A_451 = vector.broadcast %sub3A_450 : f32 to vector<16xf32>
        %sub3A_452 = arith.subf %get3A_449, %sub3A_451 : vector<16xf32>
        %div3A_453 = arith.constant 8.000000e-01 : f32
        %div3A_454 = vector.broadcast %div3A_453 : f32 to vector<16xf32>
        %div3A_455 = arith.divf %sub3A_452, %div3A_454 : vector<16xf32>
        %convert_element_type3A_456 = arith.fptosi %div3A_455 : vector<16xf32> to vector<16xi32>
        %get3A_457 = arith.constant 1 : i32
        %get3A_458 = arith.constant 2 : i32
        %get3A_459 = arith.index_cast %get3A_457 : i32 to index
        %get3A_460 = arith.index_cast %get3A_458 : i32 to index
        %get3A_461 = arith.constant 32 : index
        %get3A_462 = tpu.vector_load %arg6[%get3A_459, %get3A_460, %get3A_461] {strides = array<i32>} : memref<3x3x176xf32, #tpu.memory_space<vmem>>, vector<1x1x16xf32>,
        %get3A_463 = vector.shape_cast %get3A_462 : vector<1x1x16xf32> to vector<16xf32>
        %sub3A_464 = arith.constant -5.000000e+00 : f32
        %sub3A_465 = vector.broadcast %sub3A_464 : f32 to vector<16xf32>
        %sub3A_466 = arith.subf %get3A_463, %sub3A_465 : vector<16xf32>
        %div3A_467 = arith.constant 8.000000e+00 : f32
        %div3A_468 = vector.broadcast %div3A_467 : f32 to vector<16xf32>
        %div3A_469 = arith.divf %sub3A_466, %div3A_468 : vector<16xf32>
        %convert_element_type3A_470 = arith.fptosi %div3A_469 : vector<16xf32> to vector<16xi32>
        %ge3A_471 = arith.constant 0 : i32
        %ge3A_472 = vector.broadcast %ge3A_471 : i32 to vector<16xi32>
        %ge3A_473 = arith.cmpi sge, %convert_element_type3A_442, %ge3A_472 : vector<16xi32>
        %lt3A_474 = arith.constant 128 : i32
        %lt3A_475 = vector.broadcast %lt3A_474 : i32 to vector<16xi32>
        %lt3A_476 = arith.cmpi slt, %convert_element_type3A_442, %lt3A_475 : vector<16xi32>
        %and3A_477 = arith.andi %ge3A_473, %lt3A_476 : vector<16xi1>
        %ge3A_478 = arith.constant 0 : i32
        %ge3A_479 = vector.broadcast %ge3A_478 : i32 to vector<16xi32>
        %ge3A_480 = arith.cmpi sge, %convert_element_type3A_456, %ge3A_479 : vector<16xi32>
        %and3A_481 = arith.andi %and3A_477, %ge3A_480 : vector<16xi1>
        %lt3A_482 = arith.constant 128 : i32
        %lt3A_483 = vector.broadcast %lt3A_482 : i32 to vector<16xi32>
        %lt3A_484 = arith.cmpi slt, %convert_element_type3A_456, %lt3A_483 : vector<16xi32>
        %and3A_485 = arith.andi %and3A_481, %lt3A_484 : vector<16xi1>
        %ge3A_486 = arith.constant 0 : i32
        %ge3A_487 = vector.broadcast %ge3A_486 : i32 to vector<16xi32>
        %ge3A_488 = arith.cmpi sge, %convert_element_type3A_470, %ge3A_487 : vector<16xi32>
        %and3A_489 = arith.andi %and3A_485, %ge3A_488 : vector<16xi1>
        %lt3A_490 = arith.constant 1 : i32
        %lt3A_491 = vector.broadcast %lt3A_490 : i32 to vector<16xi32>
        %lt3A_492 = arith.cmpi slt, %convert_element_type3A_470, %lt3A_491 : vector<16xi32>
        %and3A_493 = arith.andi %and3A_489, %lt3A_492 : vector<16xi1>
        %mul3A_494 = arith.constant 128 : i32
        %mul3A_495 = vector.broadcast %mul3A_494 : i32 to vector<16xi32>
        %mul3A_496 = arith.muli %convert_element_type3A_442, %mul3A_495 : vector<16xi32>
        %add3A_497 = arith.addi %mul3A_496, %convert_element_type3A_456 : vector<16xi32>
        %add3A_498 = arith.constant 16384 : i32
        %add3A_499 = arith.addi %add3A_498, %arg1 : i32
        %broadcast_in_dim3A_500 = vector.broadcast %add3A_499 : i32 to vector<16xi32>
        %select_n3A_501 = arith.select %and3A_493, %add3A_497, %broadcast_in_dim3A_500 : vector<16xi1>, vector<16xi32>
        %swap3A_502 = arith.constant 1 : i32
        %swap3A_503 = arith.index_cast %swap3A_502 : i32 to index
        %swap3A_504 = arith.constant 32 : index
        %swap3A_505 = tpu.vector_load %arg8[%swap3A_503, %swap3A_504] {strides = array<i32>} : memref<3x176xi32, #tpu.memory_space<vmem>>, vector<1x16xi32>,
        %swap3A_506 = vector.shape_cast %swap3A_505 : vector<1x16xi32> to vector<16xi32>
        %swap3A_507 = vector.shape_cast %select_n3A_501 : vector<16xi32> to vector<1x16xi32>
        tpu.vector_store %arg8[%swap3A_503, %swap3A_504], %swap3A_507 {strides = array<i32>} : memref<3x176xi32, #tpu.memory_space<vmem>>, vector<1x16xi32>,
        %get3A_508 = arith.constant 1 : i32
        %get3A_509 = arith.constant 0 : i32
        %get3A_510 = arith.index_cast %get3A_508 : i32 to index
        %get3A_511 = arith.index_cast %get3A_509 : i32 to index
        %get3A_512 = arith.constant 48 : index
        %get3A_513 = tpu.vector_load %arg6[%get3A_510, %get3A_511, %get3A_512] {strides = array<i32>} : memref<3x3x176xf32, #tpu.memory_space<vmem>>, vector<1x1x16xf32>,
        %get3A_514 = vector.shape_cast %get3A_513 : vector<1x1x16xf32> to vector<16xf32>
        %sub3A_515 = arith.constant -5.120000e+01 : f32
        %sub3A_516 = vector.broadcast %sub3A_515 : f32 to vector<16xf32>
        %sub3A_517 = arith.subf %get3A_514, %sub3A_516 : vector<16xf32>
        %div3A_518 = arith.constant 8.000000e-01 : f32
        %div3A_519 = vector.broadcast %div3A_518 : f32 to vector<16xf32>
        %div3A_520 = arith.divf %sub3A_517, %div3A_519 : vector<16xf32>
        %convert_element_type3A_521 = arith.fptosi %div3A_520 : vector<16xf32> to vector<16xi32>
        %get3A_522 = arith.constant 1 : i32
        %get3A_523 = arith.constant 1 : i32
        %get3A_524 = arith.index_cast %get3A_522 : i32 to index
        %get3A_525 = arith.index_cast %get3A_523 : i32 to index
        %get3A_526 = arith.constant 48 : index
        %get3A_527 = tpu.vector_load %arg6[%get3A_524, %get3A_525, %get3A_526] {strides = array<i32>} : memref<3x3x176xf32, #tpu.memory_space<vmem>>, vector<1x1x16xf32>,
        %get3A_528 = vector.shape_cast %get3A_527 : vector<1x1x16xf32> to vector<16xf32>
        %sub3A_529 = arith.constant -5.120000e+01 : f32
        %sub3A_530 = vector.broadcast %sub3A_529 : f32 to vector<16xf32>
        %sub3A_531 = arith.subf %get3A_528, %sub3A_530 : vector<16xf32>
        %div3A_532 = arith.constant 8.000000e-01 : f32
        %div3A_533 = vector.broadcast %div3A_532 : f32 to vector<16xf32>
        %div3A_534 = arith.divf %sub3A_531, %div3A_533 : vector<16xf32>
        %convert_element_type3A_535 = arith.fptosi %div3A_534 : vector<16xf32> to vector<16xi32>
        %get3A_536 = arith.constant 1 : i32
        %get3A_537 = arith.constant 2 : i32
        %get3A_538 = arith.index_cast %get3A_536 : i32 to index
        %get3A_539 = arith.index_cast %get3A_537 : i32 to index
        %get3A_540 = arith.constant 48 : index
        %get3A_541 = tpu.vector_load %arg6[%get3A_538, %get3A_539, %get3A_540] {strides = array<i32>} : memref<3x3x176xf32, #tpu.memory_space<vmem>>, vector<1x1x16xf32>,
        %get3A_542 = vector.shape_cast %get3A_541 : vector<1x1x16xf32> to vector<16xf32>
        %sub3A_543 = arith.constant -5.000000e+00 : f32
        %sub3A_544 = vector.broadcast %sub3A_543 : f32 to vector<16xf32>
        %sub3A_545 = arith.subf %get3A_542, %sub3A_544 : vector<16xf32>
        %div3A_546 = arith.constant 8.000000e+00 : f32
        %div3A_547 = vector.broadcast %div3A_546 : f32 to vector<16xf32>
        %div3A_548 = arith.divf %sub3A_545, %div3A_547 : vector<16xf32>
        %convert_element_type3A_549 = arith.fptosi %div3A_548 : vector<16xf32> to vector<16xi32>
        %ge3A_550 = arith.constant 0 : i32
        %ge3A_551 = vector.broadcast %ge3A_550 : i32 to vector<16xi32>
        %ge3A_552 = arith.cmpi sge, %convert_element_type3A_521, %ge3A_551 : vector<16xi32>
        %lt3A_553 = arith.constant 128 : i32
        %lt3A_554 = vector.broadcast %lt3A_553 : i32 to vector<16xi32>
        %lt3A_555 = arith.cmpi slt, %convert_element_type3A_521, %lt3A_554 : vector<16xi32>
        %and3A_556 = arith.andi %ge3A_552, %lt3A_555 : vector<16xi1>
        %ge3A_557 = arith.constant 0 : i32
        %ge3A_558 = vector.broadcast %ge3A_557 : i32 to vector<16xi32>
        %ge3A_559 = arith.cmpi sge, %convert_element_type3A_535, %ge3A_558 : vector<16xi32>
        %and3A_560 = arith.andi %and3A_556, %ge3A_559 : vector<16xi1>
        %lt3A_561 = arith.constant 128 : i32
        %lt3A_562 = vector.broadcast %lt3A_561 : i32 to vector<16xi32>
        %lt3A_563 = arith.cmpi slt, %convert_element_type3A_535, %lt3A_562 : vector<16xi32>
        %and3A_564 = arith.andi %and3A_560, %lt3A_563 : vector<16xi1>
        %ge3A_565 = arith.constant 0 : i32
        %ge3A_566 = vector.broadcast %ge3A_565 : i32 to vector<16xi32>
        %ge3A_567 = arith.cmpi sge, %convert_element_type3A_549, %ge3A_566 : vector<16xi32>
        %and3A_568 = arith.andi %and3A_564, %ge3A_567 : vector<16xi1>
        %lt3A_569 = arith.constant 1 : i32
        %lt3A_570 = vector.broadcast %lt3A_569 : i32 to vector<16xi32>
        %lt3A_571 = arith.cmpi slt, %convert_element_type3A_549, %lt3A_570 : vector<16xi32>
        %and3A_572 = arith.andi %and3A_568, %lt3A_571 : vector<16xi1>
        %mul3A_573 = arith.constant 128 : i32
        %mul3A_574 = vector.broadcast %mul3A_573 : i32 to vector<16xi32>
        %mul3A_575 = arith.muli %convert_element_type3A_521, %mul3A_574 : vector<16xi32>
        %add3A_576 = arith.addi %mul3A_575, %convert_element_type3A_535 : vector<16xi32>
        %add3A_577 = arith.constant 16384 : i32
        %add3A_578 = arith.addi %add3A_577, %arg1 : i32
        %broadcast_in_dim3A_579 = vector.broadcast %add3A_578 : i32 to vector<16xi32>
        %select_n3A_580 = arith.select %and3A_572, %add3A_576, %broadcast_in_dim3A_579 : vector<16xi1>, vector<16xi32>
        %swap3A_581 = arith.constant 1 : i32
        %swap3A_582 = arith.index_cast %swap3A_581 : i32 to index
        %swap3A_583 = arith.constant 48 : index
        %swap3A_584 = tpu.vector_load %arg8[%swap3A_582, %swap3A_583] {strides = array<i32>} : memref<3x176xi32, #tpu.memory_space<vmem>>, vector<1x16xi32>,
        %swap3A_585 = vector.shape_cast %swap3A_584 : vector<1x16xi32> to vector<16xi32>
        %swap3A_586 = vector.shape_cast %select_n3A_580 : vector<16xi32> to vector<1x16xi32>
        tpu.vector_store %arg8[%swap3A_582, %swap3A_583], %swap3A_586 {strides = array<i32>} : memref<3x176xi32, #tpu.memory_space<vmem>>, vector<1x16xi32>,
        %get3A_587 = arith.constant 1 : i32
        %get3A_588 = arith.constant 0 : i32
        %get3A_589 = arith.index_cast %get3A_587 : i32 to index
        %get3A_590 = arith.index_cast %get3A_588 : i32 to index
        %get3A_591 = arith.constant 64 : index
        %get3A_592 = tpu.vector_load %arg6[%get3A_589, %get3A_590, %get3A_591] {strides = array<i32>} : memref<3x3x176xf32, #tpu.memory_space<vmem>>, vector<1x1x16xf32>,
        %get3A_593 = vector.shape_cast %get3A_592 : vector<1x1x16xf32> to vector<16xf32>
        %sub3A_594 = arith.constant -5.120000e+01 : f32
        %sub3A_595 = vector.broadcast %sub3A_594 : f32 to vector<16xf32>
        %sub3A_596 = arith.subf %get3A_593, %sub3A_595 : vector<16xf32>
        %div3A_597 = arith.constant 8.000000e-01 : f32
        %div3A_598 = vector.broadcast %div3A_597 : f32 to vector<16xf32>
        %div3A_599 = arith.divf %sub3A_596, %div3A_598 : vector<16xf32>
        %convert_element_type3A_600 = arith.fptosi %div3A_599 : vector<16xf32> to vector<16xi32>
        %get3A_601 = arith.constant 1 : i32
        %get3A_602 = arith.constant 1 : i32
        %get3A_603 = arith.index_cast %get3A_601 : i32 to index
        %get3A_604 = arith.index_cast %get3A_602 : i32 to index
        %get3A_605 = arith.constant 64 : index
        %get3A_606 = tpu.vector_load %arg6[%get3A_603, %get3A_604, %get3A_605] {strides = array<i32>} : memref<3x3x176xf32, #tpu.memory_space<vmem>>, vector<1x1x16xf32>,
        %get3A_607 = vector.shape_cast %get3A_606 : vector<1x1x16xf32> to vector<16xf32>
        %sub3A_608 = arith.constant -5.120000e+01 : f32
        %sub3A_609 = vector.broadcast %sub3A_608 : f32 to vector<16xf32>
        %sub3A_610 = arith.subf %get3A_607, %sub3A_609 : vector<16xf32>
        %div3A_611 = arith.constant 8.000000e-01 : f32
        %div3A_612 = vector.broadcast %div3A_611 : f32 to vector<16xf32>
        %div3A_613 = arith.divf %sub3A_610, %div3A_612 : vector<16xf32>
        %convert_element_type3A_614 = arith.fptosi %div3A_613 : vector<16xf32> to vector<16xi32>
        %get3A_615 = arith.constant 1 : i32
        %get3A_616 = arith.constant 2 : i32
        %get3A_617 = arith.index_cast %get3A_615 : i32 to index
        %get3A_618 = arith.index_cast %get3A_616 : i32 to index
        %get3A_619 = arith.constant 64 : index
        %get3A_620 = tpu.vector_load %arg6[%get3A_617, %get3A_618, %get3A_619] {strides = array<i32>} : memref<3x3x176xf32, #tpu.memory_space<vmem>>, vector<1x1x16xf32>,
        %get3A_621 = vector.shape_cast %get3A_620 : vector<1x1x16xf32> to vector<16xf32>
        %sub3A_622 = arith.constant -5.000000e+00 : f32
        %sub3A_623 = vector.broadcast %sub3A_622 : f32 to vector<16xf32>
        %sub3A_624 = arith.subf %get3A_621, %sub3A_623 : vector<16xf32>
        %div3A_625 = arith.constant 8.000000e+00 : f32
        %div3A_626 = vector.broadcast %div3A_625 : f32 to vector<16xf32>
        %div3A_627 = arith.divf %sub3A_624, %div3A_626 : vector<16xf32>
        %convert_element_type3A_628 = arith.fptosi %div3A_627 : vector<16xf32> to vector<16xi32>
        %ge3A_629 = arith.constant 0 : i32
        %ge3A_630 = vector.broadcast %ge3A_629 : i32 to vector<16xi32>
        %ge3A_631 = arith.cmpi sge, %convert_element_type3A_600, %ge3A_630 : vector<16xi32>
        %lt3A_632 = arith.constant 128 : i32
        %lt3A_633 = vector.broadcast %lt3A_632 : i32 to vector<16xi32>
        %lt3A_634 = arith.cmpi slt, %convert_element_type3A_600, %lt3A_633 : vector<16xi32>
        %and3A_635 = arith.andi %ge3A_631, %lt3A_634 : vector<16xi1>
        %ge3A_636 = arith.constant 0 : i32
        %ge3A_637 = vector.broadcast %ge3A_636 : i32 to vector<16xi32>
        %ge3A_638 = arith.cmpi sge, %convert_element_type3A_614, %ge3A_637 : vector<16xi32>
        %and3A_639 = arith.andi %and3A_635, %ge3A_638 : vector<16xi1>
        %lt3A_640 = arith.constant 128 : i32
        %lt3A_641 = vector.broadcast %lt3A_640 : i32 to vector<16xi32>
        %lt3A_642 = arith.cmpi slt, %convert_element_type3A_614, %lt3A_641 : vector<16xi32>
        %and3A_643 = arith.andi %and3A_639, %lt3A_642 : vector<16xi1>
        %ge3A_644 = arith.constant 0 : i32
        %ge3A_645 = vector.broadcast %ge3A_644 : i32 to vector<16xi32>
        %ge3A_646 = arith.cmpi sge, %convert_element_type3A_628, %ge3A_645 : vector<16xi32>
        %and3A_647 = arith.andi %and3A_643, %ge3A_646 : vector<16xi1>
        %lt3A_648 = arith.constant 1 : i32
        %lt3A_649 = vector.broadcast %lt3A_648 : i32 to vector<16xi32>
        %lt3A_650 = arith.cmpi slt, %convert_element_type3A_628, %lt3A_649 : vector<16xi32>
        %and3A_651 = arith.andi %and3A_647, %lt3A_650 : vector<16xi1>
        %mul3A_652 = arith.constant 128 : i32
        %mul3A_653 = vector.broadcast %mul3A_652 : i32 to vector<16xi32>
        %mul3A_654 = arith.muli %convert_element_type3A_600, %mul3A_653 : vector<16xi32>
        %add3A_655 = arith.addi %mul3A_654, %convert_element_type3A_614 : vector<16xi32>
        %add3A_656 = arith.constant 16384 : i32
        %add3A_657 = arith.addi %add3A_656, %arg1 : i32
        %broadcast_in_dim3A_658 = vector.broadcast %add3A_657 : i32 to vector<16xi32>
        %select_n3A_659 = arith.select %and3A_651, %add3A_655, %broadcast_in_dim3A_658 : vector<16xi1>, vector<16xi32>
        %swap3A_660 = arith.constant 1 : i32
        %swap3A_661 = arith.index_cast %swap3A_660 : i32 to index
        %swap3A_662 = arith.constant 64 : index
        %swap3A_663 = tpu.vector_load %arg8[%swap3A_661, %swap3A_662] {strides = array<i32>} : memref<3x176xi32, #tpu.memory_space<vmem>>, vector<1x16xi32>,
        %swap3A_664 = vector.shape_cast %swap3A_663 : vector<1x16xi32> to vector<16xi32>
        %swap3A_665 = vector.shape_cast %select_n3A_659 : vector<16xi32> to vector<1x16xi32>
        tpu.vector_store %arg8[%swap3A_661, %swap3A_662], %swap3A_665 {strides = array<i32>} : memref<3x176xi32, #tpu.memory_space<vmem>>, vector<1x16xi32>,
        %get3A_666 = arith.constant 1 : i32
        %get3A_667 = arith.constant 0 : i32
        %get3A_668 = arith.index_cast %get3A_666 : i32 to index
        %get3A_669 = arith.index_cast %get3A_667 : i32 to index
        %get3A_670 = arith.constant 80 : index
        %get3A_671 = tpu.vector_load %arg6[%get3A_668, %get3A_669, %get3A_670] {strides = array<i32>} : memref<3x3x176xf32, #tpu.memory_space<vmem>>, vector<1x1x16xf32>,
        %get3A_672 = vector.shape_cast %get3A_671 : vector<1x1x16xf32> to vector<16xf32>
        %sub3A_673 = arith.constant -5.120000e+01 : f32
        %sub3A_674 = vector.broadcast %sub3A_673 : f32 to vector<16xf32>
        %sub3A_675 = arith.subf %get3A_672, %sub3A_674 : vector<16xf32>
        %div3A_676 = arith.constant 8.000000e-01 : f32
        %div3A_677 = vector.broadcast %div3A_676 : f32 to vector<16xf32>
        %div3A_678 = arith.divf %sub3A_675, %div3A_677 : vector<16xf32>
        %convert_element_type3A_679 = arith.fptosi %div3A_678 : vector<16xf32> to vector<16xi32>
        %get3A_680 = arith.constant 1 : i32
        %get3A_681 = arith.constant 1 : i32
        %get3A_682 = arith.index_cast %get3A_680 : i32 to index
        %get3A_683 = arith.index_cast %get3A_681 : i32 to index
        %get3A_684 = arith.constant 80 : index
        %get3A_685 = tpu.vector_load %arg6[%get3A_682, %get3A_683, %get3A_684] {strides = array<i32>} : memref<3x3x176xf32, #tpu.memory_space<vmem>>, vector<1x1x16xf32>,
        %get3A_686 = vector.shape_cast %get3A_685 : vector<1x1x16xf32> to vector<16xf32>
        %sub3A_687 = arith.constant -5.120000e+01 : f32
        %sub3A_688 = vector.broadcast %sub3A_687 : f32 to vector<16xf32>
        %sub3A_689 = arith.subf %get3A_686, %sub3A_688 : vector<16xf32>
        %div3A_690 = arith.constant 8.000000e-01 : f32
        %div3A_691 = vector.broadcast %div3A_690 : f32 to vector<16xf32>
        %div3A_692 = arith.divf %sub3A_689, %div3A_691 : vector<16xf32>
        %convert_element_type3A_693 = arith.fptosi %div3A_692 : vector<16xf32> to vector<16xi32>
        %get3A_694 = arith.constant 1 : i32
        %get3A_695 = arith.constant 2 : i32
        %get3A_696 = arith.index_cast %get3A_694 : i32 to index
        %get3A_697 = arith.index_cast %get3A_695 : i32 to index
        %get3A_698 = arith.constant 80 : index
        %get3A_699 = tpu.vector_load %arg6[%get3A_696, %get3A_697, %get3A_698] {strides = array<i32>} : memref<3x3x176xf32, #tpu.memory_space<vmem>>, vector<1x1x16xf32>,
        %get3A_700 = vector.shape_cast %get3A_699 : vector<1x1x16xf32> to vector<16xf32>
        %sub3A_701 = arith.constant -5.000000e+00 : f32
        %sub3A_702 = vector.broadcast %sub3A_701 : f32 to vector<16xf32>
        %sub3A_703 = arith.subf %get3A_700, %sub3A_702 : vector<16xf32>
        %div3A_704 = arith.constant 8.000000e+00 : f32
        %div3A_705 = vector.broadcast %div3A_704 : f32 to vector<16xf32>
        %div3A_706 = arith.divf %sub3A_703, %div3A_705 : vector<16xf32>
        %convert_element_type3A_707 = arith.fptosi %div3A_706 : vector<16xf32> to vector<16xi32>
        %ge3A_708 = arith.constant 0 : i32
        %ge3A_709 = vector.broadcast %ge3A_708 : i32 to vector<16xi32>
        %ge3A_710 = arith.cmpi sge, %convert_element_type3A_679, %ge3A_709 : vector<16xi32>
        %lt3A_711 = arith.constant 128 : i32
        %lt3A_712 = vector.broadcast %lt3A_711 : i32 to vector<16xi32>
        %lt3A_713 = arith.cmpi slt, %convert_element_type3A_679, %lt3A_712 : vector<16xi32>
        %and3A_714 = arith.andi %ge3A_710, %lt3A_713 : vector<16xi1>
        %ge3A_715 = arith.constant 0 : i32
        %ge3A_716 = vector.broadcast %ge3A_715 : i32 to vector<16xi32>
        %ge3A_717 = arith.cmpi sge, %convert_element_type3A_693, %ge3A_716 : vector<16xi32>
        %and3A_718 = arith.andi %and3A_714, %ge3A_717 : vector<16xi1>
        %lt3A_719 = arith.constant 128 : i32
        %lt3A_720 = vector.broadcast %lt3A_719 : i32 to vector<16xi32>
        %lt3A_721 = arith.cmpi slt, %convert_element_type3A_693, %lt3A_720 : vector<16xi32>
        %and3A_722 = arith.andi %and3A_718, %lt3A_721 : vector<16xi1>
        %ge3A_723 = arith.constant 0 : i32
        %ge3A_724 = vector.broadcast %ge3A_723 : i32 to vector<16xi32>
        %ge3A_725 = arith.cmpi sge, %convert_element_type3A_707, %ge3A_724 : vector<16xi32>
        %and3A_726 = arith.andi %and3A_722, %ge3A_725 : vector<16xi1>
        %lt3A_727 = arith.constant 1 : i32
        %lt3A_728 = vector.broadcast %lt3A_727 : i32 to vector<16xi32>
        %lt3A_729 = arith.cmpi slt, %convert_element_type3A_707, %lt3A_728 : vector<16xi32>
        %and3A_730 = arith.andi %and3A_726, %lt3A_729 : vector<16xi1>
        %mul3A_731 = arith.constant 128 : i32
        %mul3A_732 = vector.broadcast %mul3A_731 : i32 to vector<16xi32>
        %mul3A_733 = arith.muli %convert_element_type3A_679, %mul3A_732 : vector<16xi32>
        %add3A_734 = arith.addi %mul3A_733, %convert_element_type3A_693 : vector<16xi32>
        %add3A_735 = arith.constant 16384 : i32
        %add3A_736 = arith.addi %add3A_735, %arg1 : i32
        %broadcast_in_dim3A_737 = vector.broadcast %add3A_736 : i32 to vector<16xi32>
        %select_n3A_738 = arith.select %and3A_730, %add3A_734, %broadcast_in_dim3A_737 : vector<16xi1>, vector<16xi32>
        %swap3A_739 = arith.constant 1 : i32
        %swap3A_740 = arith.index_cast %swap3A_739 : i32 to index
        %swap3A_741 = arith.constant 80 : index
        %swap3A_742 = tpu.vector_load %arg8[%swap3A_740, %swap3A_741] {strides = array<i32>} : memref<3x176xi32, #tpu.memory_space<vmem>>, vector<1x16xi32>,
        %swap3A_743 = vector.shape_cast %swap3A_742 : vector<1x16xi32> to vector<16xi32>
        %swap3A_744 = vector.shape_cast %select_n3A_738 : vector<16xi32> to vector<1x16xi32>
        tpu.vector_store %arg8[%swap3A_740, %swap3A_741], %swap3A_744 {strides = array<i32>} : memref<3x176xi32, #tpu.memory_space<vmem>>, vector<1x16xi32>,
        %get3A_745 = arith.constant 1 : i32
        %get3A_746 = arith.constant 0 : i32
        %get3A_747 = arith.index_cast %get3A_745 : i32 to index
        %get3A_748 = arith.index_cast %get3A_746 : i32 to index
        %get3A_749 = arith.constant 96 : index
        %get3A_750 = tpu.vector_load %arg6[%get3A_747, %get3A_748, %get3A_749] {strides = array<i32>} : memref<3x3x176xf32, #tpu.memory_space<vmem>>, vector<1x1x16xf32>,
        %get3A_751 = vector.shape_cast %get3A_750 : vector<1x1x16xf32> to vector<16xf32>
        %sub3A_752 = arith.constant -5.120000e+01 : f32
        %sub3A_753 = vector.broadcast %sub3A_752 : f32 to vector<16xf32>
        %sub3A_754 = arith.subf %get3A_751, %sub3A_753 : vector<16xf32>
        %div3A_755 = arith.constant 8.000000e-01 : f32
        %div3A_756 = vector.broadcast %div3A_755 : f32 to vector<16xf32>
        %div3A_757 = arith.divf %sub3A_754, %div3A_756 : vector<16xf32>
        %convert_element_type3A_758 = arith.fptosi %div3A_757 : vector<16xf32> to vector<16xi32>
        %get3A_759 = arith.constant 1 : i32
        %get3A_760 = arith.constant 1 : i32
        %get3A_761 = arith.index_cast %get3A_759 : i32 to index
        %get3A_762 = arith.index_cast %get3A_760 : i32 to index
        %get3A_763 = arith.constant 96 : index
        %get3A_764 = tpu.vector_load %arg6[%get3A_761, %get3A_762, %get3A_763] {strides = array<i32>} : memref<3x3x176xf32, #tpu.memory_space<vmem>>, vector<1x1x16xf32>,
        %get3A_765 = vector.shape_cast %get3A_764 : vector<1x1x16xf32> to vector<16xf32>
        %sub3A_766 = arith.constant -5.120000e+01 : f32
        %sub3A_767 = vector.broadcast %sub3A_766 : f32 to vector<16xf32>
        %sub3A_768 = arith.subf %get3A_765, %sub3A_767 : vector<16xf32>
        %div3A_769 = arith.constant 8.000000e-01 : f32
        %div3A_770 = vector.broadcast %div3A_769 : f32 to vector<16xf32>
        %div3A_771 = arith.divf %sub3A_768, %div3A_770 : vector<16xf32>
        %convert_element_type3A_772 = arith.fptosi %div3A_771 : vector<16xf32> to vector<16xi32>
        %get3A_773 = arith.constant 1 : i32
        %get3A_774 = arith.constant 2 : i32
        %get3A_775 = arith.index_cast %get3A_773 : i32 to index
        %get3A_776 = arith.index_cast %get3A_774 : i32 to index
        %get3A_777 = arith.constant 96 : index
        %get3A_778 = tpu.vector_load %arg6[%get3A_775, %get3A_776, %get3A_777] {strides = array<i32>} : memref<3x3x176xf32, #tpu.memory_space<vmem>>, vector<1x1x16xf32>,
        %get3A_779 = vector.shape_cast %get3A_778 : vector<1x1x16xf32> to vector<16xf32>
        %sub3A_780 = arith.constant -5.000000e+00 : f32
        %sub3A_781 = vector.broadcast %sub3A_780 : f32 to vector<16xf32>
        %sub3A_782 = arith.subf %get3A_779, %sub3A_781 : vector<16xf32>
        %div3A_783 = arith.constant 8.000000e+00 : f32
        %div3A_784 = vector.broadcast %div3A_783 : f32 to vector<16xf32>
        %div3A_785 = arith.divf %sub3A_782, %div3A_784 : vector<16xf32>
        %convert_element_type3A_786 = arith.fptosi %div3A_785 : vector<16xf32> to vector<16xi32>
        %ge3A_787 = arith.constant 0 : i32
        %ge3A_788 = vector.broadcast %ge3A_787 : i32 to vector<16xi32>
        %ge3A_789 = arith.cmpi sge, %convert_element_type3A_758, %ge3A_788 : vector<16xi32>
        %lt3A_790 = arith.constant 128 : i32
        %lt3A_791 = vector.broadcast %lt3A_790 : i32 to vector<16xi32>
        %lt3A_792 = arith.cmpi slt, %convert_element_type3A_758, %lt3A_791 : vector<16xi32>
        %and3A_793 = arith.andi %ge3A_789, %lt3A_792 : vector<16xi1>
        %ge3A_794 = arith.constant 0 : i32
        %ge3A_795 = vector.broadcast %ge3A_794 : i32 to vector<16xi32>
        %ge3A_796 = arith.cmpi sge, %convert_element_type3A_772, %ge3A_795 : vector<16xi32>
        %and3A_797 = arith.andi %and3A_793, %ge3A_796 : vector<16xi1>
        %lt3A_798 = arith.constant 128 : i32
        %lt3A_799 = vector.broadcast %lt3A_798 : i32 to vector<16xi32>
        %lt3A_800 = arith.cmpi slt, %convert_element_type3A_772, %lt3A_799 : vector<16xi32>
        %and3A_801 = arith.andi %and3A_797, %lt3A_800 : vector<16xi1>
        %ge3A_802 = arith.constant 0 : i32
        %ge3A_803 = vector.broadcast %ge3A_802 : i32 to vector<16xi32>
        %ge3A_804 = arith.cmpi sge, %convert_element_type3A_786, %ge3A_803 : vector<16xi32>
        %and3A_805 = arith.andi %and3A_801, %ge3A_804 : vector<16xi1>
        %lt3A_806 = arith.constant 1 : i32
        %lt3A_807 = vector.broadcast %lt3A_806 : i32 to vector<16xi32>
        %lt3A_808 = arith.cmpi slt, %convert_element_type3A_786, %lt3A_807 : vector<16xi32>
        %and3A_809 = arith.andi %and3A_805, %lt3A_808 : vector<16xi1>
        %mul3A_810 = arith.constant 128 : i32
        %mul3A_811 = vector.broadcast %mul3A_810 : i32 to vector<16xi32>
        %mul3A_812 = arith.muli %convert_element_type3A_758, %mul3A_811 : vector<16xi32>
        %add3A_813 = arith.addi %mul3A_812, %convert_element_type3A_772 : vector<16xi32>
        %add3A_814 = arith.constant 16384 : i32
        %add3A_815 = arith.addi %add3A_814, %arg1 : i32
        %broadcast_in_dim3A_816 = vector.broadcast %add3A_815 : i32 to vector<16xi32>
        %select_n3A_817 = arith.select %and3A_809, %add3A_813, %broadcast_in_dim3A_816 : vector<16xi1>, vector<16xi32>
        %swap3A_818 = arith.constant 1 : i32
        %swap3A_819 = arith.index_cast %swap3A_818 : i32 to index
        %swap3A_820 = arith.constant 96 : index
        %swap3A_821 = tpu.vector_load %arg8[%swap3A_819, %swap3A_820] {strides = array<i32>} : memref<3x176xi32, #tpu.memory_space<vmem>>, vector<1x16xi32>,
        %swap3A_822 = vector.shape_cast %swap3A_821 : vector<1x16xi32> to vector<16xi32>
        %swap3A_823 = vector.shape_cast %select_n3A_817 : vector<16xi32> to vector<1x16xi32>
        tpu.vector_store %arg8[%swap3A_819, %swap3A_820], %swap3A_823 {strides = array<i32>} : memref<3x176xi32, #tpu.memory_space<vmem>>, vector<1x16xi32>,
        %get3A_824 = arith.constant 1 : i32
        %get3A_825 = arith.constant 0 : i32
        %get3A_826 = arith.index_cast %get3A_824 : i32 to index
        %get3A_827 = arith.index_cast %get3A_825 : i32 to index
        %get3A_828 = arith.constant 112 : index
        %get3A_829 = tpu.vector_load %arg6[%get3A_826, %get3A_827, %get3A_828] {strides = array<i32>} : memref<3x3x176xf32, #tpu.memory_space<vmem>>, vector<1x1x16xf32>,
        %get3A_830 = vector.shape_cast %get3A_829 : vector<1x1x16xf32> to vector<16xf32>
        %sub3A_831 = arith.constant -5.120000e+01 : f32
        %sub3A_832 = vector.broadcast %sub3A_831 : f32 to vector<16xf32>
        %sub3A_833 = arith.subf %get3A_830, %sub3A_832 : vector<16xf32>
        %div3A_834 = arith.constant 8.000000e-01 : f32
        %div3A_835 = vector.broadcast %div3A_834 : f32 to vector<16xf32>
        %div3A_836 = arith.divf %sub3A_833, %div3A_835 : vector<16xf32>
        %convert_element_type3A_837 = arith.fptosi %div3A_836 : vector<16xf32> to vector<16xi32>
        %get3A_838 = arith.constant 1 : i32
        %get3A_839 = arith.constant 1 : i32
        %get3A_840 = arith.index_cast %get3A_838 : i32 to index
        %get3A_841 = arith.index_cast %get3A_839 : i32 to index
        %get3A_842 = arith.constant 112 : index
        %get3A_843 = tpu.vector_load %arg6[%get3A_840, %get3A_841, %get3A_842] {strides = array<i32>} : memref<3x3x176xf32, #tpu.memory_space<vmem>>, vector<1x1x16xf32>,
        %get3A_844 = vector.shape_cast %get3A_843 : vector<1x1x16xf32> to vector<16xf32>
        %sub3A_845 = arith.constant -5.120000e+01 : f32
        %sub3A_846 = vector.broadcast %sub3A_845 : f32 to vector<16xf32>
        %sub3A_847 = arith.subf %get3A_844, %sub3A_846 : vector<16xf32>
        %div3A_848 = arith.constant 8.000000e-01 : f32
        %div3A_849 = vector.broadcast %div3A_848 : f32 to vector<16xf32>
        %div3A_850 = arith.divf %sub3A_847, %div3A_849 : vector<16xf32>
        %convert_element_type3A_851 = arith.fptosi %div3A_850 : vector<16xf32> to vector<16xi32>
        %get3A_852 = arith.constant 1 : i32
        %get3A_853 = arith.constant 2 : i32
        %get3A_854 = arith.index_cast %get3A_852 : i32 to index
        %get3A_855 = arith.index_cast %get3A_853 : i32 to index
        %get3A_856 = arith.constant 112 : index
        %get3A_857 = tpu.vector_load %arg6[%get3A_854, %get3A_855, %get3A_856] {strides = array<i32>} : memref<3x3x176xf32, #tpu.memory_space<vmem>>, vector<1x1x16xf32>,
        %get3A_858 = vector.shape_cast %get3A_857 : vector<1x1x16xf32> to vector<16xf32>
        %sub3A_859 = arith.constant -5.000000e+00 : f32
        %sub3A_860 = vector.broadcast %sub3A_859 : f32 to vector<16xf32>
        %sub3A_861 = arith.subf %get3A_858, %sub3A_860 : vector<16xf32>
        %div3A_862 = arith.constant 8.000000e+00 : f32
        %div3A_863 = vector.broadcast %div3A_862 : f32 to vector<16xf32>
        %div3A_864 = arith.divf %sub3A_861, %div3A_863 : vector<16xf32>
        %convert_element_type3A_865 = arith.fptosi %div3A_864 : vector<16xf32> to vector<16xi32>
        %ge3A_866 = arith.constant 0 : i32
        %ge3A_867 = vector.broadcast %ge3A_866 : i32 to vector<16xi32>
        %ge3A_868 = arith.cmpi sge, %convert_element_type3A_837, %ge3A_867 : vector<16xi32>
        %lt3A_869 = arith.constant 128 : i32
        %lt3A_870 = vector.broadcast %lt3A_869 : i32 to vector<16xi32>
        %lt3A_871 = arith.cmpi slt, %convert_element_type3A_837, %lt3A_870 : vector<16xi32>
        %and3A_872 = arith.andi %ge3A_868, %lt3A_871 : vector<16xi1>
        %ge3A_873 = arith.constant 0 : i32
        %ge3A_874 = vector.broadcast %ge3A_873 : i32 to vector<16xi32>
        %ge3A_875 = arith.cmpi sge, %convert_element_type3A_851, %ge3A_874 : vector<16xi32>
        %and3A_876 = arith.andi %and3A_872, %ge3A_875 : vector<16xi1>
        %lt3A_877 = arith.constant 128 : i32
        %lt3A_878 = vector.broadcast %lt3A_877 : i32 to vector<16xi32>
        %lt3A_879 = arith.cmpi slt, %convert_element_type3A_851, %lt3A_878 : vector<16xi32>
        %and3A_880 = arith.andi %and3A_876, %lt3A_879 : vector<16xi1>
        %ge3A_881 = arith.constant 0 : i32
        %ge3A_882 = vector.broadcast %ge3A_881 : i32 to vector<16xi32>
        %ge3A_883 = arith.cmpi sge, %convert_element_type3A_865, %ge3A_882 : vector<16xi32>
        %and3A_884 = arith.andi %and3A_880, %ge3A_883 : vector<16xi1>
        %lt3A_885 = arith.constant 1 : i32
        %lt3A_886 = vector.broadcast %lt3A_885 : i32 to vector<16xi32>
        %lt3A_887 = arith.cmpi slt, %convert_element_type3A_865, %lt3A_886 : vector<16xi32>
        %and3A_888 = arith.andi %and3A_884, %lt3A_887 : vector<16xi1>
        %mul3A_889 = arith.constant 128 : i32
        %mul3A_890 = vector.broadcast %mul3A_889 : i32 to vector<16xi32>
        %mul3A_891 = arith.muli %convert_element_type3A_837, %mul3A_890 : vector<16xi32>
        %add3A_892 = arith.addi %mul3A_891, %convert_element_type3A_851 : vector<16xi32>
        %add3A_893 = arith.constant 16384 : i32
        %add3A_894 = arith.addi %add3A_893, %arg1 : i32
        %broadcast_in_dim3A_895 = vector.broadcast %add3A_894 : i32 to vector<16xi32>
        %select_n3A_896 = arith.select %and3A_888, %add3A_892, %broadcast_in_dim3A_895 : vector<16xi1>, vector<16xi32>
        %swap3A_897 = arith.constant 1 : i32
        %swap3A_898 = arith.index_cast %swap3A_897 : i32 to index
        %swap3A_899 = arith.constant 112 : index
        %swap3A_900 = tpu.vector_load %arg8[%swap3A_898, %swap3A_899] {strides = array<i32>} : memref<3x176xi32, #tpu.memory_space<vmem>>, vector<1x16xi32>,
        %swap3A_901 = vector.shape_cast %swap3A_900 : vector<1x16xi32> to vector<16xi32>
        %swap3A_902 = vector.shape_cast %select_n3A_896 : vector<16xi32> to vector<1x16xi32>
        tpu.vector_store %arg8[%swap3A_898, %swap3A_899], %swap3A_902 {strides = array<i32>} : memref<3x176xi32, #tpu.memory_space<vmem>>, vector<1x16xi32>,
        %get3A_903 = arith.constant 1 : i32
        %get3A_904 = arith.constant 0 : i32
        %get3A_905 = arith.index_cast %get3A_903 : i32 to index
        %get3A_906 = arith.index_cast %get3A_904 : i32 to index
        %get3A_907 = arith.constant 128 : index
        %get3A_908 = tpu.vector_load %arg6[%get3A_905, %get3A_906, %get3A_907] {strides = array<i32>} : memref<3x3x176xf32, #tpu.memory_space<vmem>>, vector<1x1x16xf32>,
        %get3A_909 = vector.shape_cast %get3A_908 : vector<1x1x16xf32> to vector<16xf32>
        %sub3A_910 = arith.constant -5.120000e+01 : f32
        %sub3A_911 = vector.broadcast %sub3A_910 : f32 to vector<16xf32>
        %sub3A_912 = arith.subf %get3A_909, %sub3A_911 : vector<16xf32>
        %div3A_913 = arith.constant 8.000000e-01 : f32
        %div3A_914 = vector.broadcast %div3A_913 : f32 to vector<16xf32>
        %div3A_915 = arith.divf %sub3A_912, %div3A_914 : vector<16xf32>
        %convert_element_type3A_916 = arith.fptosi %div3A_915 : vector<16xf32> to vector<16xi32>
        %get3A_917 = arith.constant 1 : i32
        %get3A_918 = arith.constant 1 : i32
        %get3A_919 = arith.index_cast %get3A_917 : i32 to index
        %get3A_920 = arith.index_cast %get3A_918 : i32 to index
        %get3A_921 = arith.constant 128 : index
        %get3A_922 = tpu.vector_load %arg6[%get3A_919, %get3A_920, %get3A_921] {strides = array<i32>} : memref<3x3x176xf32, #tpu.memory_space<vmem>>, vector<1x1x16xf32>,
        %get3A_923 = vector.shape_cast %get3A_922 : vector<1x1x16xf32> to vector<16xf32>
        %sub3A_924 = arith.constant -5.120000e+01 : f32
        %sub3A_925 = vector.broadcast %sub3A_924 : f32 to vector<16xf32>
        %sub3A_926 = arith.subf %get3A_923, %sub3A_925 : vector<16xf32>
        %div3A_927 = arith.constant 8.000000e-01 : f32
        %div3A_928 = vector.broadcast %div3A_927 : f32 to vector<16xf32>
        %div3A_929 = arith.divf %sub3A_926, %div3A_928 : vector<16xf32>
        %convert_element_type3A_930 = arith.fptosi %div3A_929 : vector<16xf32> to vector<16xi32>
        %get3A_931 = arith.constant 1 : i32
        %get3A_932 = arith.constant 2 : i32
        %get3A_933 = arith.index_cast %get3A_931 : i32 to index
        %get3A_934 = arith.index_cast %get3A_932 : i32 to index
        %get3A_935 = arith.constant 128 : index
        %get3A_936 = tpu.vector_load %arg6[%get3A_933, %get3A_934, %get3A_935] {strides = array<i32>} : memref<3x3x176xf32, #tpu.memory_space<vmem>>, vector<1x1x16xf32>,
        %get3A_937 = vector.shape_cast %get3A_936 : vector<1x1x16xf32> to vector<16xf32>
        %sub3A_938 = arith.constant -5.000000e+00 : f32
        %sub3A_939 = vector.broadcast %sub3A_938 : f32 to vector<16xf32>
        %sub3A_940 = arith.subf %get3A_937, %sub3A_939 : vector<16xf32>
        %div3A_941 = arith.constant 8.000000e+00 : f32
        %div3A_942 = vector.broadcast %div3A_941 : f32 to vector<16xf32>
        %div3A_943 = arith.divf %sub3A_940, %div3A_942 : vector<16xf32>
        %convert_element_type3A_944 = arith.fptosi %div3A_943 : vector<16xf32> to vector<16xi32>
        %ge3A_945 = arith.constant 0 : i32
        %ge3A_946 = vector.broadcast %ge3A_945 : i32 to vector<16xi32>
        %ge3A_947 = arith.cmpi sge, %convert_element_type3A_916, %ge3A_946 : vector<16xi32>
        %lt3A_948 = arith.constant 128 : i32
        %lt3A_949 = vector.broadcast %lt3A_948 : i32 to vector<16xi32>
        %lt3A_950 = arith.cmpi slt, %convert_element_type3A_916, %lt3A_949 : vector<16xi32>
        %and3A_951 = arith.andi %ge3A_947, %lt3A_950 : vector<16xi1>
        %ge3A_952 = arith.constant 0 : i32
        %ge3A_953 = vector.broadcast %ge3A_952 : i32 to vector<16xi32>
        %ge3A_954 = arith.cmpi sge, %convert_element_type3A_930, %ge3A_953 : vector<16xi32>
        %and3A_955 = arith.andi %and3A_951, %ge3A_954 : vector<16xi1>
        %lt3A_956 = arith.constant 128 : i32
        %lt3A_957 = vector.broadcast %lt3A_956 : i32 to vector<16xi32>
        %lt3A_958 = arith.cmpi slt, %convert_element_type3A_930, %lt3A_957 : vector<16xi32>
        %and3A_959 = arith.andi %and3A_955, %lt3A_958 : vector<16xi1>
        %ge3A_960 = arith.constant 0 : i32
        %ge3A_961 = vector.broadcast %ge3A_960 : i32 to vector<16xi32>
        %ge3A_962 = arith.cmpi sge, %convert_element_type3A_944, %ge3A_961 : vector<16xi32>
        %and3A_963 = arith.andi %and3A_959, %ge3A_962 : vector<16xi1>
        %lt3A_964 = arith.constant 1 : i32
        %lt3A_965 = vector.broadcast %lt3A_964 : i32 to vector<16xi32>
        %lt3A_966 = arith.cmpi slt, %convert_element_type3A_944, %lt3A_965 : vector<16xi32>
        %and3A_967 = arith.andi %and3A_963, %lt3A_966 : vector<16xi1>
        %mul3A_968 = arith.constant 128 : i32
        %mul3A_969 = vector.broadcast %mul3A_968 : i32 to vector<16xi32>
        %mul3A_970 = arith.muli %convert_element_type3A_916, %mul3A_969 : vector<16xi32>
        %add3A_971 = arith.addi %mul3A_970, %convert_element_type3A_930 : vector<16xi32>
        %add3A_972 = arith.constant 16384 : i32
        %add3A_973 = arith.addi %add3A_972, %arg1 : i32
        %broadcast_in_dim3A_974 = vector.broadcast %add3A_973 : i32 to vector<16xi32>
        %select_n3A_975 = arith.select %and3A_967, %add3A_971, %broadcast_in_dim3A_974 : vector<16xi1>, vector<16xi32>
        %swap3A_976 = arith.constant 1 : i32
        %swap3A_977 = arith.index_cast %swap3A_976 : i32 to index
        %swap3A_978 = arith.constant 128 : index
        %swap3A_979 = tpu.vector_load %arg8[%swap3A_977, %swap3A_978] {strides = array<i32>} : memref<3x176xi32, #tpu.memory_space<vmem>>, vector<1x16xi32>,
        %swap3A_980 = vector.shape_cast %swap3A_979 : vector<1x16xi32> to vector<16xi32>
        %swap3A_981 = vector.shape_cast %select_n3A_975 : vector<16xi32> to vector<1x16xi32>
        tpu.vector_store %arg8[%swap3A_977, %swap3A_978], %swap3A_981 {strides = array<i32>} : memref<3x176xi32, #tpu.memory_space<vmem>>, vector<1x16xi32>,
        %get3A_982 = arith.constant 1 : i32
        %get3A_983 = arith.constant 0 : i32
        %get3A_984 = arith.index_cast %get3A_982 : i32 to index
        %get3A_985 = arith.index_cast %get3A_983 : i32 to index
        %get3A_986 = arith.constant 144 : index
        %get3A_987 = tpu.vector_load %arg6[%get3A_984, %get3A_985, %get3A_986] {strides = array<i32>} : memref<3x3x176xf32, #tpu.memory_space<vmem>>, vector<1x1x16xf32>,
        %get3A_988 = vector.shape_cast %get3A_987 : vector<1x1x16xf32> to vector<16xf32>
        %sub3A_989 = arith.constant -5.120000e+01 : f32
        %sub3A_990 = vector.broadcast %sub3A_989 : f32 to vector<16xf32>
        %sub3A_991 = arith.subf %get3A_988, %sub3A_990 : vector<16xf32>
        %div3A_992 = arith.constant 8.000000e-01 : f32
        %div3A_993 = vector.broadcast %div3A_992 : f32 to vector<16xf32>
        %div3A_994 = arith.divf %sub3A_991, %div3A_993 : vector<16xf32>
        %convert_element_type3A_995 = arith.fptosi %div3A_994 : vector<16xf32> to vector<16xi32>
        %get3A_996 = arith.constant 1 : i32
        %get3A_997 = arith.constant 1 : i32
        %get3A_998 = arith.index_cast %get3A_996 : i32 to index
        %get3A_999 = arith.index_cast %get3A_997 : i32 to index
        %get3A_1000 = arith.constant 144 : index
        %get3A_1001 = tpu.vector_load %arg6[%get3A_998, %get3A_999, %get3A_1000] {strides = array<i32>} : memref<3x3x176xf32, #tpu.memory_space<vmem>>, vector<1x1x16xf32>,
        %get3A_1002 = vector.shape_cast %get3A_1001 : vector<1x1x16xf32> to vector<16xf32>
        %sub3A_1003 = arith.constant -5.120000e+01 : f32
        %sub3A_1004 = vector.broadcast %sub3A_1003 : f32 to vector<16xf32>
        %sub3A_1005 = arith.subf %get3A_1002, %sub3A_1004 : vector<16xf32>
        %div3A_1006 = arith.constant 8.000000e-01 : f32
        %div3A_1007 = vector.broadcast %div3A_1006 : f32 to vector<16xf32>
        %div3A_1008 = arith.divf %sub3A_1005, %div3A_1007 : vector<16xf32>
        %convert_element_type3A_1009 = arith.fptosi %div3A_1008 : vector<16xf32> to vector<16xi32>
        %get3A_1010 = arith.constant 1 : i32
        %get3A_1011 = arith.constant 2 : i32
        %get3A_1012 = arith.index_cast %get3A_1010 : i32 to index
        %get3A_1013 = arith.index_cast %get3A_1011 : i32 to index
        %get3A_1014 = arith.constant 144 : index
        %get3A_1015 = tpu.vector_load %arg6[%get3A_1012, %get3A_1013, %get3A_1014] {strides = array<i32>} : memref<3x3x176xf32, #tpu.memory_space<vmem>>, vector<1x1x16xf32>,
        %get3A_1016 = vector.shape_cast %get3A_1015 : vector<1x1x16xf32> to vector<16xf32>
        %sub3A_1017 = arith.constant -5.000000e+00 : f32
        %sub3A_1018 = vector.broadcast %sub3A_1017 : f32 to vector<16xf32>
        %sub3A_1019 = arith.subf %get3A_1016, %sub3A_1018 : vector<16xf32>
        %div3A_1020 = arith.constant 8.000000e+00 : f32
        %div3A_1021 = vector.broadcast %div3A_1020 : f32 to vector<16xf32>
        %div3A_1022 = arith.divf %sub3A_1019, %div3A_1021 : vector<16xf32>
        %convert_element_type3A_1023 = arith.fptosi %div3A_1022 : vector<16xf32> to vector<16xi32>
        %ge3A_1024 = arith.constant 0 : i32
        %ge3A_1025 = vector.broadcast %ge3A_1024 : i32 to vector<16xi32>
        %ge3A_1026 = arith.cmpi sge, %convert_element_type3A_995, %ge3A_1025 : vector<16xi32>
        %lt3A_1027 = arith.constant 128 : i32
        %lt3A_1028 = vector.broadcast %lt3A_1027 : i32 to vector<16xi32>
        %lt3A_1029 = arith.cmpi slt, %convert_element_type3A_995, %lt3A_1028 : vector<16xi32>
        %and3A_1030 = arith.andi %ge3A_1026, %lt3A_1029 : vector<16xi1>
        %ge3A_1031 = arith.constant 0 : i32
        %ge3A_1032 = vector.broadcast %ge3A_1031 : i32 to vector<16xi32>
        %ge3A_1033 = arith.cmpi sge, %convert_element_type3A_1009, %ge3A_1032 : vector<16xi32>
        %and3A_1034 = arith.andi %and3A_1030, %ge3A_1033 : vector<16xi1>
        %lt3A_1035 = arith.constant 128 : i32
        %lt3A_1036 = vector.broadcast %lt3A_1035 : i32 to vector<16xi32>
        %lt3A_1037 = arith.cmpi slt, %convert_element_type3A_1009, %lt3A_1036 : vector<16xi32>
        %and3A_1038 = arith.andi %and3A_1034, %lt3A_1037 : vector<16xi1>
        %ge3A_1039 = arith.constant 0 : i32
        %ge3A_1040 = vector.broadcast %ge3A_1039 : i32 to vector<16xi32>
        %ge3A_1041 = arith.cmpi sge, %convert_element_type3A_1023, %ge3A_1040 : vector<16xi32>
        %and3A_1042 = arith.andi %and3A_1038, %ge3A_1041 : vector<16xi1>
        %lt3A_1043 = arith.constant 1 : i32
        %lt3A_1044 = vector.broadcast %lt3A_1043 : i32 to vector<16xi32>
        %lt3A_1045 = arith.cmpi slt, %convert_element_type3A_1023, %lt3A_1044 : vector<16xi32>
        %and3A_1046 = arith.andi %and3A_1042, %lt3A_1045 : vector<16xi1>
        %mul3A_1047 = arith.constant 128 : i32
        %mul3A_1048 = vector.broadcast %mul3A_1047 : i32 to vector<16xi32>
        %mul3A_1049 = arith.muli %convert_element_type3A_995, %mul3A_1048 : vector<16xi32>
        %add3A_1050 = arith.addi %mul3A_1049, %convert_element_type3A_1009 : vector<16xi32>
        %add3A_1051 = arith.constant 16384 : i32
        %add3A_1052 = arith.addi %add3A_1051, %arg1 : i32
        %broadcast_in_dim3A_1053 = vector.broadcast %add3A_1052 : i32 to vector<16xi32>
        %select_n3A_1054 = arith.select %and3A_1046, %add3A_1050, %broadcast_in_dim3A_1053 : vector<16xi1>, vector<16xi32>
        %swap3A_1055 = arith.constant 1 : i32
        %swap3A_1056 = arith.index_cast %swap3A_1055 : i32 to index
        %swap3A_1057 = arith.constant 144 : index
        %swap3A_1058 = tpu.vector_load %arg8[%swap3A_1056, %swap3A_1057] {strides = array<i32>} : memref<3x176xi32, #tpu.memory_space<vmem>>, vector<1x16xi32>,
        %swap3A_1059 = vector.shape_cast %swap3A_1058 : vector<1x16xi32> to vector<16xi32>
        %swap3A_1060 = vector.shape_cast %select_n3A_1054 : vector<16xi32> to vector<1x16xi32>
        tpu.vector_store %arg8[%swap3A_1056, %swap3A_1057], %swap3A_1060 {strides = array<i32>} : memref<3x176xi32, #tpu.memory_space<vmem>>, vector<1x16xi32>,
        %get3A_1061 = arith.constant 1 : i32
        %get3A_1062 = arith.constant 0 : i32
        %get3A_1063 = arith.index_cast %get3A_1061 : i32 to index
        %get3A_1064 = arith.index_cast %get3A_1062 : i32 to index
        %get3A_1065 = arith.constant 160 : index
        %get3A_1066 = tpu.vector_load %arg6[%get3A_1063, %get3A_1064, %get3A_1065] {strides = array<i32>} : memref<3x3x176xf32, #tpu.memory_space<vmem>>, vector<1x1x16xf32>,
        %get3A_1067 = vector.shape_cast %get3A_1066 : vector<1x1x16xf32> to vector<16xf32>
        %sub3A_1068 = arith.constant -5.120000e+01 : f32
        %sub3A_1069 = vector.broadcast %sub3A_1068 : f32 to vector<16xf32>
        %sub3A_1070 = arith.subf %get3A_1067, %sub3A_1069 : vector<16xf32>
        %div3A_1071 = arith.constant 8.000000e-01 : f32
        %div3A_1072 = vector.broadcast %div3A_1071 : f32 to vector<16xf32>
        %div3A_1073 = arith.divf %sub3A_1070, %div3A_1072 : vector<16xf32>
        %convert_element_type3A_1074 = arith.fptosi %div3A_1073 : vector<16xf32> to vector<16xi32>
        %get3A_1075 = arith.constant 1 : i32
        %get3A_1076 = arith.constant 1 : i32
        %get3A_1077 = arith.index_cast %get3A_1075 : i32 to index
        %get3A_1078 = arith.index_cast %get3A_1076 : i32 to index
        %get3A_1079 = arith.constant 160 : index
        %get3A_1080 = tpu.vector_load %arg6[%get3A_1077, %get3A_1078, %get3A_1079] {strides = array<i32>} : memref<3x3x176xf32, #tpu.memory_space<vmem>>, vector<1x1x16xf32>,
        %get3A_1081 = vector.shape_cast %get3A_1080 : vector<1x1x16xf32> to vector<16xf32>
        %sub3A_1082 = arith.constant -5.120000e+01 : f32
        %sub3A_1083 = vector.broadcast %sub3A_1082 : f32 to vector<16xf32>
        %sub3A_1084 = arith.subf %get3A_1081, %sub3A_1083 : vector<16xf32>
        %div3A_1085 = arith.constant 8.000000e-01 : f32
        %div3A_1086 = vector.broadcast %div3A_1085 : f32 to vector<16xf32>
        %div3A_1087 = arith.divf %sub3A_1084, %div3A_1086 : vector<16xf32>
        %convert_element_type3A_1088 = arith.fptosi %div3A_1087 : vector<16xf32> to vector<16xi32>
        %get3A_1089 = arith.constant 1 : i32
        %get3A_1090 = arith.constant 2 : i32
        %get3A_1091 = arith.index_cast %get3A_1089 : i32 to index
        %get3A_1092 = arith.index_cast %get3A_1090 : i32 to index
        %get3A_1093 = arith.constant 160 : index
        %get3A_1094 = tpu.vector_load %arg6[%get3A_1091, %get3A_1092, %get3A_1093] {strides = array<i32>} : memref<3x3x176xf32, #tpu.memory_space<vmem>>, vector<1x1x16xf32>,
        %get3A_1095 = vector.shape_cast %get3A_1094 : vector<1x1x16xf32> to vector<16xf32>
        %sub3A_1096 = arith.constant -5.000000e+00 : f32
        %sub3A_1097 = vector.broadcast %sub3A_1096 : f32 to vector<16xf32>
        %sub3A_1098 = arith.subf %get3A_1095, %sub3A_1097 : vector<16xf32>
        %div3A_1099 = arith.constant 8.000000e+00 : f32
        %div3A_1100 = vector.broadcast %div3A_1099 : f32 to vector<16xf32>
        %div3A_1101 = arith.divf %sub3A_1098, %div3A_1100 : vector<16xf32>
        %convert_element_type3A_1102 = arith.fptosi %div3A_1101 : vector<16xf32> to vector<16xi32>
        %ge3A_1103 = arith.constant 0 : i32
        %ge3A_1104 = vector.broadcast %ge3A_1103 : i32 to vector<16xi32>
        %ge3A_1105 = arith.cmpi sge, %convert_element_type3A_1074, %ge3A_1104 : vector<16xi32>
        %lt3A_1106 = arith.constant 128 : i32
        %lt3A_1107 = vector.broadcast %lt3A_1106 : i32 to vector<16xi32>
        %lt3A_1108 = arith.cmpi slt, %convert_element_type3A_1074, %lt3A_1107 : vector<16xi32>
        %and3A_1109 = arith.andi %ge3A_1105, %lt3A_1108 : vector<16xi1>
        %ge3A_1110 = arith.constant 0 : i32
        %ge3A_1111 = vector.broadcast %ge3A_1110 : i32 to vector<16xi32>
        %ge3A_1112 = arith.cmpi sge, %convert_element_type3A_1088, %ge3A_1111 : vector<16xi32>
        %and3A_1113 = arith.andi %and3A_1109, %ge3A_1112 : vector<16xi1>
        %lt3A_1114 = arith.constant 128 : i32
        %lt3A_1115 = vector.broadcast %lt3A_1114 : i32 to vector<16xi32>
        %lt3A_1116 = arith.cmpi slt, %convert_element_type3A_1088, %lt3A_1115 : vector<16xi32>
        %and3A_1117 = arith.andi %and3A_1113, %lt3A_1116 : vector<16xi1>
        %ge3A_1118 = arith.constant 0 : i32
        %ge3A_1119 = vector.broadcast %ge3A_1118 : i32 to vector<16xi32>
        %ge3A_1120 = arith.cmpi sge, %convert_element_type3A_1102, %ge3A_1119 : vector<16xi32>
        %and3A_1121 = arith.andi %and3A_1117, %ge3A_1120 : vector<16xi1>
        %lt3A_1122 = arith.constant 1 : i32
        %lt3A_1123 = vector.broadcast %lt3A_1122 : i32 to vector<16xi32>
        %lt3A_1124 = arith.cmpi slt, %convert_element_type3A_1102, %lt3A_1123 : vector<16xi32>
        %and3A_1125 = arith.andi %and3A_1121, %lt3A_1124 : vector<16xi1>
        %mul3A_1126 = arith.constant 128 : i32
        %mul3A_1127 = vector.broadcast %mul3A_1126 : i32 to vector<16xi32>
        %mul3A_1128 = arith.muli %convert_element_type3A_1074, %mul3A_1127 : vector<16xi32>
        %add3A_1129 = arith.addi %mul3A_1128, %convert_element_type3A_1088 : vector<16xi32>
        %add3A_1130 = arith.constant 16384 : i32
        %add3A_1131 = arith.addi %add3A_1130, %arg1 : i32
        %broadcast_in_dim3A_1132 = vector.broadcast %add3A_1131 : i32 to vector<16xi32>
        %select_n3A_1133 = arith.select %and3A_1125, %add3A_1129, %broadcast_in_dim3A_1132 : vector<16xi1>, vector<16xi32>
        %swap3A_1134 = arith.constant 1 : i32
        %swap3A_1135 = arith.index_cast %swap3A_1134 : i32 to index
        %swap3A_1136 = arith.constant 160 : index
        %swap3A_1137 = tpu.vector_load %arg8[%swap3A_1135, %swap3A_1136] {strides = array<i32>} : memref<3x176xi32, #tpu.memory_space<vmem>>, vector<1x16xi32>,
        %swap3A_1138 = vector.shape_cast %swap3A_1137 : vector<1x16xi32> to vector<16xi32>
        %swap3A_1139 = vector.shape_cast %select_n3A_1133 : vector<16xi32> to vector<1x16xi32>
        tpu.vector_store %arg8[%swap3A_1135, %swap3A_1136], %swap3A_1139 {strides = array<i32>} : memref<3x176xi32, #tpu.memory_space<vmem>>, vector<1x16xi32>,
        %dma_start3A_1140 = arith.constant 1 : i32
        %dma_start3A_1141 = arith.constant 1 : i32
        %dma_start3A_1142 = arith.constant 0 : i32
        %dma_start3A_1143 = arith.constant 0 : i32
        %dma_start3A_1144 = tpu.memref_slice %arg7[%dma_start3A_1140, %dma_start3A_1142, %dma_start3A_1143] : memref<3x176x80xf32, #tpu.memory_space<vmem>> -> memref<1x176x80xf32, #tpu.memory_space<vmem>>
        %dma_start3A_1145 = tpu.memref_squeeze %dma_start3A_1144 : memref<1x176x80xf32, #tpu.memory_space<vmem>> -> memref<176x80xf32, #tpu.memory_space<vmem>>
        %dma_start3A_1146 = arith.constant 0 : i32
        %dma_start3A_1147 = tpu.memref_slice %arg8[%dma_start3A_1141, %dma_start3A_1146] : memref<3x176xi32, #tpu.memory_space<vmem>> -> memref<1x176xi32, #tpu.memory_space<vmem>>
        %dma_start3A_1148 = tpu.memref_squeeze %dma_start3A_1147 : memref<1x176xi32, #tpu.memory_space<vmem>> -> memref<176xi32, #tpu.memory_space<vmem>>
        %dma_start3A_1149 = arith.constant 0 : i32
        %dma_start3A_1150 = arith.constant 0 : i32
        %dma_start3A_1151 = tpu.memref_slice %arg9[%dma_start3A_1149, %dma_start3A_1150] : memref<16400x80xf32, #tpu.memory_space<vmem_shared>> -> memref<16400x80xf32, #tpu.memory_space<vmem_shared>>
        tpu.enqueue_indirect_dma source(%dma_start3A_1145 : memref<176x80xf32, #tpu.memory_space<vmem>>) target(%dma_start3A_1151 : memref<16400x80xf32, #tpu.memory_space<vmem_shared>>) offsets(%dma_start3A_1148 : memref<176xi32, #tpu.memory_space<vmem>>) semaphore(%arg17 : memref<!tpu.dma_semaphore, #tpu.memory_space<semaphore_mem>>) {add = true}
      } else {
      }
      %sub3A_166 = arith.constant 1 : i32
      %sub3A_167 = arith.subi %add3A_157, %sub3A_166 : i32
      %mul3A_168 = arith.constant 16 : i32
      %mul3A_169 = arith.muli %mul3A_168, %sub3A_167 : i32
      %add3A_170 = arith.addi %arg1, %mul3A_169 : i32
      %add3A_171 = arith.constant 2 : i32
      %add3A_172 = arith.addi %add3A_157, %add3A_171 : i32
      %mul3A_173 = arith.constant 16 : i32
      %mul3A_174 = arith.muli %mul3A_173, %add3A_172 : i32
      %add3A_175 = arith.addi %arg1, %mul3A_174 : i32
      %ge3A_176 = arith.constant 1 : i32
      %ge3A_177 = arith.cmpi sge, %add3A_157, %ge3A_176 : i32
      %lt3A_178 = arith.constant 1416 : i32
      %lt3A_179 = arith.cmpi slt, %add3A_170, %lt3A_178 : i32
      %and3A_180 = arith.andi %ge3A_177, %lt3A_179 : i1
      %convert_element_type3A_181 = arith.extui %and3A_180 : i1 to i32
      %cond3A_182 = arith.constant 0 : i32
      %cond3A_183 = arith.cmpi ne, %convert_element_type3A_181, %cond3A_182 : i32
      scf.if %cond3A_183 {
        %dma_wait3A = arith.constant 0 : i32
        %dma_wait3A_228 = arith.constant 0 : i32
        %dma_wait3A_229 = arith.constant 0 : i32
        %dma_wait3A_230 = arith.constant 0 : i32
        %dma_wait3A_231 = tpu.memref_slice %arg7[%dma_wait3A, %dma_wait3A_229, %dma_wait3A_230] : memref<3x176x80xf32, #tpu.memory_space<vmem>> -> memref<1x176x80xf32, #tpu.memory_space<vmem>>
        %dma_wait3A_232 = tpu.memref_squeeze %dma_wait3A_231 : memref<1x176x80xf32, #tpu.memory_space<vmem>> -> memref<176x80xf32, #tpu.memory_space<vmem>>
        %dma_wait3A_233 = arith.constant 0 : i32
        %dma_wait3A_234 = tpu.memref_slice %arg8[%dma_wait3A_228, %dma_wait3A_233] : memref<3x176xi32, #tpu.memory_space<vmem>> -> memref<1x176xi32, #tpu.memory_space<vmem>>
        %dma_wait3A_235 = tpu.memref_squeeze %dma_wait3A_234 : memref<1x176xi32, #tpu.memory_space<vmem>> -> memref<176xi32, #tpu.memory_space<vmem>>
        %dma_wait3A_236 = arith.constant 0 : i32
        %dma_wait3A_237 = arith.constant 0 : i32
        %dma_wait3A_238 = tpu.memref_slice %arg9[%dma_wait3A_236, %dma_wait3A_237] : memref<16400x80xf32, #tpu.memory_space<vmem_shared>> -> memref<16400x80xf32, #tpu.memory_space<vmem_shared>>
        tpu.wait_indirect_dma semaphore(%arg16 : memref<!tpu.dma_semaphore, #tpu.memory_space<semaphore_mem>>) src(%dma_wait3A_232 : memref<176x80xf32, #tpu.memory_space<vmem>>) dst(%dma_wait3A_238 : memref<16400x80xf32, #tpu.memory_space<vmem_shared>>)
      } else {
      }
      %lt3A_184 = arith.constant 1416 : i32
      %lt3A_185 = arith.cmpi slt, %add3A_175, %lt3A_184 : i32
      %add3A_186 = arith.constant 2 : i32
      %add3A_187 = arith.addi %add3A_157, %add3A_186 : i32
      %convert_element_type3A_188 = arith.extui %lt3A_185 : i1 to i32
      %cond3A_189 = arith.constant 0 : i32
      %cond3A_190 = arith.cmpi ne, %convert_element_type3A_188, %cond3A_189 : i32
      scf.if %cond3A_190 {
        %mul3A_228 = arith.constant 16 : i32
        %mul3A_229 = arith.muli %mul3A_228, %add3A_187 : i32
        %add3A_230 = arith.addi %arg1, %mul3A_229 : i32
        %mul3A_231 = arith.constant 1416 : i32
        %mul3A_232 = arith.muli %arg0, %mul3A_231 : i32
        %add3A_233 = arith.addi %mul3A_232, %add3A_230 : i32
        %shift_right_arithmetic3A_234 = arith.constant 2 : i32
        %shift_right_arithmetic3A_235 = arith.shrsi %add3A_230, %shift_right_arithmetic3A_234 : i32
        %mul3A_236 = arith.constant 1111 : i32
        %mul3A_237 = arith.muli %shift_right_arithmetic3A_235, %mul3A_236 : i32
        %shift_right_arithmetic3A_238 = arith.constant 16 : i32
        %shift_right_arithmetic3A_239 = arith.shrsi %mul3A_237, %shift_right_arithmetic3A_238 : i32
        %mul3A_240 = arith.constant 59 : i32
        %mul3A_241 = arith.muli %shift_right_arithmetic3A_239, %mul3A_240 : i32
        %sub3A_242 = arith.subi %shift_right_arithmetic3A_235, %mul3A_241 : i32
        %and3A_243 = arith.constant 3 : i32
        %and3A_244 = arith.andi %add3A_230, %and3A_243 : i32
        %mul3A_245 = arith.constant 176 : i32
        %mul3A_246 = arith.muli %and3A_244, %mul3A_245 : i32
        %mul3A_247 = arith.constant 176 : i32
        %mul3A_248 = arith.muli %add3A_233, %mul3A_247 : i32
        %dma_start3A_249 = arith.constant 0 : i32
        %dma_start3A_250 = arith.constant 0 : i32
        %dma_start3A_251 = arith.constant 0 : i32
        %dma_start3A_252 = tpu.memref_slice %arg6[%dma_start3A_249, %dma_start3A_250, %dma_start3A_251] : memref<3x3x176xf32, #tpu.memory_space<vmem>> -> memref<1x3x176xf32, #tpu.memory_space<vmem>>
        %dma_start3A_253 = tpu.memref_squeeze %dma_start3A_252 : memref<1x3x176xf32, #tpu.memory_space<vmem>> -> memref<3x176xf32, #tpu.memory_space<vmem>>
        %dma_start3A_254 = arith.constant 0 : i32
        %dma_start3A_255 = tpu.memref_slice %arg2[%dma_start3A_254, %mul3A_248] : memref<3x498432xf32, #tpu.memory_space<hbm>> -> memref<3x176xf32, #tpu.memory_space<hbm>>
        %dma_start3A_256 = arith.constant 0 : i32
        %dma_start3A_257 = arith.constant 0 : i32
        %dma_start3A_258 = tpu.memref_slice %arg6[%dma_start3A_249, %dma_start3A_256, %dma_start3A_257] : memref<3x3x176xf32, #tpu.memory_space<vmem>> -> memref<1x3x176xf32, #tpu.memory_space<vmem>>
        %dma_start3A_259 = tpu.memref_squeeze %dma_start3A_258 : memref<1x3x176xf32, #tpu.memory_space<vmem>> -> memref<3x176xf32, #tpu.memory_space<vmem>>
        %dma_start3A_260 = arith.constant 0 : i32
        %dma_start3A_261 = tpu.memref_slice %arg2[%dma_start3A_260, %mul3A_248] : memref<3x498432xf32, #tpu.memory_space<hbm>> -> memref<3x176xf32, #tpu.memory_space<hbm>>
        tpu.enqueue_dma source(%dma_start3A_261 : memref<3x176xf32, #tpu.memory_space<hbm>>) target(%dma_start3A_259 : memref<3x176xf32, #tpu.memory_space<vmem>>) target_semaphore(%arg10 : memref<!tpu.dma_semaphore, #tpu.memory_space<semaphore_mem>>)
        %dma_start3A_262 = arith.constant 0 : i32
        %dma_start3A_263 = arith.constant 0 : i32
        %dma_start3A_264 = arith.constant 0 : i32
        %dma_start3A_265 = tpu.memref_slice %arg7[%dma_start3A_262, %dma_start3A_263, %dma_start3A_264] : memref<3x176x80xf32, #tpu.memory_space<vmem>> -> memref<1x176x80xf32, #tpu.memory_space<vmem>>
        %dma_start3A_266 = tpu.memref_squeeze %dma_start3A_265 : memref<1x176x80xf32, #tpu.memory_space<vmem>> -> memref<176x80xf32, #tpu.memory_space<vmem>>
        %dma_start3A_267 = arith.constant 0 : i32
        %dma_start3A_268 = tpu.memref_slice %arg3[%arg0, %shift_right_arithmetic3A_239, %sub3A_242, %mul3A_246, %dma_start3A_267] : memref<2x6x59x704x80xf32, #tpu.memory_space<hbm>> -> memref<1x1x1x176x80xf32, #tpu.memory_space<hbm>>
        %dma_start3A_269 = tpu.memref_squeeze %dma_start3A_268 : memref<1x1x1x176x80xf32, #tpu.memory_space<hbm>> -> memref<176x80xf32, #tpu.memory_space<hbm>>
        %dma_start3A_270 = arith.constant 0 : i32
        %dma_start3A_271 = arith.constant 0 : i32
        %dma_start3A_272 = tpu.memref_slice %arg7[%dma_start3A_262, %dma_start3A_270, %dma_start3A_271] : memref<3x176x80xf32, #tpu.memory_space<vmem>> -> memref<1x176x80xf32, #tpu.memory_space<vmem>>
        %dma_start3A_273 = tpu.memref_squeeze %dma_start3A_272 : memref<1x176x80xf32, #tpu.memory_space<vmem>> -> memref<176x80xf32, #tpu.memory_space<vmem>>
        %dma_start3A_274 = arith.constant 0 : i32
        %dma_start3A_275 = tpu.memref_slice %arg3[%arg0, %shift_right_arithmetic3A_239, %sub3A_242, %mul3A_246, %dma_start3A_274] : memref<2x6x59x704x80xf32, #tpu.memory_space<hbm>> -> memref<1x1x1x176x80xf32, #tpu.memory_space<hbm>>
        %dma_start3A_276 = tpu.memref_squeeze %dma_start3A_275 : memref<1x1x1x176x80xf32, #tpu.memory_space<hbm>> -> memref<176x80xf32, #tpu.memory_space<hbm>>
        tpu.enqueue_dma source(%dma_start3A_276 : memref<176x80xf32, #tpu.memory_space<hbm>>) target(%dma_start3A_273 : memref<176x80xf32, #tpu.memory_space<vmem>>) target_semaphore(%arg13 : memref<!tpu.dma_semaphore, #tpu.memory_space<semaphore_mem>>)
      } else {
      }
      %mul3A_191 = arith.constant 3 : i32
      %mul3A_192 = arith.muli %scan3A_120, %mul3A_191 : i32
      %add3A_193 = arith.constant 2 : i32
      %add3A_194 = arith.addi %mul3A_192, %add3A_193 : i32
      %mul3A_195 = arith.constant 16 : i32
      %mul3A_196 = arith.muli %mul3A_195, %add3A_194 : i32
      %add3A_197 = arith.addi %arg1, %mul3A_196 : i32
      %lt3A_198 = arith.constant 1416 : i32
      %lt3A_199 = arith.cmpi slt, %add3A_197, %lt3A_198 : i32
      %convert_element_type3A_200 = arith.extui %lt3A_199 : i1 to i32
      %cond3A_201 = arith.constant 0 : i32
      %cond3A_202 = arith.cmpi ne, %convert_element_type3A_200, %cond3A_201 : i32
      scf.if %cond3A_202 {
        %mul3A_228 = arith.constant 16 : i32
        %mul3A_229 = arith.muli %mul3A_228, %add3A_194 : i32
        %add3A_230 = arith.addi %arg1, %mul3A_229 : i32
        %mul3A_231 = arith.constant 1416 : i32
        %mul3A_232 = arith.muli %arg0, %mul3A_231 : i32
        %add3A_233 = arith.addi %mul3A_232, %add3A_230 : i32
        %shift_right_arithmetic3A_234 = arith.constant 2 : i32
        %shift_right_arithmetic3A_235 = arith.shrsi %add3A_230, %shift_right_arithmetic3A_234 : i32
        %mul3A_236 = arith.constant 1111 : i32
        %mul3A_237 = arith.muli %shift_right_arithmetic3A_235, %mul3A_236 : i32
        %shift_right_arithmetic3A_238 = arith.constant 16 : i32
        %shift_right_arithmetic3A_239 = arith.shrsi %mul3A_237, %shift_right_arithmetic3A_238 : i32
        %mul3A_240 = arith.constant 59 : i32
        %mul3A_241 = arith.muli %shift_right_arithmetic3A_239, %mul3A_240 : i32
        %sub3A_242 = arith.subi %shift_right_arithmetic3A_235, %mul3A_241 : i32
        %and3A_243 = arith.constant 3 : i32
        %and3A_244 = arith.andi %add3A_230, %and3A_243 : i32
        %mul3A_245 = arith.constant 176 : i32
        %mul3A_246 = arith.muli %and3A_244, %mul3A_245 : i32
        %mul3A_247 = arith.constant 176 : i32
        %mul3A_248 = arith.muli %add3A_233, %mul3A_247 : i32
        %dma_wait3A = arith.constant 2 : i32
        %dma_wait3A_249 = arith.constant 0 : i32
        %dma_wait3A_250 = arith.constant 0 : i32
        %dma_wait3A_251 = tpu.memref_slice %arg6[%dma_wait3A, %dma_wait3A_249, %dma_wait3A_250] : memref<3x3x176xf32, #tpu.memory_space<vmem>> -> memref<1x3x176xf32, #tpu.memory_space<vmem>>
        %dma_wait3A_252 = tpu.memref_squeeze %dma_wait3A_251 : memref<1x3x176xf32, #tpu.memory_space<vmem>> -> memref<3x176xf32, #tpu.memory_space<vmem>>
        %dma_wait3A_253 = arith.constant 0 : i32
        %dma_wait3A_254 = tpu.memref_slice %arg2[%dma_wait3A_253, %mul3A_248] : memref<3x498432xf32, #tpu.memory_space<hbm>> -> memref<3x176xf32, #tpu.memory_space<hbm>>
        %dma_wait3A_255 = arith.constant 0 : i32
        %dma_wait3A_256 = arith.constant 0 : i32
        %dma_wait3A_257 = tpu.memref_slice %arg6[%dma_wait3A, %dma_wait3A_255, %dma_wait3A_256] : memref<3x3x176xf32, #tpu.memory_space<vmem>> -> memref<1x3x176xf32, #tpu.memory_space<vmem>>
        %dma_wait3A_258 = tpu.memref_squeeze %dma_wait3A_257 : memref<1x3x176xf32, #tpu.memory_space<vmem>> -> memref<3x176xf32, #tpu.memory_space<vmem>>
        %dma_wait3A_259 = arith.constant 0 : i32
        %dma_wait3A_260 = tpu.memref_slice %arg2[%dma_wait3A_259, %mul3A_248] : memref<3x498432xf32, #tpu.memory_space<hbm>> -> memref<3x176xf32, #tpu.memory_space<hbm>>
        tpu.wait_dma2 semaphore(%arg12 : memref<!tpu.dma_semaphore, #tpu.memory_space<semaphore_mem>>) src(%dma_wait3A_260 : memref<3x176xf32, #tpu.memory_space<hbm>>) dst(%dma_wait3A_258 : memref<3x176xf32, #tpu.memory_space<vmem>>)
        %dma_wait3A_261 = arith.constant 2 : i32
        %dma_wait3A_262 = arith.constant 0 : i32
        %dma_wait3A_263 = arith.constant 0 : i32
        %dma_wait3A_264 = tpu.memref_slice %arg7[%dma_wait3A_261, %dma_wait3A_262, %dma_wait3A_263] : memref<3x176x80xf32, #tpu.memory_space<vmem>> -> memref<1x176x80xf32, #tpu.memory_space<vmem>>
        %dma_wait3A_265 = tpu.memref_squeeze %dma_wait3A_264 : memref<1x176x80xf32, #tpu.memory_space<vmem>> -> memref<176x80xf32, #tpu.memory_space<vmem>>
        %dma_wait3A_266 = arith.constant 0 : i32
        %dma_wait3A_267 = tpu.memref_slice %arg3[%arg0, %shift_right_arithmetic3A_239, %sub3A_242, %mul3A_246, %dma_wait3A_266] : memref<2x6x59x704x80xf32, #tpu.memory_space<hbm>> -> memref<1x1x1x176x80xf32, #tpu.memory_space<hbm>>
        %dma_wait3A_268 = tpu.memref_squeeze %dma_wait3A_267 : memref<1x1x1x176x80xf32, #tpu.memory_space<hbm>> -> memref<176x80xf32, #tpu.memory_space<hbm>>
        %dma_wait3A_269 = arith.constant 0 : i32
        %dma_wait3A_270 = arith.constant 0 : i32
        %dma_wait3A_271 = tpu.memref_slice %arg7[%dma_wait3A_261, %dma_wait3A_269, %dma_wait3A_270] : memref<3x176x80xf32, #tpu.memory_space<vmem>> -> memref<1x176x80xf32, #tpu.memory_space<vmem>>
        %dma_wait3A_272 = tpu.memref_squeeze %dma_wait3A_271 : memref<1x176x80xf32, #tpu.memory_space<vmem>> -> memref<176x80xf32, #tpu.memory_space<vmem>>
        %dma_wait3A_273 = arith.constant 0 : i32
        %dma_wait3A_274 = tpu.memref_slice %arg3[%arg0, %shift_right_arithmetic3A_239, %sub3A_242, %mul3A_246, %dma_wait3A_273] : memref<2x6x59x704x80xf32, #tpu.memory_space<hbm>> -> memref<1x1x1x176x80xf32, #tpu.memory_space<hbm>>
        %dma_wait3A_275 = tpu.memref_squeeze %dma_wait3A_274 : memref<1x1x1x176x80xf32, #tpu.memory_space<hbm>> -> memref<176x80xf32, #tpu.memory_space<hbm>>
        tpu.wait_dma2 semaphore(%arg15 : memref<!tpu.dma_semaphore, #tpu.memory_space<semaphore_mem>>) src(%dma_wait3A_275 : memref<176x80xf32, #tpu.memory_space<hbm>>) dst(%dma_wait3A_272 : memref<176x80xf32, #tpu.memory_space<vmem>>)
        %get3A = arith.constant 2 : i32
        %get3A_276 = arith.constant 0 : i32
        %get3A_277 = arith.index_cast %get3A : i32 to index
        %get3A_278 = arith.index_cast %get3A_276 : i32 to index
        %get3A_279 = arith.constant 0 : index
        %get3A_280 = tpu.vector_load %arg6[%get3A_277, %get3A_278, %get3A_279] {strides = array<i32>} : memref<3x3x176xf32, #tpu.memory_space<vmem>>, vector<1x1x16xf32>,
        %get3A_281 = vector.shape_cast %get3A_280 : vector<1x1x16xf32> to vector<16xf32>
        %sub3A_282 = arith.constant -5.120000e+01 : f32
        %sub3A_283 = vector.broadcast %sub3A_282 : f32 to vector<16xf32>
        %sub3A_284 = arith.subf %get3A_281, %sub3A_283 : vector<16xf32>
        %div3A = arith.constant 8.000000e-01 : f32
        %div3A_285 = vector.broadcast %div3A : f32 to vector<16xf32>
        %div3A_286 = arith.divf %sub3A_284, %div3A_285 : vector<16xf32>
        %convert_element_type3A_287 = arith.fptosi %div3A_286 : vector<16xf32> to vector<16xi32>
        %get3A_288 = arith.constant 2 : i32
        %get3A_289 = arith.constant 1 : i32
        %get3A_290 = arith.index_cast %get3A_288 : i32 to index
        %get3A_291 = arith.index_cast %get3A_289 : i32 to index
        %get3A_292 = arith.constant 0 : index
        %get3A_293 = tpu.vector_load %arg6[%get3A_290, %get3A_291, %get3A_292] {strides = array<i32>} : memref<3x3x176xf32, #tpu.memory_space<vmem>>, vector<1x1x16xf32>,
        %get3A_294 = vector.shape_cast %get3A_293 : vector<1x1x16xf32> to vector<16xf32>
        %sub3A_295 = arith.constant -5.120000e+01 : f32
        %sub3A_296 = vector.broadcast %sub3A_295 : f32 to vector<16xf32>
        %sub3A_297 = arith.subf %get3A_294, %sub3A_296 : vector<16xf32>
        %div3A_298 = arith.constant 8.000000e-01 : f32
        %div3A_299 = vector.broadcast %div3A_298 : f32 to vector<16xf32>
        %div3A_300 = arith.divf %sub3A_297, %div3A_299 : vector<16xf32>
        %convert_element_type3A_301 = arith.fptosi %div3A_300 : vector<16xf32> to vector<16xi32>
        %get3A_302 = arith.constant 2 : i32
        %get3A_303 = arith.constant 2 : i32
        %get3A_304 = arith.index_cast %get3A_302 : i32 to index
        %get3A_305 = arith.index_cast %get3A_303 : i32 to index
        %get3A_306 = arith.constant 0 : index
        %get3A_307 = tpu.vector_load %arg6[%get3A_304, %get3A_305, %get3A_306] {strides = array<i32>} : memref<3x3x176xf32, #tpu.memory_space<vmem>>, vector<1x1x16xf32>,
        %get3A_308 = vector.shape_cast %get3A_307 : vector<1x1x16xf32> to vector<16xf32>
        %sub3A_309 = arith.constant -5.000000e+00 : f32
        %sub3A_310 = vector.broadcast %sub3A_309 : f32 to vector<16xf32>
        %sub3A_311 = arith.subf %get3A_308, %sub3A_310 : vector<16xf32>
        %div3A_312 = arith.constant 8.000000e+00 : f32
        %div3A_313 = vector.broadcast %div3A_312 : f32 to vector<16xf32>
        %div3A_314 = arith.divf %sub3A_311, %div3A_313 : vector<16xf32>
        %convert_element_type3A_315 = arith.fptosi %div3A_314 : vector<16xf32> to vector<16xi32>
        %ge3A_316 = arith.constant 0 : i32
        %ge3A_317 = vector.broadcast %ge3A_316 : i32 to vector<16xi32>
        %ge3A_318 = arith.cmpi sge, %convert_element_type3A_287, %ge3A_317 : vector<16xi32>
        %lt3A_319 = arith.constant 128 : i32
        %lt3A_320 = vector.broadcast %lt3A_319 : i32 to vector<16xi32>
        %lt3A_321 = arith.cmpi slt, %convert_element_type3A_287, %lt3A_320 : vector<16xi32>
        %and3A_322 = arith.andi %ge3A_318, %lt3A_321 : vector<16xi1>
        %ge3A_323 = arith.constant 0 : i32
        %ge3A_324 = vector.broadcast %ge3A_323 : i32 to vector<16xi32>
        %ge3A_325 = arith.cmpi sge, %convert_element_type3A_301, %ge3A_324 : vector<16xi32>
        %and3A_326 = arith.andi %and3A_322, %ge3A_325 : vector<16xi1>
        %lt3A_327 = arith.constant 128 : i32
        %lt3A_328 = vector.broadcast %lt3A_327 : i32 to vector<16xi32>
        %lt3A_329 = arith.cmpi slt, %convert_element_type3A_301, %lt3A_328 : vector<16xi32>
        %and3A_330 = arith.andi %and3A_326, %lt3A_329 : vector<16xi1>
        %ge3A_331 = arith.constant 0 : i32
        %ge3A_332 = vector.broadcast %ge3A_331 : i32 to vector<16xi32>
        %ge3A_333 = arith.cmpi sge, %convert_element_type3A_315, %ge3A_332 : vector<16xi32>
        %and3A_334 = arith.andi %and3A_330, %ge3A_333 : vector<16xi1>
        %lt3A_335 = arith.constant 1 : i32
        %lt3A_336 = vector.broadcast %lt3A_335 : i32 to vector<16xi32>
        %lt3A_337 = arith.cmpi slt, %convert_element_type3A_315, %lt3A_336 : vector<16xi32>
        %and3A_338 = arith.andi %and3A_334, %lt3A_337 : vector<16xi1>
        %mul3A_339 = arith.constant 128 : i32
        %mul3A_340 = vector.broadcast %mul3A_339 : i32 to vector<16xi32>
        %mul3A_341 = arith.muli %convert_element_type3A_287, %mul3A_340 : vector<16xi32>
        %add3A_342 = arith.addi %mul3A_341, %convert_element_type3A_301 : vector<16xi32>
        %add3A_343 = arith.constant 16384 : i32
        %add3A_344 = arith.addi %add3A_343, %arg1 : i32
        %broadcast_in_dim3A = vector.broadcast %add3A_344 : i32 to vector<16xi32>
        %select_n3A = arith.select %and3A_338, %add3A_342, %broadcast_in_dim3A : vector<16xi1>, vector<16xi32>
        %swap3A = arith.constant 2 : i32
        %swap3A_345 = arith.index_cast %swap3A : i32 to index
        %swap3A_346 = arith.constant 0 : index
        %swap3A_347 = tpu.vector_load %arg8[%swap3A_345, %swap3A_346] {strides = array<i32>} : memref<3x176xi32, #tpu.memory_space<vmem>>, vector<1x16xi32>,
        %swap3A_348 = vector.shape_cast %swap3A_347 : vector<1x16xi32> to vector<16xi32>
        %swap3A_349 = vector.shape_cast %select_n3A : vector<16xi32> to vector<1x16xi32>
        tpu.vector_store %arg8[%swap3A_345, %swap3A_346], %swap3A_349 {strides = array<i32>} : memref<3x176xi32, #tpu.memory_space<vmem>>, vector<1x16xi32>,
        %get3A_350 = arith.constant 2 : i32
        %get3A_351 = arith.constant 0 : i32
        %get3A_352 = arith.index_cast %get3A_350 : i32 to index
        %get3A_353 = arith.index_cast %get3A_351 : i32 to index
        %get3A_354 = arith.constant 16 : index
        %get3A_355 = tpu.vector_load %arg6[%get3A_352, %get3A_353, %get3A_354] {strides = array<i32>} : memref<3x3x176xf32, #tpu.memory_space<vmem>>, vector<1x1x16xf32>,
        %get3A_356 = vector.shape_cast %get3A_355 : vector<1x1x16xf32> to vector<16xf32>
        %sub3A_357 = arith.constant -5.120000e+01 : f32
        %sub3A_358 = vector.broadcast %sub3A_357 : f32 to vector<16xf32>
        %sub3A_359 = arith.subf %get3A_356, %sub3A_358 : vector<16xf32>
        %div3A_360 = arith.constant 8.000000e-01 : f32
        %div3A_361 = vector.broadcast %div3A_360 : f32 to vector<16xf32>
        %div3A_362 = arith.divf %sub3A_359, %div3A_361 : vector<16xf32>
        %convert_element_type3A_363 = arith.fptosi %div3A_362 : vector<16xf32> to vector<16xi32>
        %get3A_364 = arith.constant 2 : i32
        %get3A_365 = arith.constant 1 : i32
        %get3A_366 = arith.index_cast %get3A_364 : i32 to index
        %get3A_367 = arith.index_cast %get3A_365 : i32 to index
        %get3A_368 = arith.constant 16 : index
        %get3A_369 = tpu.vector_load %arg6[%get3A_366, %get3A_367, %get3A_368] {strides = array<i32>} : memref<3x3x176xf32, #tpu.memory_space<vmem>>, vector<1x1x16xf32>,
        %get3A_370 = vector.shape_cast %get3A_369 : vector<1x1x16xf32> to vector<16xf32>
        %sub3A_371 = arith.constant -5.120000e+01 : f32
        %sub3A_372 = vector.broadcast %sub3A_371 : f32 to vector<16xf32>
        %sub3A_373 = arith.subf %get3A_370, %sub3A_372 : vector<16xf32>
        %div3A_374 = arith.constant 8.000000e-01 : f32
        %div3A_375 = vector.broadcast %div3A_374 : f32 to vector<16xf32>
        %div3A_376 = arith.divf %sub3A_373, %div3A_375 : vector<16xf32>
        %convert_element_type3A_377 = arith.fptosi %div3A_376 : vector<16xf32> to vector<16xi32>
        %get3A_378 = arith.constant 2 : i32
        %get3A_379 = arith.constant 2 : i32
        %get3A_380 = arith.index_cast %get3A_378 : i32 to index
        %get3A_381 = arith.index_cast %get3A_379 : i32 to index
        %get3A_382 = arith.constant 16 : index
        %get3A_383 = tpu.vector_load %arg6[%get3A_380, %get3A_381, %get3A_382] {strides = array<i32>} : memref<3x3x176xf32, #tpu.memory_space<vmem>>, vector<1x1x16xf32>,
        %get3A_384 = vector.shape_cast %get3A_383 : vector<1x1x16xf32> to vector<16xf32>
        %sub3A_385 = arith.constant -5.000000e+00 : f32
        %sub3A_386 = vector.broadcast %sub3A_385 : f32 to vector<16xf32>
        %sub3A_387 = arith.subf %get3A_384, %sub3A_386 : vector<16xf32>
        %div3A_388 = arith.constant 8.000000e+00 : f32
        %div3A_389 = vector.broadcast %div3A_388 : f32 to vector<16xf32>
        %div3A_390 = arith.divf %sub3A_387, %div3A_389 : vector<16xf32>
        %convert_element_type3A_391 = arith.fptosi %div3A_390 : vector<16xf32> to vector<16xi32>
        %ge3A_392 = arith.constant 0 : i32
        %ge3A_393 = vector.broadcast %ge3A_392 : i32 to vector<16xi32>
        %ge3A_394 = arith.cmpi sge, %convert_element_type3A_363, %ge3A_393 : vector<16xi32>
        %lt3A_395 = arith.constant 128 : i32
        %lt3A_396 = vector.broadcast %lt3A_395 : i32 to vector<16xi32>
        %lt3A_397 = arith.cmpi slt, %convert_element_type3A_363, %lt3A_396 : vector<16xi32>
        %and3A_398 = arith.andi %ge3A_394, %lt3A_397 : vector<16xi1>
        %ge3A_399 = arith.constant 0 : i32
        %ge3A_400 = vector.broadcast %ge3A_399 : i32 to vector<16xi32>
        %ge3A_401 = arith.cmpi sge, %convert_element_type3A_377, %ge3A_400 : vector<16xi32>
        %and3A_402 = arith.andi %and3A_398, %ge3A_401 : vector<16xi1>
        %lt3A_403 = arith.constant 128 : i32
        %lt3A_404 = vector.broadcast %lt3A_403 : i32 to vector<16xi32>
        %lt3A_405 = arith.cmpi slt, %convert_element_type3A_377, %lt3A_404 : vector<16xi32>
        %and3A_406 = arith.andi %and3A_402, %lt3A_405 : vector<16xi1>
        %ge3A_407 = arith.constant 0 : i32
        %ge3A_408 = vector.broadcast %ge3A_407 : i32 to vector<16xi32>
        %ge3A_409 = arith.cmpi sge, %convert_element_type3A_391, %ge3A_408 : vector<16xi32>
        %and3A_410 = arith.andi %and3A_406, %ge3A_409 : vector<16xi1>
        %lt3A_411 = arith.constant 1 : i32
        %lt3A_412 = vector.broadcast %lt3A_411 : i32 to vector<16xi32>
        %lt3A_413 = arith.cmpi slt, %convert_element_type3A_391, %lt3A_412 : vector<16xi32>
        %and3A_414 = arith.andi %and3A_410, %lt3A_413 : vector<16xi1>
        %mul3A_415 = arith.constant 128 : i32
        %mul3A_416 = vector.broadcast %mul3A_415 : i32 to vector<16xi32>
        %mul3A_417 = arith.muli %convert_element_type3A_363, %mul3A_416 : vector<16xi32>
        %add3A_418 = arith.addi %mul3A_417, %convert_element_type3A_377 : vector<16xi32>
        %add3A_419 = arith.constant 16384 : i32
        %add3A_420 = arith.addi %add3A_419, %arg1 : i32
        %broadcast_in_dim3A_421 = vector.broadcast %add3A_420 : i32 to vector<16xi32>
        %select_n3A_422 = arith.select %and3A_414, %add3A_418, %broadcast_in_dim3A_421 : vector<16xi1>, vector<16xi32>
        %swap3A_423 = arith.constant 2 : i32
        %swap3A_424 = arith.index_cast %swap3A_423 : i32 to index
        %swap3A_425 = arith.constant 16 : index
        %swap3A_426 = tpu.vector_load %arg8[%swap3A_424, %swap3A_425] {strides = array<i32>} : memref<3x176xi32, #tpu.memory_space<vmem>>, vector<1x16xi32>,
        %swap3A_427 = vector.shape_cast %swap3A_426 : vector<1x16xi32> to vector<16xi32>
        %swap3A_428 = vector.shape_cast %select_n3A_422 : vector<16xi32> to vector<1x16xi32>
        tpu.vector_store %arg8[%swap3A_424, %swap3A_425], %swap3A_428 {strides = array<i32>} : memref<3x176xi32, #tpu.memory_space<vmem>>, vector<1x16xi32>,
        %get3A_429 = arith.constant 2 : i32
        %get3A_430 = arith.constant 0 : i32
        %get3A_431 = arith.index_cast %get3A_429 : i32 to index
        %get3A_432 = arith.index_cast %get3A_430 : i32 to index
        %get3A_433 = arith.constant 32 : index
        %get3A_434 = tpu.vector_load %arg6[%get3A_431, %get3A_432, %get3A_433] {strides = array<i32>} : memref<3x3x176xf32, #tpu.memory_space<vmem>>, vector<1x1x16xf32>,
        %get3A_435 = vector.shape_cast %get3A_434 : vector<1x1x16xf32> to vector<16xf32>
        %sub3A_436 = arith.constant -5.120000e+01 : f32
        %sub3A_437 = vector.broadcast %sub3A_436 : f32 to vector<16xf32>
        %sub3A_438 = arith.subf %get3A_435, %sub3A_437 : vector<16xf32>
        %div3A_439 = arith.constant 8.000000e-01 : f32
        %div3A_440 = vector.broadcast %div3A_439 : f32 to vector<16xf32>
        %div3A_441 = arith.divf %sub3A_438, %div3A_440 : vector<16xf32>
        %convert_element_type3A_442 = arith.fptosi %div3A_441 : vector<16xf32> to vector<16xi32>
        %get3A_443 = arith.constant 2 : i32
        %get3A_444 = arith.constant 1 : i32
        %get3A_445 = arith.index_cast %get3A_443 : i32 to index
        %get3A_446 = arith.index_cast %get3A_444 : i32 to index
        %get3A_447 = arith.constant 32 : index
        %get3A_448 = tpu.vector_load %arg6[%get3A_445, %get3A_446, %get3A_447] {strides = array<i32>} : memref<3x3x176xf32, #tpu.memory_space<vmem>>, vector<1x1x16xf32>,
        %get3A_449 = vector.shape_cast %get3A_448 : vector<1x1x16xf32> to vector<16xf32>
        %sub3A_450 = arith.constant -5.120000e+01 : f32
        %sub3A_451 = vector.broadcast %sub3A_450 : f32 to vector<16xf32>
        %sub3A_452 = arith.subf %get3A_449, %sub3A_451 : vector<16xf32>
        %div3A_453 = arith.constant 8.000000e-01 : f32
        %div3A_454 = vector.broadcast %div3A_453 : f32 to vector<16xf32>
        %div3A_455 = arith.divf %sub3A_452, %div3A_454 : vector<16xf32>
        %convert_element_type3A_456 = arith.fptosi %div3A_455 : vector<16xf32> to vector<16xi32>
        %get3A_457 = arith.constant 2 : i32
        %get3A_458 = arith.constant 2 : i32
        %get3A_459 = arith.index_cast %get3A_457 : i32 to index
        %get3A_460 = arith.index_cast %get3A_458 : i32 to index
        %get3A_461 = arith.constant 32 : index
        %get3A_462 = tpu.vector_load %arg6[%get3A_459, %get3A_460, %get3A_461] {strides = array<i32>} : memref<3x3x176xf32, #tpu.memory_space<vmem>>, vector<1x1x16xf32>,
        %get3A_463 = vector.shape_cast %get3A_462 : vector<1x1x16xf32> to vector<16xf32>
        %sub3A_464 = arith.constant -5.000000e+00 : f32
        %sub3A_465 = vector.broadcast %sub3A_464 : f32 to vector<16xf32>
        %sub3A_466 = arith.subf %get3A_463, %sub3A_465 : vector<16xf32>
        %div3A_467 = arith.constant 8.000000e+00 : f32
        %div3A_468 = vector.broadcast %div3A_467 : f32 to vector<16xf32>
        %div3A_469 = arith.divf %sub3A_466, %div3A_468 : vector<16xf32>
        %convert_element_type3A_470 = arith.fptosi %div3A_469 : vector<16xf32> to vector<16xi32>
        %ge3A_471 = arith.constant 0 : i32
        %ge3A_472 = vector.broadcast %ge3A_471 : i32 to vector<16xi32>
        %ge3A_473 = arith.cmpi sge, %convert_element_type3A_442, %ge3A_472 : vector<16xi32>
        %lt3A_474 = arith.constant 128 : i32
        %lt3A_475 = vector.broadcast %lt3A_474 : i32 to vector<16xi32>
        %lt3A_476 = arith.cmpi slt, %convert_element_type3A_442, %lt3A_475 : vector<16xi32>
        %and3A_477 = arith.andi %ge3A_473, %lt3A_476 : vector<16xi1>
        %ge3A_478 = arith.constant 0 : i32
        %ge3A_479 = vector.broadcast %ge3A_478 : i32 to vector<16xi32>
        %ge3A_480 = arith.cmpi sge, %convert_element_type3A_456, %ge3A_479 : vector<16xi32>
        %and3A_481 = arith.andi %and3A_477, %ge3A_480 : vector<16xi1>
        %lt3A_482 = arith.constant 128 : i32
        %lt3A_483 = vector.broadcast %lt3A_482 : i32 to vector<16xi32>
        %lt3A_484 = arith.cmpi slt, %convert_element_type3A_456, %lt3A_483 : vector<16xi32>
        %and3A_485 = arith.andi %and3A_481, %lt3A_484 : vector<16xi1>
        %ge3A_486 = arith.constant 0 : i32
        %ge3A_487 = vector.broadcast %ge3A_486 : i32 to vector<16xi32>
        %ge3A_488 = arith.cmpi sge, %convert_element_type3A_470, %ge3A_487 : vector<16xi32>
        %and3A_489 = arith.andi %and3A_485, %ge3A_488 : vector<16xi1>
        %lt3A_490 = arith.constant 1 : i32
        %lt3A_491 = vector.broadcast %lt3A_490 : i32 to vector<16xi32>
        %lt3A_492 = arith.cmpi slt, %convert_element_type3A_470, %lt3A_491 : vector<16xi32>
        %and3A_493 = arith.andi %and3A_489, %lt3A_492 : vector<16xi1>
        %mul3A_494 = arith.constant 128 : i32
        %mul3A_495 = vector.broadcast %mul3A_494 : i32 to vector<16xi32>
        %mul3A_496 = arith.muli %convert_element_type3A_442, %mul3A_495 : vector<16xi32>
        %add3A_497 = arith.addi %mul3A_496, %convert_element_type3A_456 : vector<16xi32>
        %add3A_498 = arith.constant 16384 : i32
        %add3A_499 = arith.addi %add3A_498, %arg1 : i32
        %broadcast_in_dim3A_500 = vector.broadcast %add3A_499 : i32 to vector<16xi32>
        %select_n3A_501 = arith.select %and3A_493, %add3A_497, %broadcast_in_dim3A_500 : vector<16xi1>, vector<16xi32>
        %swap3A_502 = arith.constant 2 : i32
        %swap3A_503 = arith.index_cast %swap3A_502 : i32 to index
        %swap3A_504 = arith.constant 32 : index
        %swap3A_505 = tpu.vector_load %arg8[%swap3A_503, %swap3A_504] {strides = array<i32>} : memref<3x176xi32, #tpu.memory_space<vmem>>, vector<1x16xi32>,
        %swap3A_506 = vector.shape_cast %swap3A_505 : vector<1x16xi32> to vector<16xi32>
        %swap3A_507 = vector.shape_cast %select_n3A_501 : vector<16xi32> to vector<1x16xi32>
        tpu.vector_store %arg8[%swap3A_503, %swap3A_504], %swap3A_507 {strides = array<i32>} : memref<3x176xi32, #tpu.memory_space<vmem>>, vector<1x16xi32>,
        %get3A_508 = arith.constant 2 : i32
        %get3A_509 = arith.constant 0 : i32
        %get3A_510 = arith.index_cast %get3A_508 : i32 to index
        %get3A_511 = arith.index_cast %get3A_509 : i32 to index
        %get3A_512 = arith.constant 48 : index
        %get3A_513 = tpu.vector_load %arg6[%get3A_510, %get3A_511, %get3A_512] {strides = array<i32>} : memref<3x3x176xf32, #tpu.memory_space<vmem>>, vector<1x1x16xf32>,
        %get3A_514 = vector.shape_cast %get3A_513 : vector<1x1x16xf32> to vector<16xf32>
        %sub3A_515 = arith.constant -5.120000e+01 : f32
        %sub3A_516 = vector.broadcast %sub3A_515 : f32 to vector<16xf32>
        %sub3A_517 = arith.subf %get3A_514, %sub3A_516 : vector<16xf32>
        %div3A_518 = arith.constant 8.000000e-01 : f32
        %div3A_519 = vector.broadcast %div3A_518 : f32 to vector<16xf32>
        %div3A_520 = arith.divf %sub3A_517, %div3A_519 : vector<16xf32>
        %convert_element_type3A_521 = arith.fptosi %div3A_520 : vector<16xf32> to vector<16xi32>
        %get3A_522 = arith.constant 2 : i32
        %get3A_523 = arith.constant 1 : i32
        %get3A_524 = arith.index_cast %get3A_522 : i32 to index
        %get3A_525 = arith.index_cast %get3A_523 : i32 to index
        %get3A_526 = arith.constant 48 : index
        %get3A_527 = tpu.vector_load %arg6[%get3A_524, %get3A_525, %get3A_526] {strides = array<i32>} : memref<3x3x176xf32, #tpu.memory_space<vmem>>, vector<1x1x16xf32>,
        %get3A_528 = vector.shape_cast %get3A_527 : vector<1x1x16xf32> to vector<16xf32>
        %sub3A_529 = arith.constant -5.120000e+01 : f32
        %sub3A_530 = vector.broadcast %sub3A_529 : f32 to vector<16xf32>
        %sub3A_531 = arith.subf %get3A_528, %sub3A_530 : vector<16xf32>
        %div3A_532 = arith.constant 8.000000e-01 : f32
        %div3A_533 = vector.broadcast %div3A_532 : f32 to vector<16xf32>
        %div3A_534 = arith.divf %sub3A_531, %div3A_533 : vector<16xf32>
        %convert_element_type3A_535 = arith.fptosi %div3A_534 : vector<16xf32> to vector<16xi32>
        %get3A_536 = arith.constant 2 : i32
        %get3A_537 = arith.constant 2 : i32
        %get3A_538 = arith.index_cast %get3A_536 : i32 to index
        %get3A_539 = arith.index_cast %get3A_537 : i32 to index
        %get3A_540 = arith.constant 48 : index
        %get3A_541 = tpu.vector_load %arg6[%get3A_538, %get3A_539, %get3A_540] {strides = array<i32>} : memref<3x3x176xf32, #tpu.memory_space<vmem>>, vector<1x1x16xf32>,
        %get3A_542 = vector.shape_cast %get3A_541 : vector<1x1x16xf32> to vector<16xf32>
        %sub3A_543 = arith.constant -5.000000e+00 : f32
        %sub3A_544 = vector.broadcast %sub3A_543 : f32 to vector<16xf32>
        %sub3A_545 = arith.subf %get3A_542, %sub3A_544 : vector<16xf32>
        %div3A_546 = arith.constant 8.000000e+00 : f32
        %div3A_547 = vector.broadcast %div3A_546 : f32 to vector<16xf32>
        %div3A_548 = arith.divf %sub3A_545, %div3A_547 : vector<16xf32>
        %convert_element_type3A_549 = arith.fptosi %div3A_548 : vector<16xf32> to vector<16xi32>
        %ge3A_550 = arith.constant 0 : i32
        %ge3A_551 = vector.broadcast %ge3A_550 : i32 to vector<16xi32>
        %ge3A_552 = arith.cmpi sge, %convert_element_type3A_521, %ge3A_551 : vector<16xi32>
        %lt3A_553 = arith.constant 128 : i32
        %lt3A_554 = vector.broadcast %lt3A_553 : i32 to vector<16xi32>
        %lt3A_555 = arith.cmpi slt, %convert_element_type3A_521, %lt3A_554 : vector<16xi32>
        %and3A_556 = arith.andi %ge3A_552, %lt3A_555 : vector<16xi1>
        %ge3A_557 = arith.constant 0 : i32
        %ge3A_558 = vector.broadcast %ge3A_557 : i32 to vector<16xi32>
        %ge3A_559 = arith.cmpi sge, %convert_element_type3A_535, %ge3A_558 : vector<16xi32>
        %and3A_560 = arith.andi %and3A_556, %ge3A_559 : vector<16xi1>
        %lt3A_561 = arith.constant 128 : i32
        %lt3A_562 = vector.broadcast %lt3A_561 : i32 to vector<16xi32>
        %lt3A_563 = arith.cmpi slt, %convert_element_type3A_535, %lt3A_562 : vector<16xi32>
        %and3A_564 = arith.andi %and3A_560, %lt3A_563 : vector<16xi1>
        %ge3A_565 = arith.constant 0 : i32
        %ge3A_566 = vector.broadcast %ge3A_565 : i32 to vector<16xi32>
        %ge3A_567 = arith.cmpi sge, %convert_element_type3A_549, %ge3A_566 : vector<16xi32>
        %and3A_568 = arith.andi %and3A_564, %ge3A_567 : vector<16xi1>
        %lt3A_569 = arith.constant 1 : i32
        %lt3A_570 = vector.broadcast %lt3A_569 : i32 to vector<16xi32>
        %lt3A_571 = arith.cmpi slt, %convert_element_type3A_549, %lt3A_570 : vector<16xi32>
        %and3A_572 = arith.andi %and3A_568, %lt3A_571 : vector<16xi1>
        %mul3A_573 = arith.constant 128 : i32
        %mul3A_574 = vector.broadcast %mul3A_573 : i32 to vector<16xi32>
        %mul3A_575 = arith.muli %convert_element_type3A_521, %mul3A_574 : vector<16xi32>
        %add3A_576 = arith.addi %mul3A_575, %convert_element_type3A_535 : vector<16xi32>
        %add3A_577 = arith.constant 16384 : i32
        %add3A_578 = arith.addi %add3A_577, %arg1 : i32
        %broadcast_in_dim3A_579 = vector.broadcast %add3A_578 : i32 to vector<16xi32>
        %select_n3A_580 = arith.select %and3A_572, %add3A_576, %broadcast_in_dim3A_579 : vector<16xi1>, vector<16xi32>
        %swap3A_581 = arith.constant 2 : i32
        %swap3A_582 = arith.index_cast %swap3A_581 : i32 to index
        %swap3A_583 = arith.constant 48 : index
        %swap3A_584 = tpu.vector_load %arg8[%swap3A_582, %swap3A_583] {strides = array<i32>} : memref<3x176xi32, #tpu.memory_space<vmem>>, vector<1x16xi32>,
        %swap3A_585 = vector.shape_cast %swap3A_584 : vector<1x16xi32> to vector<16xi32>
        %swap3A_586 = vector.shape_cast %select_n3A_580 : vector<16xi32> to vector<1x16xi32>
        tpu.vector_store %arg8[%swap3A_582, %swap3A_583], %swap3A_586 {strides = array<i32>} : memref<3x176xi32, #tpu.memory_space<vmem>>, vector<1x16xi32>,
        %get3A_587 = arith.constant 2 : i32
        %get3A_588 = arith.constant 0 : i32
        %get3A_589 = arith.index_cast %get3A_587 : i32 to index
        %get3A_590 = arith.index_cast %get3A_588 : i32 to index
        %get3A_591 = arith.constant 64 : index
        %get3A_592 = tpu.vector_load %arg6[%get3A_589, %get3A_590, %get3A_591] {strides = array<i32>} : memref<3x3x176xf32, #tpu.memory_space<vmem>>, vector<1x1x16xf32>,
        %get3A_593 = vector.shape_cast %get3A_592 : vector<1x1x16xf32> to vector<16xf32>
        %sub3A_594 = arith.constant -5.120000e+01 : f32
        %sub3A_595 = vector.broadcast %sub3A_594 : f32 to vector<16xf32>
        %sub3A_596 = arith.subf %get3A_593, %sub3A_595 : vector<16xf32>
        %div3A_597 = arith.constant 8.000000e-01 : f32
        %div3A_598 = vector.broadcast %div3A_597 : f32 to vector<16xf32>
        %div3A_599 = arith.divf %sub3A_596, %div3A_598 : vector<16xf32>
        %convert_element_type3A_600 = arith.fptosi %div3A_599 : vector<16xf32> to vector<16xi32>
        %get3A_601 = arith.constant 2 : i32
        %get3A_602 = arith.constant 1 : i32
        %get3A_603 = arith.index_cast %get3A_601 : i32 to index
        %get3A_604 = arith.index_cast %get3A_602 : i32 to index
        %get3A_605 = arith.constant 64 : index
        %get3A_606 = tpu.vector_load %arg6[%get3A_603, %get3A_604, %get3A_605] {strides = array<i32>} : memref<3x3x176xf32, #tpu.memory_space<vmem>>, vector<1x1x16xf32>,
        %get3A_607 = vector.shape_cast %get3A_606 : vector<1x1x16xf32> to vector<16xf32>
        %sub3A_608 = arith.constant -5.120000e+01 : f32
        %sub3A_609 = vector.broadcast %sub3A_608 : f32 to vector<16xf32>
        %sub3A_610 = arith.subf %get3A_607, %sub3A_609 : vector<16xf32>
        %div3A_611 = arith.constant 8.000000e-01 : f32
        %div3A_612 = vector.broadcast %div3A_611 : f32 to vector<16xf32>
        %div3A_613 = arith.divf %sub3A_610, %div3A_612 : vector<16xf32>
        %convert_element_type3A_614 = arith.fptosi %div3A_613 : vector<16xf32> to vector<16xi32>
        %get3A_615 = arith.constant 2 : i32
        %get3A_616 = arith.constant 2 : i32
        %get3A_617 = arith.index_cast %get3A_615 : i32 to index
        %get3A_618 = arith.index_cast %get3A_616 : i32 to index
        %get3A_619 = arith.constant 64 : index
        %get3A_620 = tpu.vector_load %arg6[%get3A_617, %get3A_618, %get3A_619] {strides = array<i32>} : memref<3x3x176xf32, #tpu.memory_space<vmem>>, vector<1x1x16xf32>,
        %get3A_621 = vector.shape_cast %get3A_620 : vector<1x1x16xf32> to vector<16xf32>
        %sub3A_622 = arith.constant -5.000000e+00 : f32
        %sub3A_623 = vector.broadcast %sub3A_622 : f32 to vector<16xf32>
        %sub3A_624 = arith.subf %get3A_621, %sub3A_623 : vector<16xf32>
        %div3A_625 = arith.constant 8.000000e+00 : f32
        %div3A_626 = vector.broadcast %div3A_625 : f32 to vector<16xf32>
        %div3A_627 = arith.divf %sub3A_624, %div3A_626 : vector<16xf32>
        %convert_element_type3A_628 = arith.fptosi %div3A_627 : vector<16xf32> to vector<16xi32>
        %ge3A_629 = arith.constant 0 : i32
        %ge3A_630 = vector.broadcast %ge3A_629 : i32 to vector<16xi32>
        %ge3A_631 = arith.cmpi sge, %convert_element_type3A_600, %ge3A_630 : vector<16xi32>
        %lt3A_632 = arith.constant 128 : i32
        %lt3A_633 = vector.broadcast %lt3A_632 : i32 to vector<16xi32>
        %lt3A_634 = arith.cmpi slt, %convert_element_type3A_600, %lt3A_633 : vector<16xi32>
        %and3A_635 = arith.andi %ge3A_631, %lt3A_634 : vector<16xi1>
        %ge3A_636 = arith.constant 0 : i32
        %ge3A_637 = vector.broadcast %ge3A_636 : i32 to vector<16xi32>
        %ge3A_638 = arith.cmpi sge, %convert_element_type3A_614, %ge3A_637 : vector<16xi32>
        %and3A_639 = arith.andi %and3A_635, %ge3A_638 : vector<16xi1>
        %lt3A_640 = arith.constant 128 : i32
        %lt3A_641 = vector.broadcast %lt3A_640 : i32 to vector<16xi32>
        %lt3A_642 = arith.cmpi slt, %convert_element_type3A_614, %lt3A_641 : vector<16xi32>
        %and3A_643 = arith.andi %and3A_639, %lt3A_642 : vector<16xi1>
        %ge3A_644 = arith.constant 0 : i32
        %ge3A_645 = vector.broadcast %ge3A_644 : i32 to vector<16xi32>
        %ge3A_646 = arith.cmpi sge, %convert_element_type3A_628, %ge3A_645 : vector<16xi32>
        %and3A_647 = arith.andi %and3A_643, %ge3A_646 : vector<16xi1>
        %lt3A_648 = arith.constant 1 : i32
        %lt3A_649 = vector.broadcast %lt3A_648 : i32 to vector<16xi32>
        %lt3A_650 = arith.cmpi slt, %convert_element_type3A_628, %lt3A_649 : vector<16xi32>
        %and3A_651 = arith.andi %and3A_647, %lt3A_650 : vector<16xi1>
        %mul3A_652 = arith.constant 128 : i32
        %mul3A_653 = vector.broadcast %mul3A_652 : i32 to vector<16xi32>
        %mul3A_654 = arith.muli %convert_element_type3A_600, %mul3A_653 : vector<16xi32>
        %add3A_655 = arith.addi %mul3A_654, %convert_element_type3A_614 : vector<16xi32>
        %add3A_656 = arith.constant 16384 : i32
        %add3A_657 = arith.addi %add3A_656, %arg1 : i32
        %broadcast_in_dim3A_658 = vector.broadcast %add3A_657 : i32 to vector<16xi32>
        %select_n3A_659 = arith.select %and3A_651, %add3A_655, %broadcast_in_dim3A_658 : vector<16xi1>, vector<16xi32>
        %swap3A_660 = arith.constant 2 : i32
        %swap3A_661 = arith.index_cast %swap3A_660 : i32 to index
        %swap3A_662 = arith.constant 64 : index
        %swap3A_663 = tpu.vector_load %arg8[%swap3A_661, %swap3A_662] {strides = array<i32>} : memref<3x176xi32, #tpu.memory_space<vmem>>, vector<1x16xi32>,
        %swap3A_664 = vector.shape_cast %swap3A_663 : vector<1x16xi32> to vector<16xi32>
        %swap3A_665 = vector.shape_cast %select_n3A_659 : vector<16xi32> to vector<1x16xi32>
        tpu.vector_store %arg8[%swap3A_661, %swap3A_662], %swap3A_665 {strides = array<i32>} : memref<3x176xi32, #tpu.memory_space<vmem>>, vector<1x16xi32>,
        %get3A_666 = arith.constant 2 : i32
        %get3A_667 = arith.constant 0 : i32
        %get3A_668 = arith.index_cast %get3A_666 : i32 to index
        %get3A_669 = arith.index_cast %get3A_667 : i32 to index
        %get3A_670 = arith.constant 80 : index
        %get3A_671 = tpu.vector_load %arg6[%get3A_668, %get3A_669, %get3A_670] {strides = array<i32>} : memref<3x3x176xf32, #tpu.memory_space<vmem>>, vector<1x1x16xf32>,
        %get3A_672 = vector.shape_cast %get3A_671 : vector<1x1x16xf32> to vector<16xf32>
        %sub3A_673 = arith.constant -5.120000e+01 : f32
        %sub3A_674 = vector.broadcast %sub3A_673 : f32 to vector<16xf32>
        %sub3A_675 = arith.subf %get3A_672, %sub3A_674 : vector<16xf32>
        %div3A_676 = arith.constant 8.000000e-01 : f32
        %div3A_677 = vector.broadcast %div3A_676 : f32 to vector<16xf32>
        %div3A_678 = arith.divf %sub3A_675, %div3A_677 : vector<16xf32>
        %convert_element_type3A_679 = arith.fptosi %div3A_678 : vector<16xf32> to vector<16xi32>
        %get3A_680 = arith.constant 2 : i32
        %get3A_681 = arith.constant 1 : i32
        %get3A_682 = arith.index_cast %get3A_680 : i32 to index
        %get3A_683 = arith.index_cast %get3A_681 : i32 to index
        %get3A_684 = arith.constant 80 : index
        %get3A_685 = tpu.vector_load %arg6[%get3A_682, %get3A_683, %get3A_684] {strides = array<i32>} : memref<3x3x176xf32, #tpu.memory_space<vmem>>, vector<1x1x16xf32>,
        %get3A_686 = vector.shape_cast %get3A_685 : vector<1x1x16xf32> to vector<16xf32>
        %sub3A_687 = arith.constant -5.120000e+01 : f32
        %sub3A_688 = vector.broadcast %sub3A_687 : f32 to vector<16xf32>
        %sub3A_689 = arith.subf %get3A_686, %sub3A_688 : vector<16xf32>
        %div3A_690 = arith.constant 8.000000e-01 : f32
        %div3A_691 = vector.broadcast %div3A_690 : f32 to vector<16xf32>
        %div3A_692 = arith.divf %sub3A_689, %div3A_691 : vector<16xf32>
        %convert_element_type3A_693 = arith.fptosi %div3A_692 : vector<16xf32> to vector<16xi32>
        %get3A_694 = arith.constant 2 : i32
        %get3A_695 = arith.constant 2 : i32
        %get3A_696 = arith.index_cast %get3A_694 : i32 to index
        %get3A_697 = arith.index_cast %get3A_695 : i32 to index
        %get3A_698 = arith.constant 80 : index
        %get3A_699 = tpu.vector_load %arg6[%get3A_696, %get3A_697, %get3A_698] {strides = array<i32>} : memref<3x3x176xf32, #tpu.memory_space<vmem>>, vector<1x1x16xf32>,
        %get3A_700 = vector.shape_cast %get3A_699 : vector<1x1x16xf32> to vector<16xf32>
        %sub3A_701 = arith.constant -5.000000e+00 : f32
        %sub3A_702 = vector.broadcast %sub3A_701 : f32 to vector<16xf32>
        %sub3A_703 = arith.subf %get3A_700, %sub3A_702 : vector<16xf32>
        %div3A_704 = arith.constant 8.000000e+00 : f32
        %div3A_705 = vector.broadcast %div3A_704 : f32 to vector<16xf32>
        %div3A_706 = arith.divf %sub3A_703, %div3A_705 : vector<16xf32>
        %convert_element_type3A_707 = arith.fptosi %div3A_706 : vector<16xf32> to vector<16xi32>
        %ge3A_708 = arith.constant 0 : i32
        %ge3A_709 = vector.broadcast %ge3A_708 : i32 to vector<16xi32>
        %ge3A_710 = arith.cmpi sge, %convert_element_type3A_679, %ge3A_709 : vector<16xi32>
        %lt3A_711 = arith.constant 128 : i32
        %lt3A_712 = vector.broadcast %lt3A_711 : i32 to vector<16xi32>
        %lt3A_713 = arith.cmpi slt, %convert_element_type3A_679, %lt3A_712 : vector<16xi32>
        %and3A_714 = arith.andi %ge3A_710, %lt3A_713 : vector<16xi1>
        %ge3A_715 = arith.constant 0 : i32
        %ge3A_716 = vector.broadcast %ge3A_715 : i32 to vector<16xi32>
        %ge3A_717 = arith.cmpi sge, %convert_element_type3A_693, %ge3A_716 : vector<16xi32>
        %and3A_718 = arith.andi %and3A_714, %ge3A_717 : vector<16xi1>
        %lt3A_719 = arith.constant 128 : i32
        %lt3A_720 = vector.broadcast %lt3A_719 : i32 to vector<16xi32>
        %lt3A_721 = arith.cmpi slt, %convert_element_type3A_693, %lt3A_720 : vector<16xi32>
        %and3A_722 = arith.andi %and3A_718, %lt3A_721 : vector<16xi1>
        %ge3A_723 = arith.constant 0 : i32
        %ge3A_724 = vector.broadcast %ge3A_723 : i32 to vector<16xi32>
        %ge3A_725 = arith.cmpi sge, %convert_element_type3A_707, %ge3A_724 : vector<16xi32>
        %and3A_726 = arith.andi %and3A_722, %ge3A_725 : vector<16xi1>
        %lt3A_727 = arith.constant 1 : i32
        %lt3A_728 = vector.broadcast %lt3A_727 : i32 to vector<16xi32>
        %lt3A_729 = arith.cmpi slt, %convert_element_type3A_707, %lt3A_728 : vector<16xi32>
        %and3A_730 = arith.andi %and3A_726, %lt3A_729 : vector<16xi1>
        %mul3A_731 = arith.constant 128 : i32
        %mul3A_732 = vector.broadcast %mul3A_731 : i32 to vector<16xi32>
        %mul3A_733 = arith.muli %convert_element_type3A_679, %mul3A_732 : vector<16xi32>
        %add3A_734 = arith.addi %mul3A_733, %convert_element_type3A_693 : vector<16xi32>
        %add3A_735 = arith.constant 16384 : i32
        %add3A_736 = arith.addi %add3A_735, %arg1 : i32
        %broadcast_in_dim3A_737 = vector.broadcast %add3A_736 : i32 to vector<16xi32>
        %select_n3A_738 = arith.select %and3A_730, %add3A_734, %broadcast_in_dim3A_737 : vector<16xi1>, vector<16xi32>
        %swap3A_739 = arith.constant 2 : i32
        %swap3A_740 = arith.index_cast %swap3A_739 : i32 to index
        %swap3A_741 = arith.constant 80 : index
        %swap3A_742 = tpu.vector_load %arg8[%swap3A_740, %swap3A_741] {strides = array<i32>} : memref<3x176xi32, #tpu.memory_space<vmem>>, vector<1x16xi32>,
        %swap3A_743 = vector.shape_cast %swap3A_742 : vector<1x16xi32> to vector<16xi32>
        %swap3A_744 = vector.shape_cast %select_n3A_738 : vector<16xi32> to vector<1x16xi32>
        tpu.vector_store %arg8[%swap3A_740, %swap3A_741], %swap3A_744 {strides = array<i32>} : memref<3x176xi32, #tpu.memory_space<vmem>>, vector<1x16xi32>,
        %get3A_745 = arith.constant 2 : i32
        %get3A_746 = arith.constant 0 : i32
        %get3A_747 = arith.index_cast %get3A_745 : i32 to index
        %get3A_748 = arith.index_cast %get3A_746 : i32 to index
        %get3A_749 = arith.constant 96 : index
        %get3A_750 = tpu.vector_load %arg6[%get3A_747, %get3A_748, %get3A_749] {strides = array<i32>} : memref<3x3x176xf32, #tpu.memory_space<vmem>>, vector<1x1x16xf32>,
        %get3A_751 = vector.shape_cast %get3A_750 : vector<1x1x16xf32> to vector<16xf32>
        %sub3A_752 = arith.constant -5.120000e+01 : f32
        %sub3A_753 = vector.broadcast %sub3A_752 : f32 to vector<16xf32>
        %sub3A_754 = arith.subf %get3A_751, %sub3A_753 : vector<16xf32>
        %div3A_755 = arith.constant 8.000000e-01 : f32
        %div3A_756 = vector.broadcast %div3A_755 : f32 to vector<16xf32>
        %div3A_757 = arith.divf %sub3A_754, %div3A_756 : vector<16xf32>
        %convert_element_type3A_758 = arith.fptosi %div3A_757 : vector<16xf32> to vector<16xi32>
        %get3A_759 = arith.constant 2 : i32
        %get3A_760 = arith.constant 1 : i32
        %get3A_761 = arith.index_cast %get3A_759 : i32 to index
        %get3A_762 = arith.index_cast %get3A_760 : i32 to index
        %get3A_763 = arith.constant 96 : index
        %get3A_764 = tpu.vector_load %arg6[%get3A_761, %get3A_762, %get3A_763] {strides = array<i32>} : memref<3x3x176xf32, #tpu.memory_space<vmem>>, vector<1x1x16xf32>,
        %get3A_765 = vector.shape_cast %get3A_764 : vector<1x1x16xf32> to vector<16xf32>
        %sub3A_766 = arith.constant -5.120000e+01 : f32
        %sub3A_767 = vector.broadcast %sub3A_766 : f32 to vector<16xf32>
        %sub3A_768 = arith.subf %get3A_765, %sub3A_767 : vector<16xf32>
        %div3A_769 = arith.constant 8.000000e-01 : f32
        %div3A_770 = vector.broadcast %div3A_769 : f32 to vector<16xf32>
        %div3A_771 = arith.divf %sub3A_768, %div3A_770 : vector<16xf32>
        %convert_element_type3A_772 = arith.fptosi %div3A_771 : vector<16xf32> to vector<16xi32>
        %get3A_773 = arith.constant 2 : i32
        %get3A_774 = arith.constant 2 : i32
        %get3A_775 = arith.index_cast %get3A_773 : i32 to index
        %get3A_776 = arith.index_cast %get3A_774 : i32 to index
        %get3A_777 = arith.constant 96 : index
        %get3A_778 = tpu.vector_load %arg6[%get3A_775, %get3A_776, %get3A_777] {strides = array<i32>} : memref<3x3x176xf32, #tpu.memory_space<vmem>>, vector<1x1x16xf32>,
        %get3A_779 = vector.shape_cast %get3A_778 : vector<1x1x16xf32> to vector<16xf32>
        %sub3A_780 = arith.constant -5.000000e+00 : f32
        %sub3A_781 = vector.broadcast %sub3A_780 : f32 to vector<16xf32>
        %sub3A_782 = arith.subf %get3A_779, %sub3A_781 : vector<16xf32>
        %div3A_783 = arith.constant 8.000000e+00 : f32
        %div3A_784 = vector.broadcast %div3A_783 : f32 to vector<16xf32>
        %div3A_785 = arith.divf %sub3A_782, %div3A_784 : vector<16xf32>
        %convert_element_type3A_786 = arith.fptosi %div3A_785 : vector<16xf32> to vector<16xi32>
        %ge3A_787 = arith.constant 0 : i32
        %ge3A_788 = vector.broadcast %ge3A_787 : i32 to vector<16xi32>
        %ge3A_789 = arith.cmpi sge, %convert_element_type3A_758, %ge3A_788 : vector<16xi32>
        %lt3A_790 = arith.constant 128 : i32
        %lt3A_791 = vector.broadcast %lt3A_790 : i32 to vector<16xi32>
        %lt3A_792 = arith.cmpi slt, %convert_element_type3A_758, %lt3A_791 : vector<16xi32>
        %and3A_793 = arith.andi %ge3A_789, %lt3A_792 : vector<16xi1>
        %ge3A_794 = arith.constant 0 : i32
        %ge3A_795 = vector.broadcast %ge3A_794 : i32 to vector<16xi32>
        %ge3A_796 = arith.cmpi sge, %convert_element_type3A_772, %ge3A_795 : vector<16xi32>
        %and3A_797 = arith.andi %and3A_793, %ge3A_796 : vector<16xi1>
        %lt3A_798 = arith.constant 128 : i32
        %lt3A_799 = vector.broadcast %lt3A_798 : i32 to vector<16xi32>
        %lt3A_800 = arith.cmpi slt, %convert_element_type3A_772, %lt3A_799 : vector<16xi32>
        %and3A_801 = arith.andi %and3A_797, %lt3A_800 : vector<16xi1>
        %ge3A_802 = arith.constant 0 : i32
        %ge3A_803 = vector.broadcast %ge3A_802 : i32 to vector<16xi32>
        %ge3A_804 = arith.cmpi sge, %convert_element_type3A_786, %ge3A_803 : vector<16xi32>
        %and3A_805 = arith.andi %and3A_801, %ge3A_804 : vector<16xi1>
        %lt3A_806 = arith.constant 1 : i32
        %lt3A_807 = vector.broadcast %lt3A_806 : i32 to vector<16xi32>
        %lt3A_808 = arith.cmpi slt, %convert_element_type3A_786, %lt3A_807 : vector<16xi32>
        %and3A_809 = arith.andi %and3A_805, %lt3A_808 : vector<16xi1>
        %mul3A_810 = arith.constant 128 : i32
        %mul3A_811 = vector.broadcast %mul3A_810 : i32 to vector<16xi32>
        %mul3A_812 = arith.muli %convert_element_type3A_758, %mul3A_811 : vector<16xi32>
        %add3A_813 = arith.addi %mul3A_812, %convert_element_type3A_772 : vector<16xi32>
        %add3A_814 = arith.constant 16384 : i32
        %add3A_815 = arith.addi %add3A_814, %arg1 : i32
        %broadcast_in_dim3A_816 = vector.broadcast %add3A_815 : i32 to vector<16xi32>
        %select_n3A_817 = arith.select %and3A_809, %add3A_813, %broadcast_in_dim3A_816 : vector<16xi1>, vector<16xi32>
        %swap3A_818 = arith.constant 2 : i32
        %swap3A_819 = arith.index_cast %swap3A_818 : i32 to index
        %swap3A_820 = arith.constant 96 : index
        %swap3A_821 = tpu.vector_load %arg8[%swap3A_819, %swap3A_820] {strides = array<i32>} : memref<3x176xi32, #tpu.memory_space<vmem>>, vector<1x16xi32>,
        %swap3A_822 = vector.shape_cast %swap3A_821 : vector<1x16xi32> to vector<16xi32>
        %swap3A_823 = vector.shape_cast %select_n3A_817 : vector<16xi32> to vector<1x16xi32>
        tpu.vector_store %arg8[%swap3A_819, %swap3A_820], %swap3A_823 {strides = array<i32>} : memref<3x176xi32, #tpu.memory_space<vmem>>, vector<1x16xi32>,
        %get3A_824 = arith.constant 2 : i32
        %get3A_825 = arith.constant 0 : i32
        %get3A_826 = arith.index_cast %get3A_824 : i32 to index
        %get3A_827 = arith.index_cast %get3A_825 : i32 to index
        %get3A_828 = arith.constant 112 : index
        %get3A_829 = tpu.vector_load %arg6[%get3A_826, %get3A_827, %get3A_828] {strides = array<i32>} : memref<3x3x176xf32, #tpu.memory_space<vmem>>, vector<1x1x16xf32>,
        %get3A_830 = vector.shape_cast %get3A_829 : vector<1x1x16xf32> to vector<16xf32>
        %sub3A_831 = arith.constant -5.120000e+01 : f32
        %sub3A_832 = vector.broadcast %sub3A_831 : f32 to vector<16xf32>
        %sub3A_833 = arith.subf %get3A_830, %sub3A_832 : vector<16xf32>
        %div3A_834 = arith.constant 8.000000e-01 : f32
        %div3A_835 = vector.broadcast %div3A_834 : f32 to vector<16xf32>
        %div3A_836 = arith.divf %sub3A_833, %div3A_835 : vector<16xf32>
        %convert_element_type3A_837 = arith.fptosi %div3A_836 : vector<16xf32> to vector<16xi32>
        %get3A_838 = arith.constant 2 : i32
        %get3A_839 = arith.constant 1 : i32
        %get3A_840 = arith.index_cast %get3A_838 : i32 to index
        %get3A_841 = arith.index_cast %get3A_839 : i32 to index
        %get3A_842 = arith.constant 112 : index
        %get3A_843 = tpu.vector_load %arg6[%get3A_840, %get3A_841, %get3A_842] {strides = array<i32>} : memref<3x3x176xf32, #tpu.memory_space<vmem>>, vector<1x1x16xf32>,
        %get3A_844 = vector.shape_cast %get3A_843 : vector<1x1x16xf32> to vector<16xf32>
        %sub3A_845 = arith.constant -5.120000e+01 : f32
        %sub3A_846 = vector.broadcast %sub3A_845 : f32 to vector<16xf32>
        %sub3A_847 = arith.subf %get3A_844, %sub3A_846 : vector<16xf32>
        %div3A_848 = arith.constant 8.000000e-01 : f32
        %div3A_849 = vector.broadcast %div3A_848 : f32 to vector<16xf32>
        %div3A_850 = arith.divf %sub3A_847, %div3A_849 : vector<16xf32>
        %convert_element_type3A_851 = arith.fptosi %div3A_850 : vector<16xf32> to vector<16xi32>
        %get3A_852 = arith.constant 2 : i32
        %get3A_853 = arith.constant 2 : i32
        %get3A_854 = arith.index_cast %get3A_852 : i32 to index
        %get3A_855 = arith.index_cast %get3A_853 : i32 to index
        %get3A_856 = arith.constant 112 : index
        %get3A_857 = tpu.vector_load %arg6[%get3A_854, %get3A_855, %get3A_856] {strides = array<i32>} : memref<3x3x176xf32, #tpu.memory_space<vmem>>, vector<1x1x16xf32>,
        %get3A_858 = vector.shape_cast %get3A_857 : vector<1x1x16xf32> to vector<16xf32>
        %sub3A_859 = arith.constant -5.000000e+00 : f32
        %sub3A_860 = vector.broadcast %sub3A_859 : f32 to vector<16xf32>
        %sub3A_861 = arith.subf %get3A_858, %sub3A_860 : vector<16xf32>
        %div3A_862 = arith.constant 8.000000e+00 : f32
        %div3A_863 = vector.broadcast %div3A_862 : f32 to vector<16xf32>
        %div3A_864 = arith.divf %sub3A_861, %div3A_863 : vector<16xf32>
        %convert_element_type3A_865 = arith.fptosi %div3A_864 : vector<16xf32> to vector<16xi32>
        %ge3A_866 = arith.constant 0 : i32
        %ge3A_867 = vector.broadcast %ge3A_866 : i32 to vector<16xi32>
        %ge3A_868 = arith.cmpi sge, %convert_element_type3A_837, %ge3A_867 : vector<16xi32>
        %lt3A_869 = arith.constant 128 : i32
        %lt3A_870 = vector.broadcast %lt3A_869 : i32 to vector<16xi32>
        %lt3A_871 = arith.cmpi slt, %convert_element_type3A_837, %lt3A_870 : vector<16xi32>
        %and3A_872 = arith.andi %ge3A_868, %lt3A_871 : vector<16xi1>
        %ge3A_873 = arith.constant 0 : i32
        %ge3A_874 = vector.broadcast %ge3A_873 : i32 to vector<16xi32>
        %ge3A_875 = arith.cmpi sge, %convert_element_type3A_851, %ge3A_874 : vector<16xi32>
        %and3A_876 = arith.andi %and3A_872, %ge3A_875 : vector<16xi1>
        %lt3A_877 = arith.constant 128 : i32
        %lt3A_878 = vector.broadcast %lt3A_877 : i32 to vector<16xi32>
        %lt3A_879 = arith.cmpi slt, %convert_element_type3A_851, %lt3A_878 : vector<16xi32>
        %and3A_880 = arith.andi %and3A_876, %lt3A_879 : vector<16xi1>
        %ge3A_881 = arith.constant 0 : i32
        %ge3A_882 = vector.broadcast %ge3A_881 : i32 to vector<16xi32>
        %ge3A_883 = arith.cmpi sge, %convert_element_type3A_865, %ge3A_882 : vector<16xi32>
        %and3A_884 = arith.andi %and3A_880, %ge3A_883 : vector<16xi1>
        %lt3A_885 = arith.constant 1 : i32
        %lt3A_886 = vector.broadcast %lt3A_885 : i32 to vector<16xi32>
        %lt3A_887 = arith.cmpi slt, %convert_element_type3A_865, %lt3A_886 : vector<16xi32>
        %and3A_888 = arith.andi %and3A_884, %lt3A_887 : vector<16xi1>
        %mul3A_889 = arith.constant 128 : i32
        %mul3A_890 = vector.broadcast %mul3A_889 : i32 to vector<16xi32>
        %mul3A_891 = arith.muli %convert_element_type3A_837, %mul3A_890 : vector<16xi32>
        %add3A_892 = arith.addi %mul3A_891, %convert_element_type3A_851 : vector<16xi32>
        %add3A_893 = arith.constant 16384 : i32
        %add3A_894 = arith.addi %add3A_893, %arg1 : i32
        %broadcast_in_dim3A_895 = vector.broadcast %add3A_894 : i32 to vector<16xi32>
        %select_n3A_896 = arith.select %and3A_888, %add3A_892, %broadcast_in_dim3A_895 : vector<16xi1>, vector<16xi32>
        %swap3A_897 = arith.constant 2 : i32
        %swap3A_898 = arith.index_cast %swap3A_897 : i32 to index
        %swap3A_899 = arith.constant 112 : index
        %swap3A_900 = tpu.vector_load %arg8[%swap3A_898, %swap3A_899] {strides = array<i32>} : memref<3x176xi32, #tpu.memory_space<vmem>>, vector<1x16xi32>,
        %swap3A_901 = vector.shape_cast %swap3A_900 : vector<1x16xi32> to vector<16xi32>
        %swap3A_902 = vector.shape_cast %select_n3A_896 : vector<16xi32> to vector<1x16xi32>
        tpu.vector_store %arg8[%swap3A_898, %swap3A_899], %swap3A_902 {strides = array<i32>} : memref<3x176xi32, #tpu.memory_space<vmem>>, vector<1x16xi32>,
        %get3A_903 = arith.constant 2 : i32
        %get3A_904 = arith.constant 0 : i32
        %get3A_905 = arith.index_cast %get3A_903 : i32 to index
        %get3A_906 = arith.index_cast %get3A_904 : i32 to index
        %get3A_907 = arith.constant 128 : index
        %get3A_908 = tpu.vector_load %arg6[%get3A_905, %get3A_906, %get3A_907] {strides = array<i32>} : memref<3x3x176xf32, #tpu.memory_space<vmem>>, vector<1x1x16xf32>,
        %get3A_909 = vector.shape_cast %get3A_908 : vector<1x1x16xf32> to vector<16xf32>
        %sub3A_910 = arith.constant -5.120000e+01 : f32
        %sub3A_911 = vector.broadcast %sub3A_910 : f32 to vector<16xf32>
        %sub3A_912 = arith.subf %get3A_909, %sub3A_911 : vector<16xf32>
        %div3A_913 = arith.constant 8.000000e-01 : f32
        %div3A_914 = vector.broadcast %div3A_913 : f32 to vector<16xf32>
        %div3A_915 = arith.divf %sub3A_912, %div3A_914 : vector<16xf32>
        %convert_element_type3A_916 = arith.fptosi %div3A_915 : vector<16xf32> to vector<16xi32>
        %get3A_917 = arith.constant 2 : i32
        %get3A_918 = arith.constant 1 : i32
        %get3A_919 = arith.index_cast %get3A_917 : i32 to index
        %get3A_920 = arith.index_cast %get3A_918 : i32 to index
        %get3A_921 = arith.constant 128 : index
        %get3A_922 = tpu.vector_load %arg6[%get3A_919, %get3A_920, %get3A_921] {strides = array<i32>} : memref<3x3x176xf32, #tpu.memory_space<vmem>>, vector<1x1x16xf32>,
        %get3A_923 = vector.shape_cast %get3A_922 : vector<1x1x16xf32> to vector<16xf32>
        %sub3A_924 = arith.constant -5.120000e+01 : f32
        %sub3A_925 = vector.broadcast %sub3A_924 : f32 to vector<16xf32>
        %sub3A_926 = arith.subf %get3A_923, %sub3A_925 : vector<16xf32>
        %div3A_927 = arith.constant 8.000000e-01 : f32
        %div3A_928 = vector.broadcast %div3A_927 : f32 to vector<16xf32>
        %div3A_929 = arith.divf %sub3A_926, %div3A_928 : vector<16xf32>
        %convert_element_type3A_930 = arith.fptosi %div3A_929 : vector<16xf32> to vector<16xi32>
        %get3A_931 = arith.constant 2 : i32
        %get3A_932 = arith.constant 2 : i32
        %get3A_933 = arith.index_cast %get3A_931 : i32 to index
        %get3A_934 = arith.index_cast %get3A_932 : i32 to index
        %get3A_935 = arith.constant 128 : index
        %get3A_936 = tpu.vector_load %arg6[%get3A_933, %get3A_934, %get3A_935] {strides = array<i32>} : memref<3x3x176xf32, #tpu.memory_space<vmem>>, vector<1x1x16xf32>,
        %get3A_937 = vector.shape_cast %get3A_936 : vector<1x1x16xf32> to vector<16xf32>
        %sub3A_938 = arith.constant -5.000000e+00 : f32
        %sub3A_939 = vector.broadcast %sub3A_938 : f32 to vector<16xf32>
        %sub3A_940 = arith.subf %get3A_937, %sub3A_939 : vector<16xf32>
        %div3A_941 = arith.constant 8.000000e+00 : f32
        %div3A_942 = vector.broadcast %div3A_941 : f32 to vector<16xf32>
        %div3A_943 = arith.divf %sub3A_940, %div3A_942 : vector<16xf32>
        %convert_element_type3A_944 = arith.fptosi %div3A_943 : vector<16xf32> to vector<16xi32>
        %ge3A_945 = arith.constant 0 : i32
        %ge3A_946 = vector.broadcast %ge3A_945 : i32 to vector<16xi32>
        %ge3A_947 = arith.cmpi sge, %convert_element_type3A_916, %ge3A_946 : vector<16xi32>
        %lt3A_948 = arith.constant 128 : i32
        %lt3A_949 = vector.broadcast %lt3A_948 : i32 to vector<16xi32>
        %lt3A_950 = arith.cmpi slt, %convert_element_type3A_916, %lt3A_949 : vector<16xi32>
        %and3A_951 = arith.andi %ge3A_947, %lt3A_950 : vector<16xi1>
        %ge3A_952 = arith.constant 0 : i32
        %ge3A_953 = vector.broadcast %ge3A_952 : i32 to vector<16xi32>
        %ge3A_954 = arith.cmpi sge, %convert_element_type3A_930, %ge3A_953 : vector<16xi32>
        %and3A_955 = arith.andi %and3A_951, %ge3A_954 : vector<16xi1>
        %lt3A_956 = arith.constant 128 : i32
        %lt3A_957 = vector.broadcast %lt3A_956 : i32 to vector<16xi32>
        %lt3A_958 = arith.cmpi slt, %convert_element_type3A_930, %lt3A_957 : vector<16xi32>
        %and3A_959 = arith.andi %and3A_955, %lt3A_958 : vector<16xi1>
        %ge3A_960 = arith.constant 0 : i32
        %ge3A_961 = vector.broadcast %ge3A_960 : i32 to vector<16xi32>
        %ge3A_962 = arith.cmpi sge, %convert_element_type3A_944, %ge3A_961 : vector<16xi32>
        %and3A_963 = arith.andi %and3A_959, %ge3A_962 : vector<16xi1>
        %lt3A_964 = arith.constant 1 : i32
        %lt3A_965 = vector.broadcast %lt3A_964 : i32 to vector<16xi32>
        %lt3A_966 = arith.cmpi slt, %convert_element_type3A_944, %lt3A_965 : vector<16xi32>
        %and3A_967 = arith.andi %and3A_963, %lt3A_966 : vector<16xi1>
        %mul3A_968 = arith.constant 128 : i32
        %mul3A_969 = vector.broadcast %mul3A_968 : i32 to vector<16xi32>
        %mul3A_970 = arith.muli %convert_element_type3A_916, %mul3A_969 : vector<16xi32>
        %add3A_971 = arith.addi %mul3A_970, %convert_element_type3A_930 : vector<16xi32>
        %add3A_972 = arith.constant 16384 : i32
        %add3A_973 = arith.addi %add3A_972, %arg1 : i32
        %broadcast_in_dim3A_974 = vector.broadcast %add3A_973 : i32 to vector<16xi32>
        %select_n3A_975 = arith.select %and3A_967, %add3A_971, %broadcast_in_dim3A_974 : vector<16xi1>, vector<16xi32>
        %swap3A_976 = arith.constant 2 : i32
        %swap3A_977 = arith.index_cast %swap3A_976 : i32 to index
        %swap3A_978 = arith.constant 128 : index
        %swap3A_979 = tpu.vector_load %arg8[%swap3A_977, %swap3A_978] {strides = array<i32>} : memref<3x176xi32, #tpu.memory_space<vmem>>, vector<1x16xi32>,
        %swap3A_980 = vector.shape_cast %swap3A_979 : vector<1x16xi32> to vector<16xi32>
        %swap3A_981 = vector.shape_cast %select_n3A_975 : vector<16xi32> to vector<1x16xi32>
        tpu.vector_store %arg8[%swap3A_977, %swap3A_978], %swap3A_981 {strides = array<i32>} : memref<3x176xi32, #tpu.memory_space<vmem>>, vector<1x16xi32>,
        %get3A_982 = arith.constant 2 : i32
        %get3A_983 = arith.constant 0 : i32
        %get3A_984 = arith.index_cast %get3A_982 : i32 to index
        %get3A_985 = arith.index_cast %get3A_983 : i32 to index
        %get3A_986 = arith.constant 144 : index
        %get3A_987 = tpu.vector_load %arg6[%get3A_984, %get3A_985, %get3A_986] {strides = array<i32>} : memref<3x3x176xf32, #tpu.memory_space<vmem>>, vector<1x1x16xf32>,
        %get3A_988 = vector.shape_cast %get3A_987 : vector<1x1x16xf32> to vector<16xf32>
        %sub3A_989 = arith.constant -5.120000e+01 : f32
        %sub3A_990 = vector.broadcast %sub3A_989 : f32 to vector<16xf32>
        %sub3A_991 = arith.subf %get3A_988, %sub3A_990 : vector<16xf32>
        %div3A_992 = arith.constant 8.000000e-01 : f32
        %div3A_993 = vector.broadcast %div3A_992 : f32 to vector<16xf32>
        %div3A_994 = arith.divf %sub3A_991, %div3A_993 : vector<16xf32>
        %convert_element_type3A_995 = arith.fptosi %div3A_994 : vector<16xf32> to vector<16xi32>
        %get3A_996 = arith.constant 2 : i32
        %get3A_997 = arith.constant 1 : i32
        %get3A_998 = arith.index_cast %get3A_996 : i32 to index
        %get3A_999 = arith.index_cast %get3A_997 : i32 to index
        %get3A_1000 = arith.constant 144 : index
        %get3A_1001 = tpu.vector_load %arg6[%get3A_998, %get3A_999, %get3A_1000] {strides = array<i32>} : memref<3x3x176xf32, #tpu.memory_space<vmem>>, vector<1x1x16xf32>,
        %get3A_1002 = vector.shape_cast %get3A_1001 : vector<1x1x16xf32> to vector<16xf32>
        %sub3A_1003 = arith.constant -5.120000e+01 : f32
        %sub3A_1004 = vector.broadcast %sub3A_1003 : f32 to vector<16xf32>
        %sub3A_1005 = arith.subf %get3A_1002, %sub3A_1004 : vector<16xf32>
        %div3A_1006 = arith.constant 8.000000e-01 : f32
        %div3A_1007 = vector.broadcast %div3A_1006 : f32 to vector<16xf32>
        %div3A_1008 = arith.divf %sub3A_1005, %div3A_1007 : vector<16xf32>
        %convert_element_type3A_1009 = arith.fptosi %div3A_1008 : vector<16xf32> to vector<16xi32>
        %get3A_1010 = arith.constant 2 : i32
        %get3A_1011 = arith.constant 2 : i32
        %get3A_1012 = arith.index_cast %get3A_1010 : i32 to index
        %get3A_1013 = arith.index_cast %get3A_1011 : i32 to index
        %get3A_1014 = arith.constant 144 : index
        %get3A_1015 = tpu.vector_load %arg6[%get3A_1012, %get3A_1013, %get3A_1014] {strides = array<i32>} : memref<3x3x176xf32, #tpu.memory_space<vmem>>, vector<1x1x16xf32>,
        %get3A_1016 = vector.shape_cast %get3A_1015 : vector<1x1x16xf32> to vector<16xf32>
        %sub3A_1017 = arith.constant -5.000000e+00 : f32
        %sub3A_1018 = vector.broadcast %sub3A_1017 : f32 to vector<16xf32>
        %sub3A_1019 = arith.subf %get3A_1016, %sub3A_1018 : vector<16xf32>
        %div3A_1020 = arith.constant 8.000000e+00 : f32
        %div3A_1021 = vector.broadcast %div3A_1020 : f32 to vector<16xf32>
        %div3A_1022 = arith.divf %sub3A_1019, %div3A_1021 : vector<16xf32>
        %convert_element_type3A_1023 = arith.fptosi %div3A_1022 : vector<16xf32> to vector<16xi32>
        %ge3A_1024 = arith.constant 0 : i32
        %ge3A_1025 = vector.broadcast %ge3A_1024 : i32 to vector<16xi32>
        %ge3A_1026 = arith.cmpi sge, %convert_element_type3A_995, %ge3A_1025 : vector<16xi32>
        %lt3A_1027 = arith.constant 128 : i32
        %lt3A_1028 = vector.broadcast %lt3A_1027 : i32 to vector<16xi32>
        %lt3A_1029 = arith.cmpi slt, %convert_element_type3A_995, %lt3A_1028 : vector<16xi32>
        %and3A_1030 = arith.andi %ge3A_1026, %lt3A_1029 : vector<16xi1>
        %ge3A_1031 = arith.constant 0 : i32
        %ge3A_1032 = vector.broadcast %ge3A_1031 : i32 to vector<16xi32>
        %ge3A_1033 = arith.cmpi sge, %convert_element_type3A_1009, %ge3A_1032 : vector<16xi32>
        %and3A_1034 = arith.andi %and3A_1030, %ge3A_1033 : vector<16xi1>
        %lt3A_1035 = arith.constant 128 : i32
        %lt3A_1036 = vector.broadcast %lt3A_1035 : i32 to vector<16xi32>
        %lt3A_1037 = arith.cmpi slt, %convert_element_type3A_1009, %lt3A_1036 : vector<16xi32>
        %and3A_1038 = arith.andi %and3A_1034, %lt3A_1037 : vector<16xi1>
        %ge3A_1039 = arith.constant 0 : i32
        %ge3A_1040 = vector.broadcast %ge3A_1039 : i32 to vector<16xi32>
        %ge3A_1041 = arith.cmpi sge, %convert_element_type3A_1023, %ge3A_1040 : vector<16xi32>
        %and3A_1042 = arith.andi %and3A_1038, %ge3A_1041 : vector<16xi1>
        %lt3A_1043 = arith.constant 1 : i32
        %lt3A_1044 = vector.broadcast %lt3A_1043 : i32 to vector<16xi32>
        %lt3A_1045 = arith.cmpi slt, %convert_element_type3A_1023, %lt3A_1044 : vector<16xi32>
        %and3A_1046 = arith.andi %and3A_1042, %lt3A_1045 : vector<16xi1>
        %mul3A_1047 = arith.constant 128 : i32
        %mul3A_1048 = vector.broadcast %mul3A_1047 : i32 to vector<16xi32>
        %mul3A_1049 = arith.muli %convert_element_type3A_995, %mul3A_1048 : vector<16xi32>
        %add3A_1050 = arith.addi %mul3A_1049, %convert_element_type3A_1009 : vector<16xi32>
        %add3A_1051 = arith.constant 16384 : i32
        %add3A_1052 = arith.addi %add3A_1051, %arg1 : i32
        %broadcast_in_dim3A_1053 = vector.broadcast %add3A_1052 : i32 to vector<16xi32>
        %select_n3A_1054 = arith.select %and3A_1046, %add3A_1050, %broadcast_in_dim3A_1053 : vector<16xi1>, vector<16xi32>
        %swap3A_1055 = arith.constant 2 : i32
        %swap3A_1056 = arith.index_cast %swap3A_1055 : i32 to index
        %swap3A_1057 = arith.constant 144 : index
        %swap3A_1058 = tpu.vector_load %arg8[%swap3A_1056, %swap3A_1057] {strides = array<i32>} : memref<3x176xi32, #tpu.memory_space<vmem>>, vector<1x16xi32>,
        %swap3A_1059 = vector.shape_cast %swap3A_1058 : vector<1x16xi32> to vector<16xi32>
        %swap3A_1060 = vector.shape_cast %select_n3A_1054 : vector<16xi32> to vector<1x16xi32>
        tpu.vector_store %arg8[%swap3A_1056, %swap3A_1057], %swap3A_1060 {strides = array<i32>} : memref<3x176xi32, #tpu.memory_space<vmem>>, vector<1x16xi32>,
        %get3A_1061 = arith.constant 2 : i32
        %get3A_1062 = arith.constant 0 : i32
        %get3A_1063 = arith.index_cast %get3A_1061 : i32 to index
        %get3A_1064 = arith.index_cast %get3A_1062 : i32 to index
        %get3A_1065 = arith.constant 160 : index
        %get3A_1066 = tpu.vector_load %arg6[%get3A_1063, %get3A_1064, %get3A_1065] {strides = array<i32>} : memref<3x3x176xf32, #tpu.memory_space<vmem>>, vector<1x1x16xf32>,
        %get3A_1067 = vector.shape_cast %get3A_1066 : vector<1x1x16xf32> to vector<16xf32>
        %sub3A_1068 = arith.constant -5.120000e+01 : f32
        %sub3A_1069 = vector.broadcast %sub3A_1068 : f32 to vector<16xf32>
        %sub3A_1070 = arith.subf %get3A_1067, %sub3A_1069 : vector<16xf32>
        %div3A_1071 = arith.constant 8.000000e-01 : f32
        %div3A_1072 = vector.broadcast %div3A_1071 : f32 to vector<16xf32>
        %div3A_1073 = arith.divf %sub3A_1070, %div3A_1072 : vector<16xf32>
        %convert_element_type3A_1074 = arith.fptosi %div3A_1073 : vector<16xf32> to vector<16xi32>
        %get3A_1075 = arith.constant 2 : i32
        %get3A_1076 = arith.constant 1 : i32
        %get3A_1077 = arith.index_cast %get3A_1075 : i32 to index
        %get3A_1078 = arith.index_cast %get3A_1076 : i32 to index
        %get3A_1079 = arith.constant 160 : index
        %get3A_1080 = tpu.vector_load %arg6[%get3A_1077, %get3A_1078, %get3A_1079] {strides = array<i32>} : memref<3x3x176xf32, #tpu.memory_space<vmem>>, vector<1x1x16xf32>,
        %get3A_1081 = vector.shape_cast %get3A_1080 : vector<1x1x16xf32> to vector<16xf32>
        %sub3A_1082 = arith.constant -5.120000e+01 : f32
        %sub3A_1083 = vector.broadcast %sub3A_1082 : f32 to vector<16xf32>
        %sub3A_1084 = arith.subf %get3A_1081, %sub3A_1083 : vector<16xf32>
        %div3A_1085 = arith.constant 8.000000e-01 : f32
        %div3A_1086 = vector.broadcast %div3A_1085 : f32 to vector<16xf32>
        %div3A_1087 = arith.divf %sub3A_1084, %div3A_1086 : vector<16xf32>
        %convert_element_type3A_1088 = arith.fptosi %div3A_1087 : vector<16xf32> to vector<16xi32>
        %get3A_1089 = arith.constant 2 : i32
        %get3A_1090 = arith.constant 2 : i32
        %get3A_1091 = arith.index_cast %get3A_1089 : i32 to index
        %get3A_1092 = arith.index_cast %get3A_1090 : i32 to index
        %get3A_1093 = arith.constant 160 : index
        %get3A_1094 = tpu.vector_load %arg6[%get3A_1091, %get3A_1092, %get3A_1093] {strides = array<i32>} : memref<3x3x176xf32, #tpu.memory_space<vmem>>, vector<1x1x16xf32>,
        %get3A_1095 = vector.shape_cast %get3A_1094 : vector<1x1x16xf32> to vector<16xf32>
        %sub3A_1096 = arith.constant -5.000000e+00 : f32
        %sub3A_1097 = vector.broadcast %sub3A_1096 : f32 to vector<16xf32>
        %sub3A_1098 = arith.subf %get3A_1095, %sub3A_1097 : vector<16xf32>
        %div3A_1099 = arith.constant 8.000000e+00 : f32
        %div3A_1100 = vector.broadcast %div3A_1099 : f32 to vector<16xf32>
        %div3A_1101 = arith.divf %sub3A_1098, %div3A_1100 : vector<16xf32>
        %convert_element_type3A_1102 = arith.fptosi %div3A_1101 : vector<16xf32> to vector<16xi32>
        %ge3A_1103 = arith.constant 0 : i32
        %ge3A_1104 = vector.broadcast %ge3A_1103 : i32 to vector<16xi32>
        %ge3A_1105 = arith.cmpi sge, %convert_element_type3A_1074, %ge3A_1104 : vector<16xi32>
        %lt3A_1106 = arith.constant 128 : i32
        %lt3A_1107 = vector.broadcast %lt3A_1106 : i32 to vector<16xi32>
        %lt3A_1108 = arith.cmpi slt, %convert_element_type3A_1074, %lt3A_1107 : vector<16xi32>
        %and3A_1109 = arith.andi %ge3A_1105, %lt3A_1108 : vector<16xi1>
        %ge3A_1110 = arith.constant 0 : i32
        %ge3A_1111 = vector.broadcast %ge3A_1110 : i32 to vector<16xi32>
        %ge3A_1112 = arith.cmpi sge, %convert_element_type3A_1088, %ge3A_1111 : vector<16xi32>
        %and3A_1113 = arith.andi %and3A_1109, %ge3A_1112 : vector<16xi1>
        %lt3A_1114 = arith.constant 128 : i32
        %lt3A_1115 = vector.broadcast %lt3A_1114 : i32 to vector<16xi32>
        %lt3A_1116 = arith.cmpi slt, %convert_element_type3A_1088, %lt3A_1115 : vector<16xi32>
        %and3A_1117 = arith.andi %and3A_1113, %lt3A_1116 : vector<16xi1>
        %ge3A_1118 = arith.constant 0 : i32
        %ge3A_1119 = vector.broadcast %ge3A_1118 : i32 to vector<16xi32>
        %ge3A_1120 = arith.cmpi sge, %convert_element_type3A_1102, %ge3A_1119 : vector<16xi32>
        %and3A_1121 = arith.andi %and3A_1117, %ge3A_1120 : vector<16xi1>
        %lt3A_1122 = arith.constant 1 : i32
        %lt3A_1123 = vector.broadcast %lt3A_1122 : i32 to vector<16xi32>
        %lt3A_1124 = arith.cmpi slt, %convert_element_type3A_1102, %lt3A_1123 : vector<16xi32>
        %and3A_1125 = arith.andi %and3A_1121, %lt3A_1124 : vector<16xi1>
        %mul3A_1126 = arith.constant 128 : i32
        %mul3A_1127 = vector.broadcast %mul3A_1126 : i32 to vector<16xi32>
        %mul3A_1128 = arith.muli %convert_element_type3A_1074, %mul3A_1127 : vector<16xi32>
        %add3A_1129 = arith.addi %mul3A_1128, %convert_element_type3A_1088 : vector<16xi32>
        %add3A_1130 = arith.constant 16384 : i32
        %add3A_1131 = arith.addi %add3A_1130, %arg1 : i32
        %broadcast_in_dim3A_1132 = vector.broadcast %add3A_1131 : i32 to vector<16xi32>
        %select_n3A_1133 = arith.select %and3A_1125, %add3A_1129, %broadcast_in_dim3A_1132 : vector<16xi1>, vector<16xi32>
        %swap3A_1134 = arith.constant 2 : i32
        %swap3A_1135 = arith.index_cast %swap3A_1134 : i32 to index
        %swap3A_1136 = arith.constant 160 : index
        %swap3A_1137 = tpu.vector_load %arg8[%swap3A_1135, %swap3A_1136] {strides = array<i32>} : memref<3x176xi32, #tpu.memory_space<vmem>>, vector<1x16xi32>,
        %swap3A_1138 = vector.shape_cast %swap3A_1137 : vector<1x16xi32> to vector<16xi32>
        %swap3A_1139 = vector.shape_cast %select_n3A_1133 : vector<16xi32> to vector<1x16xi32>
        tpu.vector_store %arg8[%swap3A_1135, %swap3A_1136], %swap3A_1139 {strides = array<i32>} : memref<3x176xi32, #tpu.memory_space<vmem>>, vector<1x16xi32>,
        %dma_start3A_1140 = arith.constant 2 : i32
        %dma_start3A_1141 = arith.constant 2 : i32
        %dma_start3A_1142 = arith.constant 0 : i32
        %dma_start3A_1143 = arith.constant 0 : i32
        %dma_start3A_1144 = tpu.memref_slice %arg7[%dma_start3A_1140, %dma_start3A_1142, %dma_start3A_1143] : memref<3x176x80xf32, #tpu.memory_space<vmem>> -> memref<1x176x80xf32, #tpu.memory_space<vmem>>
        %dma_start3A_1145 = tpu.memref_squeeze %dma_start3A_1144 : memref<1x176x80xf32, #tpu.memory_space<vmem>> -> memref<176x80xf32, #tpu.memory_space<vmem>>
        %dma_start3A_1146 = arith.constant 0 : i32
        %dma_start3A_1147 = tpu.memref_slice %arg8[%dma_start3A_1141, %dma_start3A_1146] : memref<3x176xi32, #tpu.memory_space<vmem>> -> memref<1x176xi32, #tpu.memory_space<vmem>>
        %dma_start3A_1148 = tpu.memref_squeeze %dma_start3A_1147 : memref<1x176xi32, #tpu.memory_space<vmem>> -> memref<176xi32, #tpu.memory_space<vmem>>
        %dma_start3A_1149 = arith.constant 0 : i32
        %dma_start3A_1150 = arith.constant 0 : i32
        %dma_start3A_1151 = tpu.memref_slice %arg9[%dma_start3A_1149, %dma_start3A_1150] : memref<16400x80xf32, #tpu.memory_space<vmem_shared>> -> memref<16400x80xf32, #tpu.memory_space<vmem_shared>>
        tpu.enqueue_indirect_dma source(%dma_start3A_1145 : memref<176x80xf32, #tpu.memory_space<vmem>>) target(%dma_start3A_1151 : memref<16400x80xf32, #tpu.memory_space<vmem_shared>>) offsets(%dma_start3A_1148 : memref<176xi32, #tpu.memory_space<vmem>>) semaphore(%arg18 : memref<!tpu.dma_semaphore, #tpu.memory_space<semaphore_mem>>) {add = true}
      } else {
      }
      %sub3A_203 = arith.constant 1 : i32
      %sub3A_204 = arith.subi %add3A_194, %sub3A_203 : i32
      %mul3A_205 = arith.constant 16 : i32
      %mul3A_206 = arith.muli %mul3A_205, %sub3A_204 : i32
      %add3A_207 = arith.addi %arg1, %mul3A_206 : i32
      %add3A_208 = arith.constant 2 : i32
      %add3A_209 = arith.addi %add3A_194, %add3A_208 : i32
      %mul3A_210 = arith.constant 16 : i32
      %mul3A_211 = arith.muli %mul3A_210, %add3A_209 : i32
      %add3A_212 = arith.addi %arg1, %mul3A_211 : i32
      %ge3A_213 = arith.constant 1 : i32
      %ge3A_214 = arith.cmpi sge, %add3A_194, %ge3A_213 : i32
      %lt3A_215 = arith.constant 1416 : i32
      %lt3A_216 = arith.cmpi slt, %add3A_207, %lt3A_215 : i32
      %and3A_217 = arith.andi %ge3A_214, %lt3A_216 : i1
      %convert_element_type3A_218 = arith.extui %and3A_217 : i1 to i32
      %cond3A_219 = arith.constant 0 : i32
      %cond3A_220 = arith.cmpi ne, %convert_element_type3A_218, %cond3A_219 : i32
      scf.if %cond3A_220 {
        %dma_wait3A = arith.constant 1 : i32
        %dma_wait3A_228 = arith.constant 1 : i32
        %dma_wait3A_229 = arith.constant 0 : i32
        %dma_wait3A_230 = arith.constant 0 : i32
        %dma_wait3A_231 = tpu.memref_slice %arg7[%dma_wait3A, %dma_wait3A_229, %dma_wait3A_230] : memref<3x176x80xf32, #tpu.memory_space<vmem>> -> memref<1x176x80xf32, #tpu.memory_space<vmem>>
        %dma_wait3A_232 = tpu.memref_squeeze %dma_wait3A_231 : memref<1x176x80xf32, #tpu.memory_space<vmem>> -> memref<176x80xf32, #tpu.memory_space<vmem>>
        %dma_wait3A_233 = arith.constant 0 : i32
        %dma_wait3A_234 = tpu.memref_slice %arg8[%dma_wait3A_228, %dma_wait3A_233] : memref<3x176xi32, #tpu.memory_space<vmem>> -> memref<1x176xi32, #tpu.memory_space<vmem>>
        %dma_wait3A_235 = tpu.memref_squeeze %dma_wait3A_234 : memref<1x176xi32, #tpu.memory_space<vmem>> -> memref<176xi32, #tpu.memory_space<vmem>>
        %dma_wait3A_236 = arith.constant 0 : i32
        %dma_wait3A_237 = arith.constant 0 : i32
        %dma_wait3A_238 = tpu.memref_slice %arg9[%dma_wait3A_236, %dma_wait3A_237] : memref<16400x80xf32, #tpu.memory_space<vmem_shared>> -> memref<16400x80xf32, #tpu.memory_space<vmem_shared>>
        tpu.wait_indirect_dma semaphore(%arg17 : memref<!tpu.dma_semaphore, #tpu.memory_space<semaphore_mem>>) src(%dma_wait3A_232 : memref<176x80xf32, #tpu.memory_space<vmem>>) dst(%dma_wait3A_238 : memref<16400x80xf32, #tpu.memory_space<vmem_shared>>)
      } else {
      }
      %lt3A_221 = arith.constant 1416 : i32
      %lt3A_222 = arith.cmpi slt, %add3A_212, %lt3A_221 : i32
      %add3A_223 = arith.constant 2 : i32
      %add3A_224 = arith.addi %add3A_194, %add3A_223 : i32
      %convert_element_type3A_225 = arith.extui %lt3A_222 : i1 to i32
      %cond3A_226 = arith.constant 0 : i32
      %cond3A_227 = arith.cmpi ne, %convert_element_type3A_225, %cond3A_226 : i32
      scf.if %cond3A_227 {
        %mul3A_228 = arith.constant 16 : i32
        %mul3A_229 = arith.muli %mul3A_228, %add3A_224 : i32
        %add3A_230 = arith.addi %arg1, %mul3A_229 : i32
        %mul3A_231 = arith.constant 1416 : i32
        %mul3A_232 = arith.muli %arg0, %mul3A_231 : i32
        %add3A_233 = arith.addi %mul3A_232, %add3A_230 : i32
        %shift_right_arithmetic3A_234 = arith.constant 2 : i32
        %shift_right_arithmetic3A_235 = arith.shrsi %add3A_230, %shift_right_arithmetic3A_234 : i32
        %mul3A_236 = arith.constant 1111 : i32
        %mul3A_237 = arith.muli %shift_right_arithmetic3A_235, %mul3A_236 : i32
        %shift_right_arithmetic3A_238 = arith.constant 16 : i32
        %shift_right_arithmetic3A_239 = arith.shrsi %mul3A_237, %shift_right_arithmetic3A_238 : i32
        %mul3A_240 = arith.constant 59 : i32
        %mul3A_241 = arith.muli %shift_right_arithmetic3A_239, %mul3A_240 : i32
        %sub3A_242 = arith.subi %shift_right_arithmetic3A_235, %mul3A_241 : i32
        %and3A_243 = arith.constant 3 : i32
        %and3A_244 = arith.andi %add3A_230, %and3A_243 : i32
        %mul3A_245 = arith.constant 176 : i32
        %mul3A_246 = arith.muli %and3A_244, %mul3A_245 : i32
        %mul3A_247 = arith.constant 176 : i32
        %mul3A_248 = arith.muli %add3A_233, %mul3A_247 : i32
        %dma_start3A_249 = arith.constant 1 : i32
        %dma_start3A_250 = arith.constant 0 : i32
        %dma_start3A_251 = arith.constant 0 : i32
        %dma_start3A_252 = tpu.memref_slice %arg6[%dma_start3A_249, %dma_start3A_250, %dma_start3A_251] : memref<3x3x176xf32, #tpu.memory_space<vmem>> -> memref<1x3x176xf32, #tpu.memory_space<vmem>>
        %dma_start3A_253 = tpu.memref_squeeze %dma_start3A_252 : memref<1x3x176xf32, #tpu.memory_space<vmem>> -> memref<3x176xf32, #tpu.memory_space<vmem>>
        %dma_start3A_254 = arith.constant 0 : i32
        %dma_start3A_255 = tpu.memref_slice %arg2[%dma_start3A_254, %mul3A_248] : memref<3x498432xf32, #tpu.memory_space<hbm>> -> memref<3x176xf32, #tpu.memory_space<hbm>>
        %dma_start3A_256 = arith.constant 0 : i32
        %dma_start3A_257 = arith.constant 0 : i32
        %dma_start3A_258 = tpu.memref_slice %arg6[%dma_start3A_249, %dma_start3A_256, %dma_start3A_257] : memref<3x3x176xf32, #tpu.memory_space<vmem>> -> memref<1x3x176xf32, #tpu.memory_space<vmem>>
        %dma_start3A_259 = tpu.memref_squeeze %dma_start3A_258 : memref<1x3x176xf32, #tpu.memory_space<vmem>> -> memref<3x176xf32, #tpu.memory_space<vmem>>
        %dma_start3A_260 = arith.constant 0 : i32
        %dma_start3A_261 = tpu.memref_slice %arg2[%dma_start3A_260, %mul3A_248] : memref<3x498432xf32, #tpu.memory_space<hbm>> -> memref<3x176xf32, #tpu.memory_space<hbm>>
        tpu.enqueue_dma source(%dma_start3A_261 : memref<3x176xf32, #tpu.memory_space<hbm>>) target(%dma_start3A_259 : memref<3x176xf32, #tpu.memory_space<vmem>>) target_semaphore(%arg11 : memref<!tpu.dma_semaphore, #tpu.memory_space<semaphore_mem>>)
        %dma_start3A_262 = arith.constant 1 : i32
        %dma_start3A_263 = arith.constant 0 : i32
        %dma_start3A_264 = arith.constant 0 : i32
        %dma_start3A_265 = tpu.memref_slice %arg7[%dma_start3A_262, %dma_start3A_263, %dma_start3A_264] : memref<3x176x80xf32, #tpu.memory_space<vmem>> -> memref<1x176x80xf32, #tpu.memory_space<vmem>>
        %dma_start3A_266 = tpu.memref_squeeze %dma_start3A_265 : memref<1x176x80xf32, #tpu.memory_space<vmem>> -> memref<176x80xf32, #tpu.memory_space<vmem>>
        %dma_start3A_267 = arith.constant 0 : i32
        %dma_start3A_268 = tpu.memref_slice %arg3[%arg0, %shift_right_arithmetic3A_239, %sub3A_242, %mul3A_246, %dma_start3A_267] : memref<2x6x59x704x80xf32, #tpu.memory_space<hbm>> -> memref<1x1x1x176x80xf32, #tpu.memory_space<hbm>>
        %dma_start3A_269 = tpu.memref_squeeze %dma_start3A_268 : memref<1x1x1x176x80xf32, #tpu.memory_space<hbm>> -> memref<176x80xf32, #tpu.memory_space<hbm>>
        %dma_start3A_270 = arith.constant 0 : i32
        %dma_start3A_271 = arith.constant 0 : i32
        %dma_start3A_272 = tpu.memref_slice %arg7[%dma_start3A_262, %dma_start3A_270, %dma_start3A_271] : memref<3x176x80xf32, #tpu.memory_space<vmem>> -> memref<1x176x80xf32, #tpu.memory_space<vmem>>
        %dma_start3A_273 = tpu.memref_squeeze %dma_start3A_272 : memref<1x176x80xf32, #tpu.memory_space<vmem>> -> memref<176x80xf32, #tpu.memory_space<vmem>>
        %dma_start3A_274 = arith.constant 0 : i32
        %dma_start3A_275 = tpu.memref_slice %arg3[%arg0, %shift_right_arithmetic3A_239, %sub3A_242, %mul3A_246, %dma_start3A_274] : memref<2x6x59x704x80xf32, #tpu.memory_space<hbm>> -> memref<1x1x1x176x80xf32, #tpu.memory_space<hbm>>
        %dma_start3A_276 = tpu.memref_squeeze %dma_start3A_275 : memref<1x1x1x176x80xf32, #tpu.memory_space<hbm>> -> memref<176x80xf32, #tpu.memory_space<hbm>>
        tpu.enqueue_dma source(%dma_start3A_276 : memref<176x80xf32, #tpu.memory_space<hbm>>) target(%dma_start3A_273 : memref<176x80xf32, #tpu.memory_space<vmem>>) target_semaphore(%arg14 : memref<!tpu.dma_semaphore, #tpu.memory_space<semaphore_mem>>)
      } else {
      }
    }
    %scan3A_116 = arith.constant 30 : i32
    %barrier3A_117 = arith.constant 0 : index
    tpu.barrier barrier_id(%barrier3A_117)
    %mul3A_118 = arith.constant 1024 : i32
    %mul3A_119 = arith.muli %arg1, %mul3A_118 : i32
    "tpu.region"() ({
      %run_scoped3A = tpu.sem_alloc : memref<!tpu.dma_semaphore, #tpu.memory_space<semaphore_mem>>
      %dma_start3A_120 = arith.constant 0 : i32
      %dma_start3A_121 = tpu.memref_slice %arg5[%arg0, %mul3A_119, %dma_start3A_120] : memref<2x16384x80xf32, #tpu.memory_space<hbm>> -> memref<1x1024x80xf32, #tpu.memory_space<hbm>>
      %dma_start3A_122 = tpu.memref_squeeze %dma_start3A_121 : memref<1x1024x80xf32, #tpu.memory_space<hbm>> -> memref<1024x80xf32, #tpu.memory_space<hbm>>
      %dma_start3A_123 = arith.constant 0 : i32
      %dma_start3A_124 = tpu.memref_slice %arg9[%mul3A_119, %dma_start3A_123] : memref<16400x80xf32, #tpu.memory_space<vmem_shared>> -> memref<1024x80xf32, #tpu.memory_space<vmem_shared>>
      tpu.enqueue_dma source(%dma_start3A_124 : memref<1024x80xf32, #tpu.memory_space<vmem_shared>>) target(%dma_start3A_122 : memref<1024x80xf32, #tpu.memory_space<hbm>>) target_semaphore(%run_scoped3A : memref<!tpu.dma_semaphore, #tpu.memory_space<semaphore_mem>>)
      %dma_wait3A = arith.constant 0 : i32
      %dma_wait3A_125 = tpu.memref_slice %arg5[%arg0, %mul3A_119, %dma_wait3A] : memref<2x16384x80xf32, #tpu.memory_space<hbm>> -> memref<1x1024x80xf32, #tpu.memory_space<hbm>>
      %dma_wait3A_126 = tpu.memref_squeeze %dma_wait3A_125 : memref<1x1024x80xf32, #tpu.memory_space<hbm>> -> memref<1024x80xf32, #tpu.memory_space<hbm>>
      %dma_wait3A_127 = arith.constant 0 : i32
      %dma_wait3A_128 = tpu.memref_slice %arg9[%mul3A_119, %dma_wait3A_127] : memref<16400x80xf32, #tpu.memory_space<vmem_shared>> -> memref<1024x80xf32, #tpu.memory_space<vmem_shared>>
      tpu.wait_dma2 semaphore(%run_scoped3A : memref<!tpu.dma_semaphore, #tpu.memory_space<semaphore_mem>>) src(%dma_wait3A_128 : memref<1024x80xf32, #tpu.memory_space<vmem_shared>>) dst(%dma_wait3A_126 : memref<1024x80xf32, #tpu.memory_space<hbm>>)
      tpu.yield
    }) : () -> ()
    return
  }
}

</mosaic_0001>

<sc_bundles>
// kernel: kernel.3.cloned.1.call-start
scs
__scs_entry_jumppad:
0x0: {  	(pc) =	sbr.rel $0x88, $3  }
0x1: {  	(tag) =	ssettag $0x0;
	lr =	simm.s32 $0x1  }
0x2: {  	[smem:$0x3F9F] =	sst lr;
	_ =	strace $0xD0000000  }
0x3: {  	_ = 	snop  }
0x4: {  	_ = 	snop  }
0x5: {  	_ = 	snop  }
0x6: {  	_ = 	snop  }
0x7: {  	_ = 	snop  }
__scs_overlays_trampoline_lowered:
0x8: {  	[smem:$0x3FAE] =	sst s0  }
0x9: {  	[smem:$0x3FAF] =	sst s1  }
0xa: {  	[smem:$0x3FB0] =	sst s2  }
0xb: {  	[smem:$0x3FB1] =	sst s3  }
0xc: {  	[smem:$0x3FB2] =	sst s4  }
0xd: {  	[smem:$0x3FB3] =	sst s5  }
0xe: {  	[smem:$0x3FB4] =	sst s6  }
0xf: {  	[smem:$0x3FB5] =	sst s7  }
0x10: {  	[smem:$0x3FB6] =	sst s8  }
0x11: {  	[smem:$0x3FB7] =	sst s9;
	s0 =	simm.s32 @!p0 $0x0  }
0x12: {  	s1 =	sld [smem:$0x3F9D];
	s0 =	simm.s32 @p0 $0x1  }
0x13: {  	[smem:$0x3FB8] =	sst s0;
	s0 =	simm.s32 @!p1 $0x0  }
0x14: {  	s2 =	sld [smem:$0x3F9C];
	s0 =	simm.s32 @p1 $0x1  }
0x15: {  	[smem:$0x3FB9] =	sst s0;
	s0 =	simm.s32 @!p2 $0x0  }
0x16: {  	s3 =	sld [smem:$0x3FDB];
	s0 =	simm.s32 @p2 $0x1  }
0x17: {  	s4 =	simm.s32 $0x1BF5;
	[smem:$0x3FBB] =	sst s0  }
0x18: {  	s0 =	sld [smem:$0x3F9E];
	_ =	swait.ge [sflag:s4], $0x0  }
0x19: {  	s7 =	sld [smem:$0x3F9F]  }
0x1a: {  	s8 =	sadd.s32 $0xFFFFE003, lr  }
0x1b: {  	s9 =	sadd.s32 $0xFFFFFEF7, lr;
	s5 =	simm.s32 $0xFFFFFFFF;
	p2 =	slt.u32 s8, $0xFFFFF086  }
0x1c: {  	p1 =	slt.u32 s9, $0xF7A;
	s5 =	simm.s32 @!p2 $0x0  }
0x1d: {  	s5 =	simm.s32 @p1 $0x1;
	p0 =	seq.s32 s7, s2  }
0x1e: {  	s7 =	smul.u32 @!p0 $0xF7A, s2;
	p2 =	seq.s32 @!p0 s5, $0x0  }
0x1f: {  	s9 =	smul.u32 $0xF7A, s1;
	s8 =	simm.s32 @!p0 $0x1BF5;
	p2 =	por !p2, p0  }
0x20: {  	[sflag:s8] =	ssyncset.s32 @!p0 $0xFFFFF086;
	s6 =	sadd.s32 @!p0 s3, s7;
	s7 =	simm.s32 @!p0 $0x108  }
0x21: {  	s3 =	sadd.s32 s3, s9;
	s6 =	sadd.s32 @!p0 $0x88, s6;
	s7 =	simm.s32 @p2 $0x1082  }
0x22: {  	[simem:s7], [sflag:s8] =	dma.local @!p0 [hbm:s6], $0xF7A  }
0x23: {  	s9 =	sor.u32 $0xD0000000, s2;
	s6 =	simm.s32 $0x108;
	_ =	swait.ge @!p0 [sflag:s8], $0x0  }
0x24: {  	s3 =	sadd.s32 $0x88, s3;
	s6 =	simm.s32 @!p1 $0x1082;
	[sflag:s4] =	ssyncset.s32 $0xFFFFF086  }
0x25: {  	[simem:s6], [sflag:s4] =	dma.local [hbm:s3], $0xF7A  }
0x26: {  	[smem:$0x3F9F] =	sst s1;
	(tag) =	ssettag s2;
	_ =	strace s9  }
0x27: {  	s1 =	sld [smem:$0x3FAF]  }
0x28: {  	s2 =	sld [smem:$0x3FB0]  }
0x29: {  	s4 =	sld [smem:$0x3FB2]  }
0x2a: {  	p0 =	seq.s32 s5, $0x0;
	s5 =	sld [smem:$0x3FB3]  }
0x2b: {  	s6 =	sld [smem:$0x3FB4]  }
0x2c: {  	s7 =	sld [smem:$0x3FB5]  }
0x2d: {  	s3 =	simm.s32 $0x108;
	s8 =	sld [smem:$0x3FB6]  }
0x2e: {  	s3 =	simm.s32 @!p0 $0x1082;
	s9 =	sld [smem:$0x3FB7]  }
0x2f: {  	lr =	sadd.s32 s0, s3;
	s0 =	sld [smem:$0x3FAE]  }
0x30: {  	s3 =	sld [smem:$0x3FB1]  }
0x31: {  	[smem:$0x3FBA] =	sst s10  }
0x32: {  	s10 =	sld [smem:$0x3FB8];
	_ =	sdelay $0x3  }
0x33: {  	p0 =	seq.s32 s10, $0x1;
	s10 =	sld [smem:$0x3FBA];
	_ =	sdelay $0x3  }
0x34: {  	[smem:$0x3FBA] =	sst s10  }
0x35: {  	s10 =	sld [smem:$0x3FB9];
	_ =	sdelay $0x3  }
0x36: {  	p1 =	seq.s32 s10, $0x1;
	s10 =	sld [smem:$0x3FBA];
	_ =	sdelay $0x3  }
0x37: {  	[smem:$0x3FBA] =	sst s10  }
0x38: {  	s10 =	sld [smem:$0x3FBB]  }
0x39: {  	_ = 	snop;
	(pc) =	sbr.ind lr, $3  }
0x3a: {  	_ = 	snop  }
0x3b: {  	_ = 	snop  }
0x3c: {  	p2 =	seq.s32 s10, $0x1;
	s10 =	sld [smem:$0x3FBA]  }
0x3d: {  	_ =	shalt  }
0x3e: {  	_ =	shalt  }
0x3f: {  	_ =	shalt  }
0x40: {  	_ =	shalt  }
0x41: {  	_ =	shalt  }
0x42: {  	_ =	shalt  }
0x43: {  	_ =	shalt  }
0x44: {  	_ =	shalt  }
0x45: {  	_ =	shalt  }
0x46: {  	_ =	shalt  }
0x47: {  	_ =	shalt  }
0x48: {  	_ =	shalt  }
0x49: {  	_ =	shalt  }
0x4a: {  	_ =	shalt  }
0x4b: {  	_ =	shalt  }
0x4c: {  	_ =	shalt  }
0x4d: {  	_ =	shalt  }
0x4e: {  	_ =	shalt  }
0x4f: {  	_ =	shalt  }
0x50: {  	_ =	shalt  }
0x51: {  	_ =	shalt  }
0x52: {  	_ =	shalt  }
0x53: {  	_ =	shalt  }
0x54: {  	_ =	shalt  }
0x55: {  	_ =	shalt  }
0x56: {  	_ =	shalt  }
0x57: {  	_ =	shalt  }
0x58: {  	_ =	shalt  }
0x59: {  	_ =	shalt  }
0x5a: {  	_ =	shalt  }
0x5b: {  	_ =	shalt  }
0x5c: {  	_ =	shalt  }
0x5d: {  	_ =	shalt  }
0x5e: {  	_ =	shalt  }
0x5f: {  	_ =	shalt  }
0x60: {  	_ =	shalt  }
0x61: {  	_ =	shalt  }
0x62: {  	_ =	shalt  }
0x63: {  	_ =	shalt  }
0x64: {  	_ =	shalt  }
0x65: {  	_ =	shalt  }
0x66: {  	_ =	shalt  }
0x67: {  	_ =	shalt  }
0x68: {  	_ =	shalt  }
0x69: {  	_ =	shalt  }
0x6a: {  	_ =	shalt  }
0x6b: {  	_ =	shalt  }
0x6c: {  	_ =	shalt  }
0x6d: {  	_ =	shalt  }
0x6e: {  	_ =	shalt  }
0x6f: {  	_ =	shalt  }
0x70: {  	_ =	shalt  }
0x71: {  	_ =	shalt  }
0x72: {  	_ =	shalt  }
0x73: {  	_ =	shalt  }
0x74: {  	_ =	shalt  }
0x75: {  	_ =	shalt  }
0x76: {  	_ =	shalt  }
0x77: {  	_ =	shalt  }
0x78: {  	_ =	shalt  }
0x79: {  	_ =	shalt  }
0x7a: {  	_ =	shalt  }
0x7b: {  	_ =	shalt  }
0x7c: {  	_ =	shalt  }
0x7d: {  	_ =	shalt  }
0x7e: {  	_ =	shalt  }
0x7f: {  	_ =	shalt  }
0x80: {  	_ =	shalt  }
0x81: {  	_ =	shalt  }
0x82: {  	_ =	shalt  }
0x83: {  	_ =	shalt  }
0x84: {  	_ =	shalt  }
0x85: {  	_ =	shalt  }
0x86: {  	_ =	shalt  }
0x87: {  	_ =	shalt  }
.Lfunc_end0:
.L_simem_size_0:
called_computation_lowered:
.L_overlay_start_0:
0x88: {  	s2 =	sld [smem:$0x3FD9]  }
0x89: {  	s3 =	sld [smem:$0x3FFE];
	_ =	sdelay $0x1  }
0x8a: {  	s1 =	srdreg.scid  }
0x8b: {  	s0 =	sand.u32 $0x1, s1  }
0x8c: {  	s17 =	sshll.u32 s0, $0xA;
	s2 =	sadd.s32 s3, s2  }
0x8d: {  	s2 =	sadd.s32 s2, s17  }
0x8e: {  	[smem:$0x3FC6] =	sst s2  }
0x8f: {  	_ = 	snop  }
0x90: {  	s2 =	sld [smem:$0x3FD0];
	(tm) =	ssettm $0x1  }
0x91: {  	s18 =	sld [smem:$0x3FFB];
	_ =	sdelay $0x3  }
0x92: {  	_ =	strace s18  }
0x93: {  	s3 =	sld [smem:$0x3FFC];
	_ =	sdelay $0x3  }
0x94: {  	_ =	strace s3  }
0x95: {  	s3 =	sld [smem:$0x3FFD];
	_ =	sdelay $0x3  }
0x96: {  	_ =	strace s3  }
0x97: {  	_ =	strace $0x8FFFFFFF  }
0x98: {  	s19 =	sld [smem:$0x3FDB];
	_ =	sdelay $0x1  }
0x99: {  	s4 =	simm.s32 $_scs_section_size  }
0x9a: {  	s5 =	simm.s32 $_size__tile_overlayer_lowered;
	s6 =	simm.s32 $_tile_overlayer_lowered  }
0x9b: {  	s22 =	simm.s32 $0x1BFF;
	s21 =	sshll.u32 s6, $0x1;
	s3 =	sadd.s32 s4, s19  }
0x9c: {  	s7 =	simm.s32 $0x0;
	s20 =	sshll.u32 s5, $0x1;
	s5 =	sadd.s32 s21, s3  }
0x9d: {  	[timem:s7], [sflag:s22] =	dma.local [hbm:s5], s20  }
0x9e: {  	_ =	swait.ge [sflag:s22], s20  }
0x9f: {  	s4 =	ssub.s32 $0x0, s20;
	[sflag:s22] =	ssyncset.done $0x0  }
0xa0: {  	[sflag:s22] =	ssyncadd.s32 s4;
	_ =	sdelay $0x1  }
0xa1: {  	s23 =	simm.s32 $0x1B8B  }
0xa2: {  	_ =	swait.ge [sflag:s23], $0x1  }
0xa3: {  	[sflag:s23] =	ssyncset.done $0x0  }
0xa4: {  	s25 =	simm.s32 $0x1B8E;
	s24 =	sld [smem:$0x3FFE];
	[sflag:s23] =	ssyncadd.s32 $0xFFFFFFFF  }
0xa5: {  	s26 =	simm.s32 $execute0_lowered;
	[smem:$0x3FD2] =	sst s25  }
0xa6: {  	s5 =	sshll.u32 s26, $0x1;
	_ =	strace $0x80000046;
	[dreg:$0x1] =	wrdreg $0xFFFFFFFF  }
0xa7: {  	s28 =	simm.s32 $_size_execute0_lowered;
	s3 =	sadd.s32 s3, s5;
	[dreg:$0x0] =	wrdreg $0x0  }
0xa8: {  	s5 =	sshll.u32 s28, $0x1;
	[dreg:$0x2] =	wrdreg s3  }
0xa9: {  	[dreg:$0x3] =	wrdreg s5  }
0xaa: {  	[dreg:$0x4] =	wrdreg $0xC0  }
0xab: {  	_ =	task [dreg:s7], $0x5FFFF  }
0xac: {  	[dreg:$0x1] =	wrdreg $0xFFFFFFFF  }
0xad: {  	[dreg:$0x0] =	wrdreg $0x60  }
0xae: {  	[dreg:$0x2] =	wrdreg s24  }
0xaf: {  	[dreg:$0x3] =	wrdreg s2  }
0xb0: {  	[dreg:$0x4] =	wrdreg $0xAD400  }
0xb1: {  	[dreg:$0x5] =	wrdreg $0x9  }
0xb2: {  	_ =	task.clear_ibuf [dreg:s7], $0x6FFFF;
	_ =	strace $0x90000046  }
0xb3: {  	s29 =	simm.s32 $0x9;
	_ =	strace $0x80000048  }
0xb4: {  	_ =	swait.ge [sflag:s29], $0x1  }
0xb5: {  	[sflag:s29] =	ssyncadd.s32 $0xFFFFFFFF  }
0xb6: {  	_ =	strace $0x90000048  }
0xb7: {  	_ =	sfence  }
0xb8: {  	s30 =	sld [smem:$0x0];
	_ =	sdelay $0x2  }
0xb9: {  	s31 =	sshll.u32 s1, $0xD;
	s1 =	sshrl.u32 s1, $0x2  }
0xba: {  	s3 =	sand.u32 $0x4000, s31;
	s1 =	sadd.s32 s1, s30  }
0xbb: {  	s0 =	sor.u32 s3, s0;
	s1 =	sshll.u32 s1, $0x11  }
0xbc: {  	s0 =	sor.u32 s1, s0  }
0xbd: {  	s0 =	sadd.s32 $0x8F2B, s0  }
0xbe: {  	[sflag:s0] =	ssyncadd.remote.s32 $0x1  }
0xbf: {  	_ =	sfence.sel $0xFFFF  }
0xc0: {  	[dreg:$0x0] =	wrdreg $0xFFFFFFFF;
	(pc) =	sbr.abs _section_cstart, $3  }
0xc1: {  	[dreg:$0x1] =	wrdreg $0xFFFFFFFF  }
0xc2: {  	_ =	task.clear_ibuf [dreg:s7], $0x2FFFF;
	_ =	strace $0x9FFFFFFF  }
0xc3: {  	(tm) =	ssettm $0x7FFFFFFF  }
tec
execute0_lowered:
.L_overlay_start_1:
0x0: {  	(tag) =	ssettag $0x1  }
0x1: {  	s4 =	rddreg [dreg:$0x0]  }
0x2: {  	s8 =	rddreg [dreg:$0x1]  }
0x3: {  	s1 =	rddreg [dreg:$0x2];
	s0 =	simm.s32 $0x0;
	s21 =	srdreg.scid  }
0x4: {  	s3 =	stileid.u32;
	s28 =	simm.s32 $0xA;
	s29 =	simm.s32 $0xB0  }
0x5: {  	s31 =	simm.s32 $0x630;
	s30 =	simm.s32 $0x7;
	[smem:$0x7FF] =	sst s0  }
0x6: {  	s9 =	sand.u32 $0x1, s21;
	s10 =	sadd.s32 $0x18E800, s4;
	s12 =	smul.u32 $0x50140, s3  }
0x7: {  	s0 =	sadd.s32 $0x1BC400, s4;
	s14 =	sshrl.u32 s3, $0x2;
	s11 =	smul.u32 $0x588, s9  }
0x8: {  	s4 =	sadd.s32 $0x400, s4;
	s23 =	sand.u32 $0x3, s3;
	s15 =	smul.u32 $0xDC00, s14  }
0x9: {  	s16 =	sor.u32 $0x10, s3;
	s17 =	sshll.u32 s3, $0x6;
	s18 =	smul.u32 $0x3700, s23  }
0xa: {  	_ =	strace $0x80000047;
	s5 =	ssub.s32 $0x2, s9;
	s21 =	smul.u32 $0x140000, s9  }
0xb: {  	s19 =	sshrl.u32 s16, $0x2;
	s22 =	sshrl.u32 s12, $0x2;
	s12 =	smul.u32 $0x1303800, s9  }
0xc: {  	s26 =	sor.u32 $0xC, s14;
	s6 =	sshrl.u32 s5, $0x1;
	s24 =	smul.u32 $0xDC00, s19  }
0xd: {  	s9 =	smul.u32 $0x79B0, s9;
	s13 =	sadd.s32 s3, s11;
	s7 =	ssub.s32 s5, s6  }
0xe: {  	s2 =	sadd.s32 s22, s1;
	s11 =	sadd.s32 s16, s11;
	s16 =	smul.u32 $0x14000, s3  }
0xf: {  	s6 =	sor.u32 $0x1C0A, s17;
	s13 =	smul.u32 $0x16, s13;
	s19 =	sadd.s32 $0x2800, s2  }
0x10: {  	s20 =	sadd.s32 $0x5000, s2;
	s22 =	sadd.s32 s12, s18;
	s23 =	sadd.s32 $0x7800, s2  }
0x11: {  	s11 =	smul.u32 $0x16, s11;
	s9 =	sadd.s32 s9, s10;
	[dreg:$0x4] =	wrdreg s2  }
0x12: {  	s15 =	sadd.s32 s15, s22;
	s17 =	sadd.s32 s24, s22;
	s21 =	sadd.s32 s16, s21  }
0x13: {  	s22 =	smul.u32 $0x16, s3;
	s24 =	sor.u32 $0x10, s14;
	s14 =	sor.u32 $0x8, s14  }
0x14: {  	s21 =	sshrl.u32 s21, $0x3;
	s15 =	sshrl.u32 s15, $0x3;
	s17 =	sshrl.u32 s17, $0x3  }
0x15: {  	s25 =	sadd.s32 s8, s21;
	s8 =	smul.u32 $0xDC00, s24;
	s24 =	sadd.s32 s10, s13  }
0x16: {  	s9 =	sadd.s32 s22, s9;
	s21 =	sadd.s32 $0xC800, s2;
	[dreg:$0x5] =	wrdreg s25  }
0x17: {  	s22 =	sadd.s32 s0, s15;
	[dreg:$0x6] =	wrdreg s24;
	s25 =	smul.u32 $0xDC00, s26  }
0x18: {  	s26 =	sadd.s32 s10, s11;
	s11 =	smul.u32 $0xDC00, s14;
	[dreg:$0x8] =	wrdreg s22  }
0x19: {  	s14 =	sadd.s32 $0xA000, s2;
	s24 =	sadd.s32 s0, s17;
	[dreg:$0x7] =	wrdreg s26  }
0x1a: {  	s15 =	sadd.s32 $0x580, s9;
	s17 =	sshrl.u32 s20, $0x3;
	[dreg:$0x9] =	wrdreg s24  }
0x1b: {  	s21 =	sshrl.u32 s21, $0x3;
	s9 =	simm.s32 $0xAB30;
	[dreg:$0xe] =	wrdreg s15  }
0x1c: {  	s8 =	sadd.s32 s8, s12;
	[dreg:$0x10] =	wrdreg s17;
	s20 =	sshrl.u32 s14, $0x3  }
0x1d: {  	[dreg:$0x13] =	wrdreg s21;
	s15 =	simm.s32 $0xABE0;
	s17 =	simm.s32 $0x6  }
0x1e: {  	s14 =	simm.s32 $0x0;
	s13 =	sadd.s32 s25, s12;
	s10 =	sadd.s32 s11, s12  }
0x1f: {  	s12 =	sadd.s32 $0xF000, s2;
	s8 =	sadd.s32 s18, s8;
	[dreg:$0x12] =	wrdreg s20  }
0x20: {  	s11 =	simm.s32 $0x5;
	s13 =	sadd.s32 s18, s13;
	s10 =	sadd.s32 s18, s10  }
0x21: {  	v0 =	vimm.f32 $8.000000110e-01;
	s18 =	sadd.s32 $0x11800, s2;
	s8 =	sshrl.u32 s8, $0x3;
	s22 =	sshrl.u32 s12, $0x3  }
0x22: {  	(erf) = vrcp.f32 v0;
	v0 =	vimm.f32 $8.000000000e+00;
	s13 =	sshrl.u32 s13, $0x3;
	s25 =	sadd.s32 s8, s0;
	[dreg:$0x14] =	wrdreg s22  }
0x23: {  	(erf) = vrcp.f32 v0;
	s10 =	sshrl.u32 s10, $0x3;
	[dreg:$0xa] =	wrdreg s25;
	s26 =	sadd.s32 s13, s0  }
0x24: {  	s12 =	simm.s32 $0x3;
	s0 =	sadd.s32 s10, s0;
	[dreg:$0xb] =	wrdreg s26  }
0x25: {  	s8 =	sadd.s32 $0x14000, s2;
	s13 =	smax.u32 s7, $0x1;
	[dreg:$0xc] =	wrdreg s0  }
0x26: {  	s10 =	sadd.s32 s16, s1;
	s16 =	sshrl.u32 s19, $0x3;
	[dreg:$0xd] =	wrdreg s13  }
0x27: {  	s19 =	sshrl.u32 s23, $0x3;
	s23 =	sshrl.u32 s18, $0x3;
	[dreg:$0xf] =	wrdreg s16  }
.Ltmp0:
0x28: {  	s25 =	sor.u32 $0x4000, s3;
	[dreg:$0x11] =	wrdreg s19;
	(pc) =	sbr.rel .LBB2_1-.Ltmp0, $4  }
0x29: {  	s7 =	simm.s32 $0x1;
	s18 =	simm.s32 $0x7430;
	[dreg:$0x15] =	wrdreg s23  }
0x2a: {  	s0 =	sshrl.u32 s8, $0x3;
	s24 =	sshrl.u32 s10, $0x3;
	s26 =	ssub.s32 $0x578, s3  }
0x2b: {  	v0 =	vpop (erf);
	s8 =	simm.s32 $0x4;
	s10 =	simm.s32 $0x2;
	[dreg:$0x16] =	wrdreg s0  }
0x2c: {  	v2 =	vpop (erf);
	v1 =	vmov s25;
	s13 =	simm.s32 $0xAC90;
	[dreg:$0x17] =	wrdreg s24;
	s0 =	simm.s32 $0x3D30  }
.LBB2_7:
0x2d: {  	[bflag:$0x0] =	sbarrier.arrive $0xFFFF  }
0x2e: {  	s2 =	rddreg [dreg:$0x5]  }
0x2f: {  	s5 =	rddreg [dreg:$0x17]  }
0x30: {  	[hbm:s2], [sflag:s6] =	dma.local [spmem:s5], $0x2800  }
0x31: {  	_ =	swait.ge [sflag:s28], $0x2800  }
0x32: {  	s14 =	sadd.s32 $0x1, s14;
	s25 =	rddreg [dreg:$0xd]  }
0x33: {  	p0 =	sne.s32 s14, s25  }
.Ltmp1:
0x34: {  	_ = 	snop;
	(pc) =	sbr.rel @!p0 .LBB2_8-.Ltmp1, $3  }
0x35: {  	_ =	sdelay $0x1  }
0x36: {  	[sflag:s28] =	ssyncset.done $0x0  }
0x37: {  	[sflag:s28] =	ssyncadd.s32 $0xFFFFD800  }
.LBB2_1:
0x38: {  	s2 =	rddreg [dreg:$0x4]  }
0x39: {  	s16 =	sshrl.u32 s2, $0x3  }
0x3a: {  	[spmem:s16], [sflag:s6] =	dma.local [hbm:s4], $0x500  }
0x3b: {  	_ =	swait.ge [sflag:s28], $0x500  }
0x3c: {  	[sflag:s28] =	ssyncset.done $0x0  }
0x3d: {  	s22 =	rddreg [dreg:$0xf];
	[sflag:s28] =	ssyncadd.s32 $0xFFFFFB00  }
0x3e: {  	[spmem:s22], [sflag:s6] =	dma.local [hbm:s4], $0x500  }
0x3f: {  	_ =	swait.ge [sflag:s28], $0x500  }
0x40: {  	[sflag:s28] =	ssyncset.done $0x0  }
0x41: {  	s23 =	rddreg [dreg:$0x10];
	[sflag:s28] =	ssyncadd.s32 $0xFFFFFB00  }
0x42: {  	[spmem:s23], [sflag:s6] =	dma.local [hbm:s4], $0x500  }
0x43: {  	_ =	swait.ge [sflag:s28], $0x500  }
0x44: {  	[sflag:s28] =	ssyncset.done $0x0  }
0x45: {  	s24 =	rddreg [dreg:$0x11];
	[sflag:s28] =	ssyncadd.s32 $0xFFFFFB00  }
0x46: {  	[spmem:s24], [sflag:s6] =	dma.local [hbm:s4], $0x500  }
0x47: {  	_ =	swait.ge [sflag:s28], $0x500  }
0x48: {  	[sflag:s28] =	ssyncset.done $0x0  }
0x49: {  	s25 =	rddreg [dreg:$0x12];
	[sflag:s28] =	ssyncadd.s32 $0xFFFFFB00  }
0x4a: {  	[spmem:s25], [sflag:s6] =	dma.local [hbm:s4], $0x500  }
0x4b: {  	_ =	swait.ge [sflag:s28], $0x500  }
0x4c: {  	[sflag:s28] =	ssyncset.done $0x0  }
0x4d: {  	s5 =	rddreg [dreg:$0x13];
	[sflag:s28] =	ssyncadd.s32 $0xFFFFFB00  }
0x4e: {  	[spmem:s5], [sflag:s6] =	dma.local [hbm:s4], $0x500  }
0x4f: {  	_ =	swait.ge [sflag:s28], $0x500  }
0x50: {  	[sflag:s28] =	ssyncset.done $0x0  }
0x51: {  	s16 =	rddreg [dreg:$0x14];
	[sflag:s28] =	ssyncadd.s32 $0xFFFFFB00  }
0x52: {  	[spmem:s16], [sflag:s6] =	dma.local [hbm:s4], $0x500  }
0x53: {  	_ =	swait.ge [sflag:s28], $0x500  }
0x54: {  	[sflag:s28] =	ssyncset.done $0x0  }
0x55: {  	s19 =	rddreg [dreg:$0x15];
	[sflag:s28] =	ssyncadd.s32 $0xFFFFFB00  }
0x56: {  	[spmem:s19], [sflag:s6] =	dma.local [hbm:s4], $0x500  }
0x57: {  	_ =	swait.ge [sflag:s28], $0x500  }
0x58: {  	[sflag:s28] =	ssyncset.done $0x0  }
0x59: {  	s20 =	rddreg [dreg:$0x16];
	[sflag:s28] =	ssyncadd.s32 $0xFFFFFB00  }
0x5a: {  	[spmem:s20], [sflag:s6] =	dma.local [hbm:s4], $0xA  }
0x5b: {  	_ =	swait.ge [sflag:s28], $0xA  }
0x5c: {  	[sflag:s28] =	ssyncset.done $0x0  }
0x5d: {  	[sflag:s28] =	ssyncadd.s32 $0xFFFFFFF6  }
0x5e: {  	[bflag:$0x0] =	sbarrier.arrive $0xFFFF  }
0x5f: {  	s5 =	rddreg [dreg:$0x6]  }
0x60: {  	s23 =	rddreg [dreg:$0x8]  }
0x61: {  	s24 =	rddreg [dreg:$0x7]  }
0x62: {  	s21 =	simm.s32 $0x0;
	s22 =	simm.s32 $0x79B00;
	s25 =	rddreg [dreg:$0x9]  }
0x63: {  	[tilespmem:s21], [sflag:$0x1] =	stream.strided.gather [hbm4b:s5+s29], $0x210, s22, s29, $0x38;
	[tilespmem:$0x1ED90] =	vst v63  }
0x64: {  	s20 =	rddreg [dreg:$0xb]  }
0x65: {  	[tilespmem:s31], [sflag:$0x4] =	stream.linear.gather [hbm4b:s23+s21], $0x3700, $0x38;
	[tilespmem:$0x1ED90] =	vst v63  }
.Ltmp2:
0x66: {  	s19 =	simm.s32 $0x210;
	s16 =	rddreg [dreg:$0xe];
	(pc) =	sbr.rel .LBB2_2-.Ltmp2, $4  }
0x67: {  	[tilespmem:s19], [sflag:$0x2] =	stream.strided.gather [hbm4b:s24+s29], $0x210, s22, s29, $0x38;
	[tilespmem:$0x1ED90] =	vst v63  }
0x68: {  	s19 =	rddreg [dreg:$0xc]  }
0x69: {  	[tilespmem:s0], [sflag:$0x5] =	stream.linear.gather [hbm4b:s25+s21], $0x3700, $0x38;
	[tilespmem:$0x1ED90] =	vst v63  }
0x6a: {  	s23 =	simm.s32 $0x0;
	s21 =	rddreg [dreg:$0xa]  }
.LBB2_6:
0x6b: {  	s2 =	simm.s32 @!p0 $0x8  }
0x6c: {  	_ =	swait.ge @!p0 [sflag:s2], $0x3700  }
0x6d: {  	s5 =	sadd.s32 $0x40, s24;
	[sflag:s2] =	ssyncset.done @!p0 $0x0  }
0x6e: {  	[sflag:s2] =	ssyncadd.s32 @!p0 $0xFFFFC900;
	p0 =	sgt.u32 s5, $0x587  }
0x6f: {  	s2 =	simm.s32 @!p0 $0xB0;
	s5 =	simm.s32 @!p0 $0x79B00;
	s22 =	simm.s32 @!p0 $0x210  }
0x70: {  	[tilespmem:s22], [sflag:$0x2] =	stream.strided.gather @!p0 [hbm4b:s16+s2], $0x210, s5, s2, $0x38;
	[tilespmem:$0x1ED90] =	vst v63  }
0x71: {  	s23 =	sadd.s32 $0x30, s23;
	s2 =	simm.s32 @!p0 $0x0;
	s5 =	simm.s32 @!p0 $0x3D30  }
0x72: {  	[tilespmem:s5], [sflag:$0x5] =	stream.linear.gather @!p0 [hbm4b:s21+s2], $0x3700, $0x38;
	[tilespmem:$0x1ED90] =	vst v63  }
0x73: {  	p0 =	sne.s32 s23, $0x5A0  }
.Ltmp3:
0x74: {  	_ = 	snop;
	(pc) =	sbr.rel @!p0 .LBB2_7-.Ltmp3, $3  }
0x75: {  	_ =	sdelay $0x1  }
0x76: {  	s20 =	sadd.s32 $0x14A00, s20  }
0x77: {  	s19 =	sadd.s32 $0x14A00, s19;
	s16 =	sadd.s32 $0x420, s16;
	s21 =	sadd.s32 $0x14A00, s21  }
.LBB2_2:
0x78: {  	_ =	swait.ge [sflag:s7], $0x210  }
0x79: {  	[sflag:s7] =	ssyncset.done $0x0  }
0x7a: {  	[sflag:s7] =	ssyncadd.s32 $0xFFFFFDF0  }
0x7b: {  	_ =	swait.ge [sflag:s8], $0x3700  }
0x7c: {  	[sflag:s8] =	ssyncset.done $0x0  }
0x7d: {  	[sflag:s8] =	ssyncadd.s32 $0xFFFFC900  }
0x7e: {  	v3 =	vld [tilespmem:$0x0]  }
0x7f: {  	v4 =	vld [tilespmem:$0xB0]  }
0x80: {  	v5 =	vld [tilespmem:$0x160]  }
0x81: {  	v6 =	vld [tilespmem:$0x10]  }
0x82: {  	v7 =	vld [tilespmem:$0xC0]  }
0x83: {  	v8 =	vld [tilespmem:$0x170]  }
0x84: {  	v9 =	vld [tilespmem:$0x20]  }
0x85: {  	v11 =	vld [tilespmem:$0xD0]  }
0x86: {  	v40 =	vld [tilespmem:$0x180]  }
0x87: {  	v49 =	vld [tilespmem:$0xE0]  }
0x88: {  	v50 =	vld [tilespmem:$0x190];
	v3 =	vadd.f32 $5.120000080e+01, v3;
	v4 =	vadd.f32 $5.120000080e+01, v4  }
0x89: {  	v13 =	vld [tilespmem:$0xF0];
	v5 =	vadd.f32 $5.000000000e+00, v5;
	v6 =	vadd.f32 $5.120000080e+01, v6  }
0x8a: {  	v14 =	vld [tilespmem:$0x50];
	v7 =	vadd.f32 $5.120000080e+01, v7;
	v8 =	vadd.f32 $5.000000000e+00, v8  }
0x8b: {  	v15 =	vld [tilespmem:$0x110];
	v9 =	vadd.f32 $5.120000080e+01, v9;
	v45 =	vadd.f32 $5.120000080e+01, v11  }
0x8c: {  	v33 =	vld [tilespmem:$0x70];
	v48 =	vadd.f32 $5.000000000e+00, v40;
	v54 =	vadd.f32 $5.120000080e+01, v49;
	v3 =	vmul.f32 v3, v0  }
0x8d: {  	v11 =	vadd.f32 $5.000000000e+00, v50;
	v4 =	vmul.f32 v4, v0;
	v5 =	vmul.f32 v5, v2  }
0x8e: {  	v61 =	vadd.f32 $5.120000080e+01, v13;
	v6 =	vmul.f32 v6, v0;
	v7 =	vmul.f32 v7, v0  }
0x8f: {  	v24 =	vadd.f32 $5.120000080e+01, v14;
	v8 =	vmul.f32 v8, v2;
	v47 =	vmul.f32 v9, v0  }
0x90: {  	v32 =	vadd.f32 $5.120000080e+01, v15;
	v9 =	vmul.f32 v48, v2;
	v56 =	vmul.f32 v54, v0  }
0x91: {  	v14 =	vadd.f32 $5.120000080e+01, v33;
	v11 =	vmul.f32 v11, v2;
	v20 =	vmul.f32 v61, v0  }
0x92: {  	v27 =	vmul.f32 v24, v0;
	v13 =	vmul.f32 v32, v0  }
0x93: {  	v14 =	vmul.f32 v14, v0;
	v3 =	vtrunc.f32 v3  }
0x94: {  	v25 =	vld [tilespmem:$0x60];
	v4 =	vtrunc.f32 v4;
	v5 =	vtrunc.f32 v5  }
0x95: {  	v16 =	vld [tilespmem:$0x120];
	v6 =	vtrunc.f32 v6;
	v7 =	vtrunc.f32 v7  }
0x96: {  	v46 =	vld [tilespmem:$0x30];
	v43 =	vtrunc.f32 v8;
	v9 =	vtrunc.f32 v9  }
0x97: {  	v21 =	vld [tilespmem:$0x100];
	v59 =	vtrunc.f32 v11;
	v29 =	vtrunc.f32 v27  }
0x98: {  	v18 =	vld [tilespmem:$0x140];
	v13 =	vtrunc.f32 v13;
	v3 =	vcvt.f32.s32 v3  }
0x99: {  	v57 =	vld [tilespmem:$0x1A0];
	v31 =	vadd.f32 $5.120000080e+01, v25;
	v4 =	vcvt.f32.s32 v4;
	v5 =	vcvt.f32.s32 v5  }
0x9a: {  	v39 =	vadd.f32 $5.120000080e+01, v16;
	v41 =	vcvt.f32.s32 v6;
	v42 =	vcvt.f32.s32 v7  }
0x9b: {  	v8 =	vadd.f32 $5.120000080e+01, v46;
	v7 =	vcvt.f32.s32 v43;
	v53 =	vcvt.f32.s32 v9  }
0x9c: {  	v11 =	vadd.f32 $5.120000080e+01, v21;
	v60 =	vcvt.f32.s32 v59;
	v35 =	vcvt.f32.s32 v13  }
0x9d: {  	v18 =	vadd.f32 $5.120000080e+01, v18;
	v43 =	vtrunc.f32 v14;
	v8 =	vmul.f32 v8, v0  }
0x9e: {  	v9 =	vadd.f32 $5.000000000e+00, v57;
	v11 =	vmul.f32 v11, v0;
	v13 =	vcvt.f32.s32 v43  }
0x9f: {  	v55 =	vld [tilespmem:$0x40];
	v10 =	vor.u32 v3, v4;
	vm1 =	veq.s32 v5, $0x0;
	v3 =	vshll.u32 v3, $0x7  }
0xa0: {  	v36 =	vld [tilespmem:$0x1D0];
	v44 =	vor.u32 v41, v42;
	vm2 =	veq.s32 v7, $0x0;
	v5 =	vshll.u32 v41, $0x7  }
0xa1: {  	v38 =	vld [tilespmem:$0x80];
	v7 =	vtrunc.f32 v47;
	vm11 =	veq.s32 v53, $0x0;
	vm13 =	veq.s32 v60, $0x0  }
0xa2: {  	v9 =	vmul.f32 v9, v2;
	vm0 =	vlt.u32 v10, $0x80;
	v3 =	vadd.s32 v4, v3  }
0xa3: {  	vm8 =	vlt.u32 v44, $0x80;
	v4 =	vmul.f32 v45, v0;
	v5 =	vadd.s32 v42, v5  }
0xa4: {  	v51 =	vcvt.f32.s32 v7;
	v8 =	vtrunc.f32 v8;
	v10 =	vadd.f32 $5.120000080e+01, v55  }
0xa5: {  	v30 =	vtrunc.f32 v11;
	v11 =	vmul.f32 v31, v0;
	v42 =	vadd.f32 $5.000000000e+00, v36  }
0xa6: {  	v44 =	vadd.f32 $5.120000080e+01, v38;
	v8 =	vcvt.f32.s32 v8;
	v9 =	vtrunc.f32 v9  }
0xa7: {  	v23 =	vld [tilespmem:$0x1B0];
	vm0 =	vmand vm0, vm1;
	v4 =	vtrunc.f32 v4;
	v10 =	vmul.f32 v10, v0  }
0xa8: {  	v41 =	vld [tilespmem:$0x1E0];
	vm9 =	vmand vm8, vm2;
	v9 =	vcvt.f32.s32 v9;
	v11 =	vtrunc.f32 v11  }
0xa9: {  	v3 =	vsel vm0, v3, v1;
	v14 =	vmul.f32 v44, v0;
	v52 =	vcvt.f32.s32 v4  }
0xaa: {  	v45 =	vld [tilespmem:$0x90];
	v4 =	vsel vm9, v5, v1;
	v5 =	vtrunc.f32 v56;
	v11 =	vcvt.f32.s32 v11  }
0xab: {  	v19 =	vld [tilespmem:$0xA0];
	v6 =	vshll.u32 v51, $0x7;
	v58 =	vcvt.f32.s32 v5;
	v22 =	vtrunc.f32 v10  }
0xac: {  	v28 =	vld [tilespmem:$0x1C0];
	vm15 =	veq.s32 v9, $0x0;
	v10 =	vadd.f32 $5.000000000e+00, v23;
	v9 =	vcvt.f32.s32 v30  }
0xad: {  	v16 =	vadd.f32 $5.000000000e+00, v41;
	v14 =	vtrunc.f32 v14;
	v12 =	vor.u32 v51, v52  }
0xae: {  	v6 =	vadd.s32 v52, v6;
	v7 =	vcvt.f32.s32 v22;
	v37 =	vor.u32 v11, v35  }
0xaf: {  	v11 =	vshll.u32 v11, $0x7;
	v14 =	vcvt.f32.s32 v14;
	v15 =	vadd.f32 $5.120000080e+01, v45  }
0xb0: {  	v51 =	vmul.f32 v18, v0;
	v52 =	vadd.f32 $5.120000080e+01, v19;
	vm10 =	vlt.u32 v12, $0x80  }
0xb1: {  	v62 =	vor.u32 v8, v58;
	v10 =	vmul.f32 v10, v2;
	v12 =	vadd.f32 $5.000000000e+00, v28  }
0xb2: {  	v16 =	vmul.f32 v16, v2;
	vm0 =	vmand vm10, vm11;
	v15 =	vmul.f32 v15, v0  }
0xb3: {  	v54 =	vmul.f32 v52, v0;
	v63 =	vsel vm0, v6, v1;
	v6 =	vtrunc.f32 v20  }
0xb4: {  	v8 =	vshll.u32 v8, $0x7;
	v10 =	vtrunc.f32 v10;
	v12 =	vmul.f32 v12, v2  }
0xb5: {  	vm6 =	vlt.u32 v37, $0x80;
	v16 =	vtrunc.f32 v16;
	v6 =	vcvt.f32.s32 v6  }
0xb6: {  	vm12 =	vlt.u32 v62, $0x80;
	v10 =	vcvt.f32.s32 v10;
	v47 =	vcvt.f32.s32 v16  }
0xb7: {  	v8 =	vadd.s32 v58, v8;
	v15 =	vtrunc.f32 v15;
	v16 =	vtrunc.f32 v51  }
0xb8: {  	vm0 =	vmand vm12, vm13;
	v56 =	vtrunc.f32 v54;
	v12 =	vtrunc.f32 v12  }
0xb9: {  	v8 =	vsel vm0, v8, v1;
	v15 =	vcvt.f32.s32 v15;
	v53 =	vcvt.f32.s32 v16  }
0xba: {  	v58 =	vcvt.f32.s32 v56;
	v26 =	vor.u32 v7, v6;
	v7 =	vshll.u32 v7, $0x7  }
0xbb: {  	v40 =	vld [tilespmem:$0x130];
	vm5 =	veq.s32 v10, $0x0;
	v12 =	vcvt.f32.s32 v12;
	v10 =	vadd.s32 v35, v11  }
0xbc: {  	v11 =	vmul.f32 v42, v2;
	v6 =	vadd.s32 v6, v7;
	v7 =	vcvt.f32.s32 v29  }
0xbd: {  	vm11 =	veq.s32 v47, $0x0;
	vm14 =	vlt.u32 v26, $0x80;
	v57 =	vor.u32 v15, v53  }
0xbe: {  	v60 =	vshll.u32 v15, $0x7;
	v34 =	vor.u32 v7, v9;
	v7 =	vshll.u32 v7, $0x7  }
0xbf: {  	vm0 =	vmand vm14, vm15;
	v7 =	vadd.s32 v9, v7;
	v9 =	vmul.f32 v39, v0  }
0xc0: {  	v46 =	vld [tilespmem:$0x1F0];
	vm7 =	veq.s32 v12, $0x0;
	v12 =	vadd.f32 $5.120000080e+01, v40;
	v11 =	vtrunc.f32 v11  }
0xc1: {  	v48 =	vld [tilespmem:$0x150];
	vm12 =	vlt.u32 v57, $0x80;
	v6 =	vsel vm0, v6, v1;
	v9 =	vtrunc.f32 v9  }
0xc2: {  	v50 =	vld [tilespmem:$0x200];
	vm1 =	vmand vm6, vm7;
	v11 =	vcvt.f32.s32 v11;
	v9 =	vcvt.f32.s32 v9  }
0xc3: {  	vm4 =	vlt.u32 v34, $0x80;
	v10 =	vsel vm1, v10, v1;
	v12 =	vmul.f32 v12, v0  }
0xc4: {  	vm0 =	vmand vm4, vm5;
	vm9 =	veq.s32 v11, $0x0;
	v17 =	vor.u32 v13, v9  }
0xc5: {  	v13 =	vshll.u32 v13, $0x7;
	vm8 =	vlt.u32 v17, $0x80;
	v17 =	vadd.f32 $5.000000000e+00, v46  }
0xc6: {  	v12 =	vtrunc.f32 v12;
	v9 =	vadd.s32 v9, v13;
	v13 =	vadd.f32 $5.120000080e+01, v48  }
0xc7: {  	v11 =	vadd.f32 $5.000000000e+00, v50;
	v12 =	vcvt.f32.s32 v12;
	v17 =	vmul.f32 v17, v2  }
0xc8: {  	[tilespmem:$0xAB70] =	vst v6;
	v6 =	vadd.s32 v53, v60;
	v7 =	vsel vm0, v7, v1;
	v13 =	vmul.f32 v13, v0  }
0xc9: {  	[tilespmem:$0xAB30] =	vst v3;
	v11 =	vmul.f32 v11, v2;
	v49 =	vor.u32 v14, v12;
	v3 =	vtrunc.f32 v17  }
0xca: {  	[tilespmem:$0xAB40] =	vst v4;
	v14 =	vshll.u32 v14, $0x7;
	v13 =	vtrunc.f32 v13;
	v3 =	vcvt.f32.s32 v3  }
0xcb: {  	[tilespmem:$0xAB50] =	vst v63;
	vm10 =	vlt.u32 v49, $0x80;
	v12 =	vadd.s32 v12, v14;
	v59 =	vcvt.f32.s32 v13  }
0xcc: {  	[tilespmem:$0xAB60] =	vst v8;
	vm1 =	vmand vm8, vm9;
	vm13 =	veq.s32 v3, $0x0;
	v3 =	vtrunc.f32 v11  }
0xcd: {  	[tilespmem:$0xAB90] =	vst v10;
	vm0 =	vmand vm10, vm11;
	v61 =	vor.u32 v58, v59;
	v3 =	vcvt.f32.s32 v3  }
0xce: {  	[tilespmem:$0xAB80] =	vst v7;
	v55 =	vsel vm1, v9, v1;
	v62 =	vsel vm0, v12, v1;
	vm14 =	vlt.u32 v61, $0x80  }
0xcf: {  	[tilespmem:$0xABA0] =	vst v55;
	vm1 =	vmand vm12, vm13;
	vm15 =	veq.s32 v3, $0x0;
	v3 =	vshll.u32 v58, $0x7  }
0xd0: {  	[tilespmem:$0xABB0] =	vst v62;
	v63 =	vsel vm1, v6, v1;
	vm0 =	vmand vm14, vm15;
	v3 =	vadd.s32 v59, v3  }
0xd1: {  	p0 =	seq.s32 s23, $0x0;
	[tilespmem:$0xABC0] =	vst v63;
	v3 =	vsel vm0, v3, v1  }
0xd2: {  	s25 =	simm.s32 @!p0 $0x9;
	[tilespmem:$0xABD0] =	vst v3  }
0xd3: {  	[spmem:s1] =	stream.indirect.scatter.add.f32 [tilespmem:s31], [sflag:$0x7], $0x50, s9, s29, $0xb8;
	[tilespmem:$0x1ED90] =	vst v63  }
0xd4: {  	s24 =	sadd.s32 s23, s3;
	_ =	swait.ge @!p0 [sflag:s25], $0x3700  }
0xd5: {  	s22 =	sadd.s32 $0x20, s24;
	[sflag:s25] =	ssyncset.done @!p0 $0x0  }
0xd6: {  	p1 =	sgt.u32 s22, $0x587;
	[sflag:s25] =	ssyncadd.s32 @!p0 $0xFFFFC900;
	p0 =	sge.u32 s23, s26  }
.Ltmp4:
0xd7: {  	s22 =	sadd.s32 @!p1 $0xFFFFFD40, s16;
	(pc) =	sbr.rel @p0 .LBB2_4-.Ltmp4, $4  }
0xd8: {  	s5 =	simm.s32 @!p1 $0x79B00;
	s2 =	simm.s32 @!p1 $0x420;
	s25 =	simm.s32 @!p1 $0xB0  }
0xd9: {  	[tilespmem:s2], [sflag:$0x3] =	stream.strided.gather @!p1 [hbm4b:s22+s25], $0x210, s5, s25, $0x38;
	[tilespmem:$0x1ED90] =	vst v63  }
0xda: {  	s2 =	simm.s32 @!p1 $0x0;
	s5 =	simm.s32 @!p1 $0x7430  }
0xdb: {  	[tilespmem:s5], [sflag:$0x6] =	stream.linear.gather @!p1 [hbm4b:s19+s2], $0x3700, $0x38;
	[tilespmem:$0x1ED90] =	vst v63  }
0xdc: {  	_ =	swait.ge [sflag:s10], $0x210  }
0xdd: {  	[sflag:s10] =	ssyncset.done $0x0  }
0xde: {  	[sflag:s10] =	ssyncadd.s32 $0xFFFFFDF0  }
0xdf: {  	_ =	swait.ge [sflag:s11], $0x3700  }
0xe0: {  	[sflag:s11] =	ssyncset.done $0x0  }
0xe1: {  	[sflag:s11] =	ssyncadd.s32 $0xFFFFC900  }
0xe2: {  	v3 =	vld [tilespmem:$0x210]  }
0xe3: {  	v4 =	vld [tilespmem:$0x2C0]  }
0xe4: {  	v5 =	vld [tilespmem:$0x370]  }
0xe5: {  	v6 =	vld [tilespmem:$0x220]  }
0xe6: {  	v7 =	vld [tilespmem:$0x2D0]  }
0xe7: {  	v8 =	vld [tilespmem:$0x380]  }
0xe8: {  	v9 =	vld [tilespmem:$0x230]  }
0xe9: {  	v11 =	vld [tilespmem:$0x2E0]  }
0xea: {  	v40 =	vld [tilespmem:$0x390]  }
0xeb: {  	v49 =	vld [tilespmem:$0x2F0]  }
0xec: {  	v50 =	vld [tilespmem:$0x3A0];
	v3 =	vadd.f32 $5.120000080e+01, v3;
	v4 =	vadd.f32 $5.120000080e+01, v4  }
0xed: {  	v13 =	vld [tilespmem:$0x300];
	v5 =	vadd.f32 $5.000000000e+00, v5;
	v6 =	vadd.f32 $5.120000080e+01, v6  }
0xee: {  	v14 =	vld [tilespmem:$0x260];
	v7 =	vadd.f32 $5.120000080e+01, v7;
	v8 =	vadd.f32 $5.000000000e+00, v8  }
0xef: {  	v15 =	vld [tilespmem:$0x320];
	v9 =	vadd.f32 $5.120000080e+01, v9;
	v45 =	vadd.f32 $5.120000080e+01, v11  }
0xf0: {  	v33 =	vld [tilespmem:$0x280];
	v48 =	vadd.f32 $5.000000000e+00, v40;
	v54 =	vadd.f32 $5.120000080e+01, v49;
	v3 =	vmul.f32 v3, v0  }
0xf1: {  	v11 =	vadd.f32 $5.000000000e+00, v50;
	v4 =	vmul.f32 v4, v0;
	v5 =	vmul.f32 v5, v2  }
0xf2: {  	v61 =	vadd.f32 $5.120000080e+01, v13;
	v6 =	vmul.f32 v6, v0;
	v7 =	vmul.f32 v7, v0  }
0xf3: {  	v24 =	vadd.f32 $5.120000080e+01, v14;
	v8 =	vmul.f32 v8, v2;
	v47 =	vmul.f32 v9, v0  }
0xf4: {  	v32 =	vadd.f32 $5.120000080e+01, v15;
	v9 =	vmul.f32 v48, v2;
	v56 =	vmul.f32 v54, v0  }
0xf5: {  	v14 =	vadd.f32 $5.120000080e+01, v33;
	v11 =	vmul.f32 v11, v2;
	v20 =	vmul.f32 v61, v0  }
0xf6: {  	v27 =	vmul.f32 v24, v0;
	v13 =	vmul.f32 v32, v0  }
0xf7: {  	v14 =	vmul.f32 v14, v0;
	v3 =	vtrunc.f32 v3  }
0xf8: {  	v25 =	vld [tilespmem:$0x270];
	v4 =	vtrunc.f32 v4;
	v5 =	vtrunc.f32 v5  }
0xf9: {  	v16 =	vld [tilespmem:$0x330];
	v6 =	vtrunc.f32 v6;
	v7 =	vtrunc.f32 v7  }
0xfa: {  	v46 =	vld [tilespmem:$0x240];
	v43 =	vtrunc.f32 v8;
	v9 =	vtrunc.f32 v9  }
0xfb: {  	v21 =	vld [tilespmem:$0x310];
	v59 =	vtrunc.f32 v11;
	v29 =	vtrunc.f32 v27  }
0xfc: {  	v18 =	vld [tilespmem:$0x350];
	v13 =	vtrunc.f32 v13;
	v3 =	vcvt.f32.s32 v3  }
0xfd: {  	v57 =	vld [tilespmem:$0x3B0];
	v31 =	vadd.f32 $5.120000080e+01, v25;
	v4 =	vcvt.f32.s32 v4;
	v5 =	vcvt.f32.s32 v5  }
0xfe: {  	v39 =	vadd.f32 $5.120000080e+01, v16;
	v41 =	vcvt.f32.s32 v6;
	v42 =	vcvt.f32.s32 v7  }
0xff: {  	v8 =	vadd.f32 $5.120000080e+01, v46;
	v7 =	vcvt.f32.s32 v43;
	v53 =	vcvt.f32.s32 v9  }
0x100: {  	v11 =	vadd.f32 $5.120000080e+01, v21;
	v60 =	vcvt.f32.s32 v59;
	v35 =	vcvt.f32.s32 v13  }
0x101: {  	v18 =	vadd.f32 $5.120000080e+01, v18;
	v43 =	vtrunc.f32 v14;
	v8 =	vmul.f32 v8, v0  }
0x102: {  	v9 =	vadd.f32 $5.000000000e+00, v57;
	v11 =	vmul.f32 v11, v0;
	v13 =	vcvt.f32.s32 v43  }
0x103: {  	v55 =	vld [tilespmem:$0x250];
	v10 =	vor.u32 v3, v4;
	vm1 =	veq.s32 v5, $0x0;
	v3 =	vshll.u32 v3, $0x7  }
0x104: {  	v36 =	vld [tilespmem:$0x3E0];
	v44 =	vor.u32 v41, v42;
	vm2 =	veq.s32 v7, $0x0;
	v5 =	vshll.u32 v41, $0x7  }
0x105: {  	v38 =	vld [tilespmem:$0x290];
	v7 =	vtrunc.f32 v47;
	vm11 =	veq.s32 v53, $0x0;
	vm13 =	veq.s32 v60, $0x0  }
0x106: {  	v9 =	vmul.f32 v9, v2;
	vm0 =	vlt.u32 v10, $0x80;
	v3 =	vadd.s32 v4, v3  }
0x107: {  	vm8 =	vlt.u32 v44, $0x80;
	v4 =	vmul.f32 v45, v0;
	v5 =	vadd.s32 v42, v5  }
0x108: {  	v51 =	vcvt.f32.s32 v7;
	v8 =	vtrunc.f32 v8;
	v10 =	vadd.f32 $5.120000080e+01, v55  }
0x109: {  	v30 =	vtrunc.f32 v11;
	v11 =	vmul.f32 v31, v0;
	v42 =	vadd.f32 $5.000000000e+00, v36  }
0x10a: {  	v44 =	vadd.f32 $5.120000080e+01, v38;
	v8 =	vcvt.f32.s32 v8;
	v9 =	vtrunc.f32 v9  }
0x10b: {  	v23 =	vld [tilespmem:$0x3C0];
	vm0 =	vmand vm0, vm1;
	v4 =	vtrunc.f32 v4;
	v10 =	vmul.f32 v10, v0  }
0x10c: {  	v41 =	vld [tilespmem:$0x3F0];
	vm9 =	vmand vm8, vm2;
	v9 =	vcvt.f32.s32 v9;
	v11 =	vtrunc.f32 v11  }
0x10d: {  	v3 =	vsel vm0, v3, v1;
	v14 =	vmul.f32 v44, v0;
	v52 =	vcvt.f32.s32 v4  }
0x10e: {  	v45 =	vld [tilespmem:$0x2A0];
	v4 =	vsel vm9, v5, v1;
	v5 =	vtrunc.f32 v56;
	v11 =	vcvt.f32.s32 v11  }
0x10f: {  	v19 =	vld [tilespmem:$0x2B0];
	v6 =	vshll.u32 v51, $0x7;
	v58 =	vcvt.f32.s32 v5;
	v22 =	vtrunc.f32 v10  }
0x110: {  	v28 =	vld [tilespmem:$0x3D0];
	vm15 =	veq.s32 v9, $0x0;
	v10 =	vadd.f32 $5.000000000e+00, v23;
	v9 =	vcvt.f32.s32 v30  }
0x111: {  	v16 =	vadd.f32 $5.000000000e+00, v41;
	v14 =	vtrunc.f32 v14;
	v12 =	vor.u32 v51, v52  }
0x112: {  	v6 =	vadd.s32 v52, v6;
	v7 =	vcvt.f32.s32 v22;
	v37 =	vor.u32 v11, v35  }
0x113: {  	v11 =	vshll.u32 v11, $0x7;
	v14 =	vcvt.f32.s32 v14;
	v15 =	vadd.f32 $5.120000080e+01, v45  }
0x114: {  	v51 =	vmul.f32 v18, v0;
	v52 =	vadd.f32 $5.120000080e+01, v19;
	vm10 =	vlt.u32 v12, $0x80  }
0x115: {  	v62 =	vor.u32 v8, v58;
	v10 =	vmul.f32 v10, v2;
	v12 =	vadd.f32 $5.000000000e+00, v28  }
0x116: {  	v16 =	vmul.f32 v16, v2;
	vm0 =	vmand vm10, vm11;
	v15 =	vmul.f32 v15, v0  }
0x117: {  	v54 =	vmul.f32 v52, v0;
	v63 =	vsel vm0, v6, v1;
	v6 =	vtrunc.f32 v20  }
0x118: {  	v8 =	vshll.u32 v8, $0x7;
	v10 =	vtrunc.f32 v10;
	v12 =	vmul.f32 v12, v2  }
0x119: {  	vm6 =	vlt.u32 v37, $0x80;
	v16 =	vtrunc.f32 v16;
	v6 =	vcvt.f32.s32 v6  }
0x11a: {  	vm12 =	vlt.u32 v62, $0x80;
	v10 =	vcvt.f32.s32 v10;
	v47 =	vcvt.f32.s32 v16  }
0x11b: {  	v8 =	vadd.s32 v58, v8;
	v15 =	vtrunc.f32 v15;
	v16 =	vtrunc.f32 v51  }
0x11c: {  	vm0 =	vmand vm12, vm13;
	v56 =	vtrunc.f32 v54;
	v12 =	vtrunc.f32 v12  }
0x11d: {  	v8 =	vsel vm0, v8, v1;
	v15 =	vcvt.f32.s32 v15;
	v53 =	vcvt.f32.s32 v16  }
0x11e: {  	v58 =	vcvt.f32.s32 v56;
	v26 =	vor.u32 v7, v6;
	v7 =	vshll.u32 v7, $0x7  }
0x11f: {  	v40 =	vld [tilespmem:$0x340];
	vm5 =	veq.s32 v10, $0x0;
	v12 =	vcvt.f32.s32 v12;
	v10 =	vadd.s32 v35, v11  }
0x120: {  	v11 =	vmul.f32 v42, v2;
	v6 =	vadd.s32 v6, v7;
	v7 =	vcvt.f32.s32 v29  }
0x121: {  	vm11 =	veq.s32 v47, $0x0;
	vm14 =	vlt.u32 v26, $0x80;
	v57 =	vor.u32 v15, v53  }
0x122: {  	v60 =	vshll.u32 v15, $0x7;
	v34 =	vor.u32 v7, v9;
	v7 =	vshll.u32 v7, $0x7  }
0x123: {  	vm0 =	vmand vm14, vm15;
	v7 =	vadd.s32 v9, v7;
	v9 =	vmul.f32 v39, v0  }
0x124: {  	v46 =	vld [tilespmem:$0x400];
	vm7 =	veq.s32 v12, $0x0;
	v12 =	vadd.f32 $5.120000080e+01, v40;
	v11 =	vtrunc.f32 v11  }
0x125: {  	v48 =	vld [tilespmem:$0x360];
	vm12 =	vlt.u32 v57, $0x80;
	v6 =	vsel vm0, v6, v1;
	v9 =	vtrunc.f32 v9  }
0x126: {  	v50 =	vld [tilespmem:$0x410];
	vm1 =	vmand vm6, vm7;
	v11 =	vcvt.f32.s32 v11;
	v9 =	vcvt.f32.s32 v9  }
0x127: {  	vm4 =	vlt.u32 v34, $0x80;
	v10 =	vsel vm1, v10, v1;
	v12 =	vmul.f32 v12, v0  }
0x128: {  	vm0 =	vmand vm4, vm5;
	vm9 =	veq.s32 v11, $0x0;
	v17 =	vor.u32 v13, v9  }
0x129: {  	v13 =	vshll.u32 v13, $0x7;
	vm8 =	vlt.u32 v17, $0x80;
	v17 =	vadd.f32 $5.000000000e+00, v46  }
0x12a: {  	v12 =	vtrunc.f32 v12;
	v9 =	vadd.s32 v9, v13;
	v13 =	vadd.f32 $5.120000080e+01, v48  }
0x12b: {  	v11 =	vadd.f32 $5.000000000e+00, v50;
	v12 =	vcvt.f32.s32 v12;
	v17 =	vmul.f32 v17, v2  }
0x12c: {  	[tilespmem:$0xAC20] =	vst v6;
	v6 =	vadd.s32 v53, v60;
	v7 =	vsel vm0, v7, v1;
	v13 =	vmul.f32 v13, v0  }
0x12d: {  	[tilespmem:$0xABE0] =	vst v3;
	v11 =	vmul.f32 v11, v2;
	v49 =	vor.u32 v14, v12;
	v3 =	vtrunc.f32 v17  }
0x12e: {  	[tilespmem:$0xABF0] =	vst v4;
	v14 =	vshll.u32 v14, $0x7;
	v13 =	vtrunc.f32 v13;
	v3 =	vcvt.f32.s32 v3  }
0x12f: {  	[tilespmem:$0xAC00] =	vst v63;
	vm10 =	vlt.u32 v49, $0x80;
	v12 =	vadd.s32 v12, v14;
	v59 =	vcvt.f32.s32 v13  }
0x130: {  	[tilespmem:$0xAC10] =	vst v8;
	vm1 =	vmand vm8, vm9;
	vm13 =	veq.s32 v3, $0x0;
	v3 =	vtrunc.f32 v11  }
0x131: {  	[tilespmem:$0xAC40] =	vst v10;
	vm0 =	vmand vm10, vm11;
	v61 =	vor.u32 v58, v59;
	v3 =	vcvt.f32.s32 v3  }
0x132: {  	[tilespmem:$0xAC30] =	vst v7;
	v55 =	vsel vm1, v9, v1;
	v62 =	vsel vm0, v12, v1;
	vm14 =	vlt.u32 v61, $0x80  }
0x133: {  	[tilespmem:$0xAC50] =	vst v55;
	vm1 =	vmand vm12, vm13;
	vm15 =	veq.s32 v3, $0x0;
	v3 =	vshll.u32 v58, $0x7  }
0x134: {  	[tilespmem:$0xAC60] =	vst v62;
	v63 =	vsel vm1, v6, v1;
	vm0 =	vmand vm14, vm15;
	v3 =	vadd.s32 v59, v3  }
0x135: {  	[tilespmem:$0xAC70] =	vst v63;
	v3 =	vsel vm0, v3, v1  }
0x136: {  	[tilespmem:$0xAC80] =	vst v3  }
0x137: {  	[spmem:s1] =	stream.indirect.scatter.add.f32 [tilespmem:s0], [sflag:$0x8], $0x50, s15, s29, $0xb8;
	[tilespmem:$0x1ED90] =	vst v63  }
.LBB2_4:
0x138: {  	s2 =	sadd.s32 $0x30, s24;
	_ =	swait.ge [sflag:s30], $0x3700  }
0x139: {  	[sflag:s30] =	ssyncset.done $0x0;
	p2 =	sgt.u32 s2, $0x587  }
.Ltmp5:
0x13a: {  	[sflag:s30] =	ssyncadd.s32 $0xFFFFC900;
	s2 =	sadd.s32 @!p2 $0xFFFFFEA0, s16;
	(pc) =	sbr.rel @p1 .LBB2_6-.Ltmp5, $4  }
0x13b: {  	s5 =	simm.s32 @!p2 $0xB0;
	s22 =	simm.s32 @!p2 $0x79B00;
	s25 =	simm.s32 @!p2 $0x0  }
0x13c: {  	[tilespmem:s25], [sflag:$0x1] =	stream.strided.gather @!p2 [hbm4b:s2+s5], $0x210, s22, s5, $0x38;
	[tilespmem:$0x1ED90] =	vst v63  }
0x13d: {  	s2 =	simm.s32 @!p2 $0x630  }
0x13e: {  	[tilespmem:s2], [sflag:$0x4] =	stream.linear.gather @!p2 [hbm4b:s20+s25], $0x3700, $0x38;
	[tilespmem:$0x1ED90] =	vst v63  }
0x13f: {  	_ =	swait.ge [sflag:s12], $0x210  }
0x140: {  	[sflag:s12] =	ssyncset.done $0x0  }
0x141: {  	[sflag:s12] =	ssyncadd.s32 $0xFFFFFDF0  }
0x142: {  	_ =	swait.ge [sflag:s17], $0x3700  }
0x143: {  	[sflag:s17] =	ssyncset.done $0x0  }
0x144: {  	[sflag:s17] =	ssyncadd.s32 $0xFFFFC900  }
0x145: {  	v3 =	vld [tilespmem:$0x420]  }
0x146: {  	v4 =	vld [tilespmem:$0x4D0]  }
0x147: {  	v5 =	vld [tilespmem:$0x580]  }
0x148: {  	v6 =	vld [tilespmem:$0x430]  }
0x149: {  	v7 =	vld [tilespmem:$0x4E0]  }
0x14a: {  	v8 =	vld [tilespmem:$0x590]  }
0x14b: {  	v9 =	vld [tilespmem:$0x440]  }
0x14c: {  	v11 =	vld [tilespmem:$0x4F0]  }
0x14d: {  	v40 =	vld [tilespmem:$0x5A0]  }
0x14e: {  	v49 =	vld [tilespmem:$0x500]  }
0x14f: {  	v50 =	vld [tilespmem:$0x5B0];
	v3 =	vadd.f32 $5.120000080e+01, v3;
	v4 =	vadd.f32 $5.120000080e+01, v4  }
0x150: {  	v13 =	vld [tilespmem:$0x510];
	v5 =	vadd.f32 $5.000000000e+00, v5;
	v6 =	vadd.f32 $5.120000080e+01, v6  }
0x151: {  	v14 =	vld [tilespmem:$0x470];
	v7 =	vadd.f32 $5.120000080e+01, v7;
	v8 =	vadd.f32 $5.000000000e+00, v8  }
0x152: {  	v15 =	vld [tilespmem:$0x530];
	v9 =	vadd.f32 $5.120000080e+01, v9;
	v45 =	vadd.f32 $5.120000080e+01, v11  }
0x153: {  	v33 =	vld [tilespmem:$0x490];
	v48 =	vadd.f32 $5.000000000e+00, v40;
	v54 =	vadd.f32 $5.120000080e+01, v49;
	v3 =	vmul.f32 v3, v0  }
0x154: {  	v11 =	vadd.f32 $5.000000000e+00, v50;
	v4 =	vmul.f32 v4, v0;
	v5 =	vmul.f32 v5, v2  }
0x155: {  	v61 =	vadd.f32 $5.120000080e+01, v13;
	v6 =	vmul.f32 v6, v0;
	v7 =	vmul.f32 v7, v0  }
0x156: {  	v24 =	vadd.f32 $5.120000080e+01, v14;
	v8 =	vmul.f32 v8, v2;
	v47 =	vmul.f32 v9, v0  }
0x157: {  	v32 =	vadd.f32 $5.120000080e+01, v15;
	v9 =	vmul.f32 v48, v2;
	v56 =	vmul.f32 v54, v0  }
0x158: {  	v14 =	vadd.f32 $5.120000080e+01, v33;
	v11 =	vmul.f32 v11, v2;
	v20 =	vmul.f32 v61, v0  }
0x159: {  	v27 =	vmul.f32 v24, v0;
	v13 =	vmul.f32 v32, v0  }
0x15a: {  	v14 =	vmul.f32 v14, v0;
	v3 =	vtrunc.f32 v3  }
0x15b: {  	v25 =	vld [tilespmem:$0x480];
	v4 =	vtrunc.f32 v4;
	v5 =	vtrunc.f32 v5  }
0x15c: {  	v16 =	vld [tilespmem:$0x540];
	v6 =	vtrunc.f32 v6;
	v7 =	vtrunc.f32 v7  }
0x15d: {  	v46 =	vld [tilespmem:$0x450];
	v43 =	vtrunc.f32 v8;
	v9 =	vtrunc.f32 v9  }
0x15e: {  	v21 =	vld [tilespmem:$0x520];
	v59 =	vtrunc.f32 v11;
	v29 =	vtrunc.f32 v27  }
0x15f: {  	v18 =	vld [tilespmem:$0x560];
	v13 =	vtrunc.f32 v13;
	v3 =	vcvt.f32.s32 v3  }
0x160: {  	v57 =	vld [tilespmem:$0x5C0];
	v31 =	vadd.f32 $5.120000080e+01, v25;
	v4 =	vcvt.f32.s32 v4;
	v5 =	vcvt.f32.s32 v5  }
0x161: {  	v39 =	vadd.f32 $5.120000080e+01, v16;
	v41 =	vcvt.f32.s32 v6;
	v42 =	vcvt.f32.s32 v7  }
0x162: {  	v8 =	vadd.f32 $5.120000080e+01, v46;
	v7 =	vcvt.f32.s32 v43;
	v53 =	vcvt.f32.s32 v9  }
0x163: {  	v11 =	vadd.f32 $5.120000080e+01, v21;
	v60 =	vcvt.f32.s32 v59;
	v35 =	vcvt.f32.s32 v13  }
0x164: {  	v18 =	vadd.f32 $5.120000080e+01, v18;
	v43 =	vtrunc.f32 v14;
	v8 =	vmul.f32 v8, v0  }
0x165: {  	v9 =	vadd.f32 $5.000000000e+00, v57;
	v11 =	vmul.f32 v11, v0;
	v13 =	vcvt.f32.s32 v43  }
0x166: {  	v55 =	vld [tilespmem:$0x460];
	v10 =	vor.u32 v3, v4;
	vm1 =	veq.s32 v5, $0x0;
	v3 =	vshll.u32 v3, $0x7  }
0x167: {  	v36 =	vld [tilespmem:$0x5F0];
	v44 =	vor.u32 v41, v42;
	vm2 =	veq.s32 v7, $0x0;
	v5 =	vshll.u32 v41, $0x7  }
0x168: {  	v38 =	vld [tilespmem:$0x4A0];
	v7 =	vtrunc.f32 v47;
	vm11 =	veq.s32 v53, $0x0;
	vm13 =	veq.s32 v60, $0x0  }
0x169: {  	v9 =	vmul.f32 v9, v2;
	vm0 =	vlt.u32 v10, $0x80;
	v3 =	vadd.s32 v4, v3  }
0x16a: {  	vm8 =	vlt.u32 v44, $0x80;
	v4 =	vmul.f32 v45, v0;
	v5 =	vadd.s32 v42, v5  }
0x16b: {  	v51 =	vcvt.f32.s32 v7;
	v8 =	vtrunc.f32 v8;
	v10 =	vadd.f32 $5.120000080e+01, v55  }
0x16c: {  	v30 =	vtrunc.f32 v11;
	v11 =	vmul.f32 v31, v0;
	v42 =	vadd.f32 $5.000000000e+00, v36  }
0x16d: {  	v44 =	vadd.f32 $5.120000080e+01, v38;
	v8 =	vcvt.f32.s32 v8;
	v9 =	vtrunc.f32 v9  }
0x16e: {  	v23 =	vld [tilespmem:$0x5D0];
	vm0 =	vmand vm0, vm1;
	v4 =	vtrunc.f32 v4;
	v10 =	vmul.f32 v10, v0  }
0x16f: {  	v41 =	vld [tilespmem:$0x600];
	vm9 =	vmand vm8, vm2;
	v9 =	vcvt.f32.s32 v9;
	v11 =	vtrunc.f32 v11  }
0x170: {  	v3 =	vsel vm0, v3, v1;
	v14 =	vmul.f32 v44, v0;
	v52 =	vcvt.f32.s32 v4  }
0x171: {  	v45 =	vld [tilespmem:$0x4B0];
	v4 =	vsel vm9, v5, v1;
	v5 =	vtrunc.f32 v56;
	v11 =	vcvt.f32.s32 v11  }
0x172: {  	v19 =	vld [tilespmem:$0x4C0];
	v6 =	vshll.u32 v51, $0x7;
	v58 =	vcvt.f32.s32 v5;
	v22 =	vtrunc.f32 v10  }
0x173: {  	v28 =	vld [tilespmem:$0x5E0];
	vm15 =	veq.s32 v9, $0x0;
	v10 =	vadd.f32 $5.000000000e+00, v23;
	v9 =	vcvt.f32.s32 v30  }
0x174: {  	v16 =	vadd.f32 $5.000000000e+00, v41;
	v14 =	vtrunc.f32 v14;
	v12 =	vor.u32 v51, v52  }
0x175: {  	v6 =	vadd.s32 v52, v6;
	v7 =	vcvt.f32.s32 v22;
	v37 =	vor.u32 v11, v35  }
0x176: {  	v11 =	vshll.u32 v11, $0x7;
	v14 =	vcvt.f32.s32 v14;
	v15 =	vadd.f32 $5.120000080e+01, v45  }
0x177: {  	v51 =	vmul.f32 v18, v0;
	v52 =	vadd.f32 $5.120000080e+01, v19;
	vm10 =	vlt.u32 v12, $0x80  }
0x178: {  	v62 =	vor.u32 v8, v58;
	v10 =	vmul.f32 v10, v2;
	v12 =	vadd.f32 $5.000000000e+00, v28  }
0x179: {  	v16 =	vmul.f32 v16, v2;
	vm0 =	vmand vm10, vm11;
	v15 =	vmul.f32 v15, v0  }
0x17a: {  	v54 =	vmul.f32 v52, v0;
	v63 =	vsel vm0, v6, v1;
	v6 =	vtrunc.f32 v20  }
0x17b: {  	v8 =	vshll.u32 v8, $0x7;
	v10 =	vtrunc.f32 v10;
	v12 =	vmul.f32 v12, v2  }
0x17c: {  	vm6 =	vlt.u32 v37, $0x80;
	v16 =	vtrunc.f32 v16;
	v6 =	vcvt.f32.s32 v6  }
0x17d: {  	vm12 =	vlt.u32 v62, $0x80;
	v10 =	vcvt.f32.s32 v10;
	v47 =	vcvt.f32.s32 v16  }
0x17e: {  	v8 =	vadd.s32 v58, v8;
	v15 =	vtrunc.f32 v15;
	v16 =	vtrunc.f32 v51  }
0x17f: {  	vm0 =	vmand vm12, vm13;
	v56 =	vtrunc.f32 v54;
	v12 =	vtrunc.f32 v12  }
0x180: {  	v8 =	vsel vm0, v8, v1;
	v15 =	vcvt.f32.s32 v15;
	v53 =	vcvt.f32.s32 v16  }
0x181: {  	v58 =	vcvt.f32.s32 v56;
	v26 =	vor.u32 v7, v6;
	v7 =	vshll.u32 v7, $0x7  }
0x182: {  	v40 =	vld [tilespmem:$0x550];
	vm5 =	veq.s32 v10, $0x0;
	v12 =	vcvt.f32.s32 v12;
	v10 =	vadd.s32 v35, v11  }
0x183: {  	v11 =	vmul.f32 v42, v2;
	v6 =	vadd.s32 v6, v7;
	v7 =	vcvt.f32.s32 v29  }
0x184: {  	vm11 =	veq.s32 v47, $0x0;
	vm14 =	vlt.u32 v26, $0x80;
	v57 =	vor.u32 v15, v53  }
0x185: {  	v60 =	vshll.u32 v15, $0x7;
	v34 =	vor.u32 v7, v9;
	v7 =	vshll.u32 v7, $0x7  }
0x186: {  	vm0 =	vmand vm14, vm15;
	v7 =	vadd.s32 v9, v7;
	v9 =	vmul.f32 v39, v0  }
0x187: {  	v46 =	vld [tilespmem:$0x610];
	vm7 =	veq.s32 v12, $0x0;
	v12 =	vadd.f32 $5.120000080e+01, v40;
	v11 =	vtrunc.f32 v11  }
0x188: {  	v48 =	vld [tilespmem:$0x570];
	vm12 =	vlt.u32 v57, $0x80;
	v6 =	vsel vm0, v6, v1;
	v9 =	vtrunc.f32 v9  }
0x189: {  	v50 =	vld [tilespmem:$0x620];
	vm1 =	vmand vm6, vm7;
	v11 =	vcvt.f32.s32 v11;
	v9 =	vcvt.f32.s32 v9  }
0x18a: {  	vm4 =	vlt.u32 v34, $0x80;
	v10 =	vsel vm1, v10, v1;
	v12 =	vmul.f32 v12, v0  }
0x18b: {  	vm0 =	vmand vm4, vm5;
	vm9 =	veq.s32 v11, $0x0;
	v17 =	vor.u32 v13, v9  }
0x18c: {  	v13 =	vshll.u32 v13, $0x7;
	vm8 =	vlt.u32 v17, $0x80;
	v17 =	vadd.f32 $5.000000000e+00, v46  }
0x18d: {  	v12 =	vtrunc.f32 v12;
	v9 =	vadd.s32 v9, v13;
	v13 =	vadd.f32 $5.120000080e+01, v48  }
0x18e: {  	v11 =	vadd.f32 $5.000000000e+00, v50;
	v12 =	vcvt.f32.s32 v12;
	v17 =	vmul.f32 v17, v2  }
0x18f: {  	[tilespmem:$0xACD0] =	vst v6;
	v6 =	vadd.s32 v53, v60;
	v7 =	vsel vm0, v7, v1;
	v13 =	vmul.f32 v13, v0  }
0x190: {  	[tilespmem:$0xAC90] =	vst v3;
	v11 =	vmul.f32 v11, v2;
	v49 =	vor.u32 v14, v12;
	v3 =	vtrunc.f32 v17  }
0x191: {  	[tilespmem:$0xACA0] =	vst v4;
	v14 =	vshll.u32 v14, $0x7;
	v13 =	vtrunc.f32 v13;
	v3 =	vcvt.f32.s32 v3  }
0x192: {  	[tilespmem:$0xACB0] =	vst v63;
	vm10 =	vlt.u32 v49, $0x80;
	v12 =	vadd.s32 v12, v14;
	v59 =	vcvt.f32.s32 v13  }
0x193: {  	[tilespmem:$0xACC0] =	vst v8;
	vm1 =	vmand vm8, vm9;
	vm13 =	veq.s32 v3, $0x0;
	v3 =	vtrunc.f32 v11  }
0x194: {  	[tilespmem:$0xACF0] =	vst v10;
	vm0 =	vmand vm10, vm11;
	v61 =	vor.u32 v58, v59;
	v3 =	vcvt.f32.s32 v3  }
0x195: {  	[tilespmem:$0xACE0] =	vst v7;
	v55 =	vsel vm1, v9, v1;
	v62 =	vsel vm0, v12, v1;
	vm14 =	vlt.u32 v61, $0x80  }
.Ltmp6:
0x196: {  	[tilespmem:$0xAD00] =	vst v55;
	vm1 =	vmand vm12, vm13;
	vm15 =	veq.s32 v3, $0x0;
	v3 =	vshll.u32 v58, $0x7;
	(pc) =	sbr.rel .LBB2_6-.Ltmp6, $4  }
0x197: {  	[tilespmem:$0xAD10] =	vst v62;
	v63 =	vsel vm1, v6, v1;
	vm0 =	vmand vm14, vm15;
	v3 =	vadd.s32 v59, v3  }
0x198: {  	[tilespmem:$0xAD20] =	vst v63;
	v3 =	vsel vm0, v3, v1  }
0x199: {  	[tilespmem:$0xAD30] =	vst v3  }
0x19a: {  	[spmem:s1] =	stream.indirect.scatter.add.f32 [tilespmem:s18], [sflag:$0x9], $0x50, s13, s29, $0xb8;
	[tilespmem:$0x1ED90] =	vst v63  }
.LBB2_8:
0x19b: {  	_ =	sfence.sel $0x180000  }
0x19c: {  	[bflag:$0x0] =	sbarrier.arrive $0xFFFF  }
0x19d: {  	_ =	strace $0x90000047  }
0x19e: {  	[bflag:$0x2] =	sbarrier.arrive $0xFFFF  }
0x19f: {  	p0 =	sne.s32 s3, $0x0;
	s0 =	rddreg [dreg:$0x3]  }
0x1a0: {  	s0 =	sadd.s32 @!p0 $0x100000, s0  }
0x1a1: {  	[sflag:s0] =	ssyncadd.tile.s32 @!p0 $0x1;
	_ =	shalt  }
.Lfunc_end2:
_tile_overlayer_lowered:
.L_overlay_start_2:
0x1a2: {  	(tag) =	ssettag $0x2  }
0x1a3: {  	s0 =	rddreg [dreg:$0x0];
	s2 =	stileid.u32  }
0x1a4: {  	s1 =	rddreg [dreg:$0x1];
	p0 =	sne.s32 s2, $0x0  }
0x1a5: {  	s3 =	rddreg [dreg:$0x2];
	[bflag:$0x3] =	sbarrier.arrive $0xFFFF;
	s2 =	simm.s32 @!p0 $0x1C0A  }
0x1a6: {  	[timem:s3], [sflag:s2] =	dma.local @!p0 [hbm:s0], s1  }
0x1a7: {  	s0 =	simm.s32 @!p0 $0xA  }
0x1a8: {  	_ =	swait.ge @!p0 [sflag:s0], s1  }
0x1a9: {  	s1 =	ssub.s32 @!p0 $0x0, s1;
	[sflag:s0] =	ssyncset.done @!p0 $0x0  }
0x1aa: {  	[sflag:s0] =	ssyncadd.s32 @!p0 s1  }
0x1ab: {  	[bflag:$0x3] =	sbarrier.arrive $0xFFFF  }
0x1ac: {  	_ =	shalt  }

</sc_bundles>
